<compile_context>
chip_gen: v7x
topology: tpu7x:2x2x1
jax: 0.10.2.dev20260603
libtpu: 0.0.44.dev20260713+nightly
codegen_flags: <defaults>
</compile_context>

<pallas_src>
import functools

import jax
import jax.numpy as jnp
from jax import lax
from jax.experimental import pallas as pl
from jax.experimental.pallas import tpu as pltpu
from jax.experimental.pallas import tpu_sc as plsc

NC = 2
NS = 16
LANES = 16
NW = NC * NS
CH = 128
PIPE = 2


def _make_sc_agg(np_, d, nch, want_deg):
    rt = np_ // NS
    assert rt % CH == 0

    mesh = plsc.VectorSubcoreMesh(core_axis_name="c", subcore_axis_name="s",
                                  num_cores=NC, num_subcores=NS)
    out_type = [jax.ShapeDtypeStruct((np_, d), jnp.float32)
                for _ in range(NC)]
    if want_deg:
        out_type.append(jax.ShapeDtypeStruct((NW, np_), jnp.float32))
    scratch = [
        pltpu.VMEM((CH,), jnp.int32),
        pltpu.VMEM((1, CH), jnp.int32),
        pltpu.VMEM((CH, d), jnp.float32),
        pltpu.VMEM_SHARED((np_, d), jnp.float32),
        pltpu.SemaphoreType.DMA,
    ]
    if want_deg:
        scratch.append(pltpu.VMEM((np_,), jnp.float32))

    def body(h_hbm, src_hbm, dst_hbm, zrows_hbm, *refs):
        refs = list(refs)
        if want_deg:
            zdeg_hbm = refs[0]
            agg_outs = refs[1:1 + NC]
            deg_out = refs[1 + NC]
            src_v, dst_v, rows_v, acc, sem, degloc = refs[2 + NC:]
        else:
            agg_outs = refs[0:NC]
            src_v, dst_v, rows_v, acc, sem = refs[NC:]

        c = lax.axis_index("c")
        s = lax.axis_index("s")
        wid = s * NC + c

        pltpu.sync_copy(zrows_hbm, rows_v)
        for kk in range(rt // CH):
            base = s * rt + kk * CH
            pltpu.sync_copy(rows_v, acc.at[pl.ds(base, CH)])
        if want_deg:
            pltpu.sync_copy(zdeg_hbm, degloc)
        plsc.subcore_barrier()

        ebase = wid * nch * CH
        ones_vec = jnp.ones((LANES,), jnp.float32)

        @pl.loop(0, nch)
        def edge_chunk(j):
            eb = pl.multiple_of(ebase + j * CH, CH)
            pltpu.sync_copy(src_hbm.at[pl.ds(eb, CH)], src_v)
            pltpu.sync_copy(dst_hbm.at[pl.ds(eb, CH)], dst_v.at[0])
            pltpu.async_copy(h_hbm.at[src_v], rows_v, sem).wait()
            pltpu.sync_copy(rows_v, acc.at[dst_v.at[0]], add=True)
            if want_deg:
                for kk in range(CH // LANES):
                    idx = dst_v[0, pl.ds(kk * LANES, LANES)]
                    plsc.addupdate_scatter(degloc, [idx], ones_vec)

        plsc.subcore_barrier()

        if want_deg:
            pltpu.sync_copy(degloc, deg_out.at[wid])

        for kk in range(rt // CH):
            base = s * rt + kk * CH
            pltpu.sync_copy(acc.at[pl.ds(base, CH)], rows_v)
            for cc in range(NC):
                @pl.when(c == cc)
                def _(cc=cc):
                    pltpu.sync_copy(rows_v, agg_outs[cc].at[pl.ds(base, CH)])

    return pl.kernel(body, out_type=out_type, mesh=mesh,
                     scratch_types=scratch,
                     compiler_params=pltpu.CompilerParams(
                         needs_layout_passes=False))


def _tc_layer(agg0, agg1, degp, h, wl, wr, b, br=1024):
    np_, d = h.shape

    def body(a0_ref, a1_ref, dg_ref, h_ref, wl_ref, wr_ref, b_ref,
             out_ref):
        a = a0_ref[...] + a1_ref[...]
        dg = jnp.sum(dg_ref[...], axis=0)[:, None]
        mean = a / jnp.maximum(dg, 1.0)
        acc = jnp.dot(mean, wl_ref[...], preferred_element_type=jnp.float32)
        acc += jnp.dot(h_ref[...], wr_ref[...],
                       preferred_element_type=jnp.float32)
        out_ref[...] = jnp.maximum(acc + b_ref[...], 0.0)

    return pl.pallas_call(
        body,
        grid=(np_ // br,),
        in_specs=[
            pl.BlockSpec((br, d), lambda i: (i, 0)),
            pl.BlockSpec((br, d), lambda i: (i, 0)),
            pl.BlockSpec((NW, br), lambda i: (0, i)),
            pl.BlockSpec((br, d), lambda i: (i, 0)),
            pl.BlockSpec((d, d), lambda i: (0, 0)),
            pl.BlockSpec((d, d), lambda i: (0, 0)),
            pl.BlockSpec((1, d), lambda i: (0, 0)),
        ],
        out_specs=pl.BlockSpec((br, d), lambda i: (i, 0)),
        out_shape=jax.ShapeDtypeStruct((np_, d), jnp.float32),
    )(agg0, agg1, degp, h, wl, wr, b)


def _tc_pool_mlp(h, batch_r, w1, b1, w2, b2, g, br=1024):
    np_, d = h.shape
    c = w2.shape[1]
    nblk = np_ // br

    def body(h_ref, batch_ref, w1_ref, b1_ref, w2_ref, b2_ref, out_ref,
             acc, cnt):
        i = pl.program_id(0)

        @pl.when(i == 0)
        def _():
            acc[...] = jnp.zeros_like(acc)
            cnt[...] = jnp.zeros_like(cnt)

        bt = batch_ref[0, 0, :]
        gid = lax.broadcasted_iota(jnp.int32, (g, br), 0)
        oh = (gid == bt[None, :]).astype(jnp.float32)
        acc[...] += jnp.dot(oh, h_ref[...],
                            preferred_element_type=jnp.float32)
        cnt[...] += jnp.sum(oh, axis=1, keepdims=True)

        @pl.when(i == nblk - 1)
        def _():
            pooled = acc[...] / jnp.maximum(cnt[...], 1.0)
            h2 = jnp.maximum(
                jnp.dot(pooled, w1_ref[...],
                        preferred_element_type=jnp.float32) + b1_ref[...],
                0.0)
            logits = jnp.dot(h2, w2_ref[...],
                             preferred_element_type=jnp.float32) + b2_ref[...]
            m = jnp.max(logits, axis=-1, keepdims=True)
            lse = jnp.log(jnp.sum(jnp.exp(logits - m), axis=-1,
                                  keepdims=True)) + m
            out_ref[...] = logits - lse

    return pl.pallas_call(
        body,
        grid=(nblk,),
        in_specs=[
            pl.BlockSpec((br, d), lambda i: (i, 0)),
            pl.BlockSpec((1, 1, br), lambda i: (i, 0, 0)),
            pl.BlockSpec((d, d), lambda i: (0, 0)),
            pl.BlockSpec((1, d), lambda i: (0, 0)),
            pl.BlockSpec((d, c), lambda i: (0, 0)),
            pl.BlockSpec((1, c), lambda i: (0, 0)),
        ],
        out_specs=pl.BlockSpec((g, c), lambda i: (0, 0)),
        out_shape=jax.ShapeDtypeStruct((g, c), jnp.float32),
        scratch_shapes=[
            pltpu.VMEM((g, d), jnp.float32),
            pltpu.VMEM((g, 1), jnp.float32),
        ],
    )(h, batch_r, w1, b1, w2, b2)


def kernel(x, edge_index, batch, Wl1, Wr1, b1, Wl2, Wr2, b2, Wl3, Wr3, b3,
           W_lin1, b_lin1, W_lin2, b_lin2):
    n, d = x.shape
    e = edge_index.shape[1]
    g = 64

    np_ = ((n + NS * CH - 1) // (NS * CH)) * (NS * CH)
    xp = jnp.zeros((np_, d), jnp.float32).at[:n].set(x)

    nch = (e + NW * CH - 1) // (NW * CH)
    ep = NW * nch * CH
    src = jnp.concatenate(
        [edge_index[0], jnp.zeros((ep - e,), jnp.int32)])
    dst = jnp.concatenate(
        [edge_index[1], jnp.full((ep - e,), n, jnp.int32)])

    batch_r = jnp.concatenate(
        [batch, jnp.full((np_ - n,), g, jnp.int32)]).reshape(np_ // 1024, 1,
                                                             1024)

    b1r = b1.reshape(1, -1)
    b2r = b2.reshape(1, -1)
    b3r = b3.reshape(1, -1)
    bl1 = b_lin1.reshape(1, -1)
    bl2 = b_lin2.reshape(1, -1)

    zrows = jnp.zeros((CH, d), jnp.float32)
    zdeg = jnp.zeros((np_,), jnp.float32)

    sc_first = _make_sc_agg(np_, d, nch, want_deg=True)
    sc_rest = _make_sc_agg(np_, d, nch, want_deg=False)

    agg0, agg1, degp = sc_first(xp, src, dst, zrows, zdeg)
    h = _tc_layer(agg0, agg1, degp, xp, Wl1, Wr1, b1r)
    agg0, agg1 = sc_rest(h, src, dst, zrows)
    h = _tc_layer(agg0, agg1, degp, h, Wl2, Wr2, b2r)
    agg0, agg1 = sc_rest(h, src, dst, zrows)
    h = _tc_layer(agg0, agg1, degp, h, Wl3, Wr3, b3r)

    return _tc_pool_mlp(h, batch_r, W_lin1, bl1, W_lin2, bl2, g)

# --- scband reference (transcript-rebuilt; emitter-appended) ---
"""Pipeline reference for scband-graph-sage-16192026706591 (READ-ONLY COPY).

The authoritative reference and input builder live on the scoring server;
editing this copy changes nothing except your own understanding.
"""

import jax, jax.numpy as jnp
import numpy as np

N = 10000
E = 320000
D = 128
H = 128
C = 64
G = 64


def setup_inputs(seed: int = 0) -> dict:
    key = jax.random.key(seed)
    ks = jax.random.split(key, 20)
    x = jax.random.normal(ks[0], (N, D), dtype=jnp.float32)
    edge_index = jax.random.randint(ks[1], (2, E), 0, N, dtype=jnp.int32)
    batch = jnp.sort(jax.random.randint(ks[2], (N,), 0, G, dtype=jnp.int32))
    def lin(k, fan_in, fan_out):
        s = 1.0 / np.sqrt(fan_in)
        return jax.random.uniform(k, (fan_in, fan_out), jnp.float32, -s, s)
    inp = {
        'x': x,
        'edge_index': edge_index,
        'batch': batch,
        'Wl1': lin(ks[3], D, H), 'Wr1': lin(ks[4], D, H), 'b1': jnp.zeros((H,), jnp.float32),
        'Wl2': lin(ks[5], H, H), 'Wr2': lin(ks[6], H, H), 'b2': jnp.zeros((H,), jnp.float32),
        'Wl3': lin(ks[7], H, H), 'Wr3': lin(ks[8], H, H), 'b3': jnp.zeros((H,), jnp.float32),
        'W_lin1': lin(ks[9], H, H), 'b_lin1': jnp.zeros((H,), jnp.float32),
        'W_lin2': lin(ks[10], H, C), 'b_lin2': jnp.zeros((C,), jnp.float32),
    }
    return inp


def _sage_conv(x, edge_index, Wl, Wr, b, num_nodes):
    # PyG SAGEConv (mean aggregation): out = lin_l(mean_j x_j) + lin_r(x)
    src = edge_index[0]
    dst = edge_index[1]
    msg = jnp.take(x, src, axis=0)
    agg = jax.ops.segment_sum(msg, dst, num_segments=num_nodes)
    deg = jax.ops.segment_sum(jnp.ones((msg.shape[0], 1), x.dtype), dst, num_segments=num_nodes)
    mean = agg / jnp.clip(deg, 1.0)
    return mean @ Wl + b + x @ Wr


def reference(x, edge_index, batch, Wl1, Wr1, b1, Wl2, Wr2, b2, Wl3, Wr3, b3, W_lin1, b_lin1, W_lin2, b_lin2):
    n = x.shape[0]
    h = jax.nn.relu(_sage_conv(x, edge_index, Wl1, Wr1, b1, n))
    h = jax.nn.relu(_sage_conv(h, edge_index, Wl2, Wr2, b2, n))
    h = jax.nn.relu(_sage_conv(h, edge_index, Wl3, Wr3, b3, n))
    # global mean pool over graphs
    summed = jax.ops.segment_sum(h, batch, num_segments=G)
    counts = jax.ops.segment_sum(jnp.ones((n, 1), h.dtype), batch, num_segments=G)
    pooled = summed / jnp.clip(counts, 1.0)
    h2 = jax.nn.relu(pooled @ W_lin1 + b_lin1)
    # dropout is identity in eval mode
    logits = h2 @ W_lin2 + b_lin2
    return jax.nn.log_softmax(logits, axis=-1)

if __name__ == "__main__":
    import jax
    _d = setup_inputs()
    print(jax.jit(kernel)(*tuple(_d.values())))

</pallas_src>

<mosaic_0001>
#map = affine_map<(d0, d1) -> (0, 0)>
#map1 = affine_map<(d0, d1) -> (0)>
module attributes {stable_mosaic.version = 14 : i64} {
  func.func @body(%arg0: i32, %arg1: i32, %arg2: memref<10240x128xf32, #tpu.memory_space<hbm>>, %arg3: memref<323584xi32, #tpu.memory_space<hbm>>, %arg4: memref<323584xi32, #tpu.memory_space<hbm>>, %arg5: memref<128x128xf32, #tpu.memory_space<hbm>>, %arg6: memref<10240x128xf32, #tpu.memory_space<hbm>>, %arg7: memref<10240x128xf32, #tpu.memory_space<hbm>>, %arg8: memref<128xi32, #tpu.memory_space<vmem>>, %arg9: memref<1x128xi32, #tpu.memory_space<vmem>>, %arg10: memref<128x128xf32, #tpu.memory_space<vmem>>, %arg11: memref<10240x128xf32, #tpu.memory_space<vmem_shared>>, %arg12: memref<!tpu.dma_semaphore, #tpu.memory_space<semaphore_mem>>) attributes {dimension_semantics = [#tpu.dimension_semantics<core_parallel>, #tpu.dimension_semantics<subcore_parallel>], iteration_bounds = array<i64: 2, 16>, scalar_prefetch = 0 : i64, scratch_operands = 5 : i64, tpu.core_type = #tpu.core_type<sc_vector_subcore>, window_params = [{transform_indices = #map}, {transform_indices = #map1}, {transform_indices = #map1}, {transform_indices = #map}, {transform_indices = #map}, {transform_indices = #map}]} {
    %mul3A = arith.constant 2 : i32
    %mul3A_0 = arith.muli %arg1, %mul3A : i32
    %add3A = arith.addi %mul3A_0, %arg0 : i32
    "tpu.region"() ({
      %run_scoped3A = tpu.sem_alloc : memref<!tpu.dma_semaphore, #tpu.memory_space<semaphore_mem>>
      tpu.enqueue_dma source(%arg5 : memref<128x128xf32, #tpu.memory_space<hbm>>) target(%arg10 : memref<128x128xf32, #tpu.memory_space<vmem>>) target_semaphore(%run_scoped3A : memref<!tpu.dma_semaphore, #tpu.memory_space<semaphore_mem>>)
      tpu.wait_dma2 semaphore(%run_scoped3A : memref<!tpu.dma_semaphore, #tpu.memory_space<semaphore_mem>>) src(%arg5 : memref<128x128xf32, #tpu.memory_space<hbm>>) dst(%arg10 : memref<128x128xf32, #tpu.memory_space<vmem>>)
      tpu.yield
    }) : () -> ()
    %mul3A_1 = arith.constant 640 : i32
    %mul3A_2 = arith.muli %arg1, %mul3A_1 : i32
    %add3A_3 = arith.constant 0 : i32
    %add3A_4 = arith.addi %mul3A_2, %add3A_3 : i32
    "tpu.region"() ({
      %run_scoped3A = tpu.sem_alloc : memref<!tpu.dma_semaphore, #tpu.memory_space<semaphore_mem>>
      %dma_start3A = arith.constant 0 : i32
      %dma_start3A_98 = tpu.memref_slice %arg11[%add3A_4, %dma_start3A] : memref<10240x128xf32, #tpu.memory_space<vmem_shared>> -> memref<128x128xf32, #tpu.memory_space<vmem_shared>>
      %dma_start3A_99 = arith.constant 0 : i32
      %dma_start3A_100 = tpu.memref_slice %arg11[%add3A_4, %dma_start3A_99] : memref<10240x128xf32, #tpu.memory_space<vmem_shared>> -> memref<128x128xf32, #tpu.memory_space<vmem_shared>>
      tpu.enqueue_dma source(%arg10 : memref<128x128xf32, #tpu.memory_space<vmem>>) target(%dma_start3A_100 : memref<128x128xf32, #tpu.memory_space<vmem_shared>>) target_semaphore(%run_scoped3A : memref<!tpu.dma_semaphore, #tpu.memory_space<semaphore_mem>>)
      %dma_wait3A = arith.constant 0 : i32
      %dma_wait3A_101 = tpu.memref_slice %arg11[%add3A_4, %dma_wait3A] : memref<10240x128xf32, #tpu.memory_space<vmem_shared>> -> memref<128x128xf32, #tpu.memory_space<vmem_shared>>
      %dma_wait3A_102 = arith.constant 0 : i32
      %dma_wait3A_103 = tpu.memref_slice %arg11[%add3A_4, %dma_wait3A_102] : memref<10240x128xf32, #tpu.memory_space<vmem_shared>> -> memref<128x128xf32, #tpu.memory_space<vmem_shared>>
      tpu.wait_dma2 semaphore(%run_scoped3A : memref<!tpu.dma_semaphore, #tpu.memory_space<semaphore_mem>>) src(%arg10 : memref<128x128xf32, #tpu.memory_space<vmem>>) dst(%dma_wait3A_103 : memref<128x128xf32, #tpu.memory_space<vmem_shared>>)
      tpu.yield
    }) : () -> ()
    %mul3A_5 = arith.constant 640 : i32
    %mul3A_6 = arith.muli %arg1, %mul3A_5 : i32
    %add3A_7 = arith.constant 128 : i32
    %add3A_8 = arith.addi %mul3A_6, %add3A_7 : i32
    "tpu.region"() ({
      %run_scoped3A = tpu.sem_alloc : memref<!tpu.dma_semaphore, #tpu.memory_space<semaphore_mem>>
      %dma_start3A = arith.constant 0 : i32
      %dma_start3A_98 = tpu.memref_slice %arg11[%add3A_8, %dma_start3A] : memref<10240x128xf32, #tpu.memory_space<vmem_shared>> -> memref<128x128xf32, #tpu.memory_space<vmem_shared>>
      %dma_start3A_99 = arith.constant 0 : i32
      %dma_start3A_100 = tpu.memref_slice %arg11[%add3A_8, %dma_start3A_99] : memref<10240x128xf32, #tpu.memory_space<vmem_shared>> -> memref<128x128xf32, #tpu.memory_space<vmem_shared>>
      tpu.enqueue_dma source(%arg10 : memref<128x128xf32, #tpu.memory_space<vmem>>) target(%dma_start3A_100 : memref<128x128xf32, #tpu.memory_space<vmem_shared>>) target_semaphore(%run_scoped3A : memref<!tpu.dma_semaphore, #tpu.memory_space<semaphore_mem>>)
      %dma_wait3A = arith.constant 0 : i32
      %dma_wait3A_101 = tpu.memref_slice %arg11[%add3A_8, %dma_wait3A] : memref<10240x128xf32, #tpu.memory_space<vmem_shared>> -> memref<128x128xf32, #tpu.memory_space<vmem_shared>>
      %dma_wait3A_102 = arith.constant 0 : i32
      %dma_wait3A_103 = tpu.memref_slice %arg11[%add3A_8, %dma_wait3A_102] : memref<10240x128xf32, #tpu.memory_space<vmem_shared>> -> memref<128x128xf32, #tpu.memory_space<vmem_shared>>
      tpu.wait_dma2 semaphore(%run_scoped3A : memref<!tpu.dma_semaphore, #tpu.memory_space<semaphore_mem>>) src(%arg10 : memref<128x128xf32, #tpu.memory_space<vmem>>) dst(%dma_wait3A_103 : memref<128x128xf32, #tpu.memory_space<vmem_shared>>)
      tpu.yield
    }) : () -> ()
    %mul3A_9 = arith.constant 640 : i32
    %mul3A_10 = arith.muli %arg1, %mul3A_9 : i32
    %add3A_11 = arith.constant 256 : i32
    %add3A_12 = arith.addi %mul3A_10, %add3A_11 : i32
    "tpu.region"() ({
      %run_scoped3A = tpu.sem_alloc : memref<!tpu.dma_semaphore, #tpu.memory_space<semaphore_mem>>
      %dma_start3A = arith.constant 0 : i32
      %dma_start3A_98 = tpu.memref_slice %arg11[%add3A_12, %dma_start3A] : memref<10240x128xf32, #tpu.memory_space<vmem_shared>> -> memref<128x128xf32, #tpu.memory_space<vmem_shared>>
      %dma_start3A_99 = arith.constant 0 : i32
      %dma_start3A_100 = tpu.memref_slice %arg11[%add3A_12, %dma_start3A_99] : memref<10240x128xf32, #tpu.memory_space<vmem_shared>> -> memref<128x128xf32, #tpu.memory_space<vmem_shared>>
      tpu.enqueue_dma source(%arg10 : memref<128x128xf32, #tpu.memory_space<vmem>>) target(%dma_start3A_100 : memref<128x128xf32, #tpu.memory_space<vmem_shared>>) target_semaphore(%run_scoped3A : memref<!tpu.dma_semaphore, #tpu.memory_space<semaphore_mem>>)
      %dma_wait3A = arith.constant 0 : i32
      %dma_wait3A_101 = tpu.memref_slice %arg11[%add3A_12, %dma_wait3A] : memref<10240x128xf32, #tpu.memory_space<vmem_shared>> -> memref<128x128xf32, #tpu.memory_space<vmem_shared>>
      %dma_wait3A_102 = arith.constant 0 : i32
      %dma_wait3A_103 = tpu.memref_slice %arg11[%add3A_12, %dma_wait3A_102] : memref<10240x128xf32, #tpu.memory_space<vmem_shared>> -> memref<128x128xf32, #tpu.memory_space<vmem_shared>>
      tpu.wait_dma2 semaphore(%run_scoped3A : memref<!tpu.dma_semaphore, #tpu.memory_space<semaphore_mem>>) src(%arg10 : memref<128x128xf32, #tpu.memory_space<vmem>>) dst(%dma_wait3A_103 : memref<128x128xf32, #tpu.memory_space<vmem_shared>>)
      tpu.yield
    }) : () -> ()
    %mul3A_13 = arith.constant 640 : i32
    %mul3A_14 = arith.muli %arg1, %mul3A_13 : i32
    %add3A_15 = arith.constant 384 : i32
    %add3A_16 = arith.addi %mul3A_14, %add3A_15 : i32
    "tpu.region"() ({
      %run_scoped3A = tpu.sem_alloc : memref<!tpu.dma_semaphore, #tpu.memory_space<semaphore_mem>>
      %dma_start3A = arith.constant 0 : i32
      %dma_start3A_98 = tpu.memref_slice %arg11[%add3A_16, %dma_start3A] : memref<10240x128xf32, #tpu.memory_space<vmem_shared>> -> memref<128x128xf32, #tpu.memory_space<vmem_shared>>
      %dma_start3A_99 = arith.constant 0 : i32
      %dma_start3A_100 = tpu.memref_slice %arg11[%add3A_16, %dma_start3A_99] : memref<10240x128xf32, #tpu.memory_space<vmem_shared>> -> memref<128x128xf32, #tpu.memory_space<vmem_shared>>
      tpu.enqueue_dma source(%arg10 : memref<128x128xf32, #tpu.memory_space<vmem>>) target(%dma_start3A_100 : memref<128x128xf32, #tpu.memory_space<vmem_shared>>) target_semaphore(%run_scoped3A : memref<!tpu.dma_semaphore, #tpu.memory_space<semaphore_mem>>)
      %dma_wait3A = arith.constant 0 : i32
      %dma_wait3A_101 = tpu.memref_slice %arg11[%add3A_16, %dma_wait3A] : memref<10240x128xf32, #tpu.memory_space<vmem_shared>> -> memref<128x128xf32, #tpu.memory_space<vmem_shared>>
      %dma_wait3A_102 = arith.constant 0 : i32
      %dma_wait3A_103 = tpu.memref_slice %arg11[%add3A_16, %dma_wait3A_102] : memref<10240x128xf32, #tpu.memory_space<vmem_shared>> -> memref<128x128xf32, #tpu.memory_space<vmem_shared>>
      tpu.wait_dma2 semaphore(%run_scoped3A : memref<!tpu.dma_semaphore, #tpu.memory_space<semaphore_mem>>) src(%arg10 : memref<128x128xf32, #tpu.memory_space<vmem>>) dst(%dma_wait3A_103 : memref<128x128xf32, #tpu.memory_space<vmem_shared>>)
      tpu.yield
    }) : () -> ()
    %mul3A_17 = arith.constant 640 : i32
    %mul3A_18 = arith.muli %arg1, %mul3A_17 : i32
    %add3A_19 = arith.constant 512 : i32
    %add3A_20 = arith.addi %mul3A_18, %add3A_19 : i32
    "tpu.region"() ({
      %run_scoped3A = tpu.sem_alloc : memref<!tpu.dma_semaphore, #tpu.memory_space<semaphore_mem>>
      %dma_start3A = arith.constant 0 : i32
      %dma_start3A_98 = tpu.memref_slice %arg11[%add3A_20, %dma_start3A] : memref<10240x128xf32, #tpu.memory_space<vmem_shared>> -> memref<128x128xf32, #tpu.memory_space<vmem_shared>>
      %dma_start3A_99 = arith.constant 0 : i32
      %dma_start3A_100 = tpu.memref_slice %arg11[%add3A_20, %dma_start3A_99] : memref<10240x128xf32, #tpu.memory_space<vmem_shared>> -> memref<128x128xf32, #tpu.memory_space<vmem_shared>>
      tpu.enqueue_dma source(%arg10 : memref<128x128xf32, #tpu.memory_space<vmem>>) target(%dma_start3A_100 : memref<128x128xf32, #tpu.memory_space<vmem_shared>>) target_semaphore(%run_scoped3A : memref<!tpu.dma_semaphore, #tpu.memory_space<semaphore_mem>>)
      %dma_wait3A = arith.constant 0 : i32
      %dma_wait3A_101 = tpu.memref_slice %arg11[%add3A_20, %dma_wait3A] : memref<10240x128xf32, #tpu.memory_space<vmem_shared>> -> memref<128x128xf32, #tpu.memory_space<vmem_shared>>
      %dma_wait3A_102 = arith.constant 0 : i32
      %dma_wait3A_103 = tpu.memref_slice %arg11[%add3A_20, %dma_wait3A_102] : memref<10240x128xf32, #tpu.memory_space<vmem_shared>> -> memref<128x128xf32, #tpu.memory_space<vmem_shared>>
      tpu.wait_dma2 semaphore(%run_scoped3A : memref<!tpu.dma_semaphore, #tpu.memory_space<semaphore_mem>>) src(%arg10 : memref<128x128xf32, #tpu.memory_space<vmem>>) dst(%dma_wait3A_103 : memref<128x128xf32, #tpu.memory_space<vmem_shared>>)
      tpu.yield
    }) : () -> ()
    %barrier3A = arith.constant 0 : index
    tpu.barrier barrier_id(%barrier3A)
    %mul3A_21 = arith.constant 79 : i32
    %mul3A_22 = arith.muli %add3A, %mul3A_21 : i32
    %mul3A_23 = arith.constant 128 : i32
    %mul3A_24 = arith.muli %mul3A_22, %mul3A_23 : i32
    %broadcast_in_dim3A = arith.constant 1.000000e+00 : f32
    %broadcast_in_dim3A_25 = vector.broadcast %broadcast_in_dim3A : f32 to vector<16xf32>
    %scan3A = arith.constant 0 : i32
    %scan3A_26 = arith.constant 79 : i32
    %scan3A_27 = arith.addi %scan3A, %scan3A_26 : i32
    %scan3A_28 = arith.constant 1 : i32
    scf.for %scan3A_98 = %scan3A to %scan3A_27 step %scan3A_28  : i32 {
      %mul3A_99 = arith.constant 1 : i32
      %mul3A_100 = arith.muli %scan3A_98, %mul3A_99 : i32
      %add3A_101 = arith.constant 0 : i32
      %add3A_102 = arith.addi %add3A_101, %mul3A_100 : i32
      %mul3A_103 = arith.constant 128 : i32
      %mul3A_104 = arith.muli %add3A_102, %mul3A_103 : i32
      %add3A_105 = arith.addi %mul3A_24, %mul3A_104 : i32
      %multiple_of3A = tpu.assume_multiple %add3A_105, 128 : i32
      "tpu.region"() ({
        %run_scoped3A_111 = tpu.sem_alloc : memref<!tpu.dma_semaphore, #tpu.memory_space<semaphore_mem>>
        %dma_start3A_112 = tpu.memref_slice %arg3[%multiple_of3A] : memref<323584xi32, #tpu.memory_space<hbm>> -> memref<128xi32, #tpu.memory_space<hbm>>
        %dma_start3A_113 = tpu.memref_slice %arg3[%multiple_of3A] : memref<323584xi32, #tpu.memory_space<hbm>> -> memref<128xi32, #tpu.memory_space<hbm>>
        tpu.enqueue_dma source(%dma_start3A_113 : memref<128xi32, #tpu.memory_space<hbm>>) target(%arg8 : memref<128xi32, #tpu.memory_space<vmem>>) target_semaphore(%run_scoped3A_111 : memref<!tpu.dma_semaphore, #tpu.memory_space<semaphore_mem>>)
        %dma_wait3A_114 = tpu.memref_slice %arg3[%multiple_of3A] : memref<323584xi32, #tpu.memory_space<hbm>> -> memref<128xi32, #tpu.memory_space<hbm>>
        %dma_wait3A_115 = tpu.memref_slice %arg3[%multiple_of3A] : memref<323584xi32, #tpu.memory_space<hbm>> -> memref<128xi32, #tpu.memory_space<hbm>>
        tpu.wait_dma2 semaphore(%run_scoped3A_111 : memref<!tpu.dma_semaphore, #tpu.memory_space<semaphore_mem>>) src(%dma_wait3A_115 : memref<128xi32, #tpu.memory_space<hbm>>) dst(%arg8 : memref<128xi32, #tpu.memory_space<vmem>>)
        tpu.yield
      }) : () -> ()
      %run_scoped3A = arith.constant 0 : i32
      "tpu.region"() ({
        %run_scoped3A_111 = tpu.sem_alloc : memref<!tpu.dma_semaphore, #tpu.memory_space<semaphore_mem>>
        %dma_start3A_112 = arith.constant 0 : i32
        %dma_start3A_113 = tpu.memref_slice %arg9[%run_scoped3A, %dma_start3A_112] : memref<1x128xi32, #tpu.memory_space<vmem>> -> memref<1x128xi32, #tpu.memory_space<vmem>>
        %dma_start3A_114 = tpu.memref_squeeze %dma_start3A_113 : memref<1x128xi32, #tpu.memory_space<vmem>> -> memref<128xi32, #tpu.memory_space<vmem>>
        %dma_start3A_115 = tpu.memref_slice %arg4[%multiple_of3A] : memref<323584xi32, #tpu.memory_space<hbm>> -> memref<128xi32, #tpu.memory_space<hbm>>
        %dma_start3A_116 = arith.constant 0 : i32
        %dma_start3A_117 = tpu.memref_slice %arg9[%run_scoped3A, %dma_start3A_116] : memref<1x128xi32, #tpu.memory_space<vmem>> -> memref<1x128xi32, #tpu.memory_space<vmem>>
        %dma_start3A_118 = tpu.memref_squeeze %dma_start3A_117 : memref<1x128xi32, #tpu.memory_space<vmem>> -> memref<128xi32, #tpu.memory_space<vmem>>
        %dma_start3A_119 = tpu.memref_slice %arg4[%multiple_of3A] : memref<323584xi32, #tpu.memory_space<hbm>> -> memref<128xi32, #tpu.memory_space<hbm>>
        tpu.enqueue_dma source(%dma_start3A_119 : memref<128xi32, #tpu.memory_space<hbm>>) target(%dma_start3A_118 : memref<128xi32, #tpu.memory_space<vmem>>) target_semaphore(%run_scoped3A_111 : memref<!tpu.dma_semaphore, #tpu.memory_space<semaphore_mem>>)
        %dma_wait3A_120 = arith.constant 0 : i32
        %dma_wait3A_121 = tpu.memref_slice %arg9[%run_scoped3A, %dma_wait3A_120] : memref<1x128xi32, #tpu.memory_space<vmem>> -> memref<1x128xi32, #tpu.memory_space<vmem>>
        %dma_wait3A_122 = tpu.memref_squeeze %dma_wait3A_121 : memref<1x128xi32, #tpu.memory_space<vmem>> -> memref<128xi32, #tpu.memory_space<vmem>>
        %dma_wait3A_123 = tpu.memref_slice %arg4[%multiple_of3A] : memref<323584xi32, #tpu.memory_space<hbm>> -> memref<128xi32, #tpu.memory_space<hbm>>
        %dma_wait3A_124 = arith.constant 0 : i32
        %dma_wait3A_125 = tpu.memref_slice %arg9[%run_scoped3A, %dma_wait3A_124] : memref<1x128xi32, #tpu.memory_space<vmem>> -> memref<1x128xi32, #tpu.memory_space<vmem>>
        %dma_wait3A_126 = tpu.memref_squeeze %dma_wait3A_125 : memref<1x128xi32, #tpu.memory_space<vmem>> -> memref<128xi32, #tpu.memory_space<vmem>>
        %dma_wait3A_127 = tpu.memref_slice %arg4[%multiple_of3A] : memref<323584xi32, #tpu.memory_space<hbm>> -> memref<128xi32, #tpu.memory_space<hbm>>
        tpu.wait_dma2 semaphore(%run_scoped3A_111 : memref<!tpu.dma_semaphore, #tpu.memory_space<semaphore_mem>>) src(%dma_wait3A_127 : memref<128xi32, #tpu.memory_space<hbm>>) dst(%dma_wait3A_126 : memref<128xi32, #tpu.memory_space<vmem>>)
        tpu.yield
      }) : () -> ()
      %dma_start3A = arith.constant 0 : i32
      %dma_start3A_106 = arith.constant 0 : i32
      %dma_start3A_107 = tpu.memref_slice %arg2[%dma_start3A, %dma_start3A_106] : memref<10240x128xf32, #tpu.memory_space<hbm>> -> memref<10240x128xf32, #tpu.memory_space<hbm>>
      tpu.enqueue_indirect_dma source(%dma_start3A_107 : memref<10240x128xf32, #tpu.memory_space<hbm>>) target(%arg10 : memref<128x128xf32, #tpu.memory_space<vmem>>) offsets(%arg8 : memref<128xi32, #tpu.memory_space<vmem>>) semaphore(%arg12 : memref<!tpu.dma_semaphore, #tpu.memory_space<semaphore_mem>>)
      %dma_wait3A = arith.constant 0 : i32
      %dma_wait3A_108 = arith.constant 0 : i32
      %dma_wait3A_109 = tpu.memref_slice %arg2[%dma_wait3A, %dma_wait3A_108] : memref<10240x128xf32, #tpu.memory_space<hbm>> -> memref<10240x128xf32, #tpu.memory_space<hbm>>
      tpu.wait_indirect_dma semaphore(%arg12 : memref<!tpu.dma_semaphore, #tpu.memory_space<semaphore_mem>>) src(%dma_wait3A_109 : memref<10240x128xf32, #tpu.memory_space<hbm>>) dst(%arg10 : memref<128x128xf32, #tpu.memory_space<vmem>>)
      %run_scoped3A_110 = arith.constant 0 : i32
      "tpu.region"() ({
        %run_scoped3A_111 = tpu.sem_alloc : memref<!tpu.dma_semaphore, #tpu.memory_space<semaphore_mem>>
        %dma_start3A_112 = arith.constant 0 : i32
        %dma_start3A_113 = tpu.memref_slice %arg9[%run_scoped3A_110, %dma_start3A_112] : memref<1x128xi32, #tpu.memory_space<vmem>> -> memref<1x128xi32, #tpu.memory_space<vmem>>
        %dma_start3A_114 = tpu.memref_squeeze %dma_start3A_113 : memref<1x128xi32, #tpu.memory_space<vmem>> -> memref<128xi32, #tpu.memory_space<vmem>>
        %dma_start3A_115 = arith.constant 0 : i32
        %dma_start3A_116 = arith.constant 0 : i32
        %dma_start3A_117 = tpu.memref_slice %arg11[%dma_start3A_115, %dma_start3A_116] : memref<10240x128xf32, #tpu.memory_space<vmem_shared>> -> memref<10240x128xf32, #tpu.memory_space<vmem_shared>>
        tpu.enqueue_indirect_dma source(%arg10 : memref<128x128xf32, #tpu.memory_space<vmem>>) target(%dma_start3A_117 : memref<10240x128xf32, #tpu.memory_space<vmem_shared>>) offsets(%dma_start3A_114 : memref<128xi32, #tpu.memory_space<vmem>>) semaphore(%run_scoped3A_111 : memref<!tpu.dma_semaphore, #tpu.memory_space<semaphore_mem>>) {add = true}
        %dma_wait3A_118 = arith.constant 0 : i32
        %dma_wait3A_119 = tpu.memref_slice %arg9[%run_scoped3A_110, %dma_wait3A_118] : memref<1x128xi32, #tpu.memory_space<vmem>> -> memref<1x128xi32, #tpu.memory_space<vmem>>
        %dma_wait3A_120 = tpu.memref_squeeze %dma_wait3A_119 : memref<1x128xi32, #tpu.memory_space<vmem>> -> memref<128xi32, #tpu.memory_space<vmem>>
        %dma_wait3A_121 = arith.constant 0 : i32
        %dma_wait3A_122 = arith.constant 0 : i32
        %dma_wait3A_123 = tpu.memref_slice %arg11[%dma_wait3A_121, %dma_wait3A_122] : memref<10240x128xf32, #tpu.memory_space<vmem_shared>> -> memref<10240x128xf32, #tpu.memory_space<vmem_shared>>
        tpu.wait_indirect_dma semaphore(%run_scoped3A_111 : memref<!tpu.dma_semaphore, #tpu.memory_space<semaphore_mem>>) src(%arg10 : memref<128x128xf32, #tpu.memory_space<vmem>>) dst(%dma_wait3A_123 : memref<10240x128xf32, #tpu.memory_space<vmem_shared>>)
        tpu.yield
      }) : () -> ()
    }
    %scan3A_29 = arith.constant 79 : i32
    %barrier3A_30 = arith.constant 0 : index
    tpu.barrier barrier_id(%barrier3A_30)
    %mul3A_31 = arith.constant 640 : i32
    %mul3A_32 = arith.muli %arg1, %mul3A_31 : i32
    %add3A_33 = arith.constant 0 : i32
    %add3A_34 = arith.addi %mul3A_32, %add3A_33 : i32
    "tpu.region"() ({
      %run_scoped3A = tpu.sem_alloc : memref<!tpu.dma_semaphore, #tpu.memory_space<semaphore_mem>>
      %dma_start3A = arith.constant 0 : i32
      %dma_start3A_98 = tpu.memref_slice %arg11[%add3A_34, %dma_start3A] : memref<10240x128xf32, #tpu.memory_space<vmem_shared>> -> memref<128x128xf32, #tpu.memory_space<vmem_shared>>
      %dma_start3A_99 = arith.constant 0 : i32
      %dma_start3A_100 = tpu.memref_slice %arg11[%add3A_34, %dma_start3A_99] : memref<10240x128xf32, #tpu.memory_space<vmem_shared>> -> memref<128x128xf32, #tpu.memory_space<vmem_shared>>
      tpu.enqueue_dma source(%dma_start3A_100 : memref<128x128xf32, #tpu.memory_space<vmem_shared>>) target(%arg10 : memref<128x128xf32, #tpu.memory_space<vmem>>) target_semaphore(%run_scoped3A : memref<!tpu.dma_semaphore, #tpu.memory_space<semaphore_mem>>)
      %dma_wait3A = arith.constant 0 : i32
      %dma_wait3A_101 = tpu.memref_slice %arg11[%add3A_34, %dma_wait3A] : memref<10240x128xf32, #tpu.memory_space<vmem_shared>> -> memref<128x128xf32, #tpu.memory_space<vmem_shared>>
      %dma_wait3A_102 = arith.constant 0 : i32
      %dma_wait3A_103 = tpu.memref_slice %arg11[%add3A_34, %dma_wait3A_102] : memref<10240x128xf32, #tpu.memory_space<vmem_shared>> -> memref<128x128xf32, #tpu.memory_space<vmem_shared>>
      tpu.wait_dma2 semaphore(%run_scoped3A : memref<!tpu.dma_semaphore, #tpu.memory_space<semaphore_mem>>) src(%dma_wait3A_103 : memref<128x128xf32, #tpu.memory_space<vmem_shared>>) dst(%arg10 : memref<128x128xf32, #tpu.memory_space<vmem>>)
      tpu.yield
    }) : () -> ()
    %eq3A = arith.constant 0 : i32
    %eq3A_35 = arith.cmpi eq, %arg0, %eq3A : i32
    %convert_element_type3A = arith.extui %eq3A_35 : i1 to i32
    %cond3A = arith.constant 0 : i32
    %cond3A_36 = arith.cmpi ne, %convert_element_type3A, %cond3A : i32
    scf.if %cond3A_36 {
      "tpu.region"() ({
        %run_scoped3A = tpu.sem_alloc : memref<!tpu.dma_semaphore, #tpu.memory_space<semaphore_mem>>
        %dma_start3A = arith.constant 0 : i32
        %dma_start3A_98 = tpu.memref_slice %arg6[%add3A_34, %dma_start3A] : memref<10240x128xf32, #tpu.memory_space<hbm>> -> memref<128x128xf32, #tpu.memory_space<hbm>>
        %dma_start3A_99 = arith.constant 0 : i32
        %dma_start3A_100 = tpu.memref_slice %arg6[%add3A_34, %dma_start3A_99] : memref<10240x128xf32, #tpu.memory_space<hbm>> -> memref<128x128xf32, #tpu.memory_space<hbm>>
        tpu.enqueue_dma source(%arg10 : memref<128x128xf32, #tpu.memory_space<vmem>>) target(%dma_start3A_100 : memref<128x128xf32, #tpu.memory_space<hbm>>) target_semaphore(%run_scoped3A : memref<!tpu.dma_semaphore, #tpu.memory_space<semaphore_mem>>)
        %dma_wait3A = arith.constant 0 : i32
        %dma_wait3A_101 = tpu.memref_slice %arg6[%add3A_34, %dma_wait3A] : memref<10240x128xf32, #tpu.memory_space<hbm>> -> memref<128x128xf32, #tpu.memory_space<hbm>>
        %dma_wait3A_102 = arith.constant 0 : i32
        %dma_wait3A_103 = tpu.memref_slice %arg6[%add3A_34, %dma_wait3A_102] : memref<10240x128xf32, #tpu.memory_space<hbm>> -> memref<128x128xf32, #tpu.memory_space<hbm>>
        tpu.wait_dma2 semaphore(%run_scoped3A : memref<!tpu.dma_semaphore, #tpu.memory_space<semaphore_mem>>) src(%arg10 : memref<128x128xf32, #tpu.memory_space<vmem>>) dst(%dma_wait3A_103 : memref<128x128xf32, #tpu.memory_space<hbm>>)
        tpu.yield
      }) : () -> ()
    } else {
    }
    %eq3A_37 = arith.constant 1 : i32
    %eq3A_38 = arith.cmpi eq, %arg0, %eq3A_37 : i32
    %convert_element_type3A_39 = arith.extui %eq3A_38 : i1 to i32
    %cond3A_40 = arith.constant 0 : i32
    %cond3A_41 = arith.cmpi ne, %convert_element_type3A_39, %cond3A_40 : i32
    scf.if %cond3A_41 {
      "tpu.region"() ({
        %run_scoped3A = tpu.sem_alloc : memref<!tpu.dma_semaphore, #tpu.memory_space<semaphore_mem>>
        %dma_start3A = arith.constant 0 : i32
        %dma_start3A_98 = tpu.memref_slice %arg7[%add3A_34, %dma_start3A] : memref<10240x128xf32, #tpu.memory_space<hbm>> -> memref<128x128xf32, #tpu.memory_space<hbm>>
        %dma_start3A_99 = arith.constant 0 : i32
        %dma_start3A_100 = tpu.memref_slice %arg7[%add3A_34, %dma_start3A_99] : memref<10240x128xf32, #tpu.memory_space<hbm>> -> memref<128x128xf32, #tpu.memory_space<hbm>>
        tpu.enqueue_dma source(%arg10 : memref<128x128xf32, #tpu.memory_space<vmem>>) target(%dma_start3A_100 : memref<128x128xf32, #tpu.memory_space<hbm>>) target_semaphore(%run_scoped3A : memref<!tpu.dma_semaphore, #tpu.memory_space<semaphore_mem>>)
        %dma_wait3A = arith.constant 0 : i32
        %dma_wait3A_101 = tpu.memref_slice %arg7[%add3A_34, %dma_wait3A] : memref<10240x128xf32, #tpu.memory_space<hbm>> -> memref<128x128xf32, #tpu.memory_space<hbm>>
        %dma_wait3A_102 = arith.constant 0 : i32
        %dma_wait3A_103 = tpu.memref_slice %arg7[%add3A_34, %dma_wait3A_102] : memref<10240x128xf32, #tpu.memory_space<hbm>> -> memref<128x128xf32, #tpu.memory_space<hbm>>
        tpu.wait_dma2 semaphore(%run_scoped3A : memref<!tpu.dma_semaphore, #tpu.memory_space<semaphore_mem>>) src(%arg10 : memref<128x128xf32, #tpu.memory_space<vmem>>) dst(%dma_wait3A_103 : memref<128x128xf32, #tpu.memory_space<hbm>>)
        tpu.yield
      }) : () -> ()
    } else {
    }
    %mul3A_42 = arith.constant 640 : i32
    %mul3A_43 = arith.muli %arg1, %mul3A_42 : i32
    %add3A_44 = arith.constant 128 : i32
    %add3A_45 = arith.addi %mul3A_43, %add3A_44 : i32
    "tpu.region"() ({
      %run_scoped3A = tpu.sem_alloc : memref<!tpu.dma_semaphore, #tpu.memory_space<semaphore_mem>>
      %dma_start3A = arith.constant 0 : i32
      %dma_start3A_98 = tpu.memref_slice %arg11[%add3A_45, %dma_start3A] : memref<10240x128xf32, #tpu.memory_space<vmem_shared>> -> memref<128x128xf32, #tpu.memory_space<vmem_shared>>
      %dma_start3A_99 = arith.constant 0 : i32
      %dma_start3A_100 = tpu.memref_slice %arg11[%add3A_45, %dma_start3A_99] : memref<10240x128xf32, #tpu.memory_space<vmem_shared>> -> memref<128x128xf32, #tpu.memory_space<vmem_shared>>
      tpu.enqueue_dma source(%dma_start3A_100 : memref<128x128xf32, #tpu.memory_space<vmem_shared>>) target(%arg10 : memref<128x128xf32, #tpu.memory_space<vmem>>) target_semaphore(%run_scoped3A : memref<!tpu.dma_semaphore, #tpu.memory_space<semaphore_mem>>)
      %dma_wait3A = arith.constant 0 : i32
      %dma_wait3A_101 = tpu.memref_slice %arg11[%add3A_45, %dma_wait3A] : memref<10240x128xf32, #tpu.memory_space<vmem_shared>> -> memref<128x128xf32, #tpu.memory_space<vmem_shared>>
      %dma_wait3A_102 = arith.constant 0 : i32
      %dma_wait3A_103 = tpu.memref_slice %arg11[%add3A_45, %dma_wait3A_102] : memref<10240x128xf32, #tpu.memory_space<vmem_shared>> -> memref<128x128xf32, #tpu.memory_space<vmem_shared>>
      tpu.wait_dma2 semaphore(%run_scoped3A : memref<!tpu.dma_semaphore, #tpu.memory_space<semaphore_mem>>) src(%dma_wait3A_103 : memref<128x128xf32, #tpu.memory_space<vmem_shared>>) dst(%arg10 : memref<128x128xf32, #tpu.memory_space<vmem>>)
      tpu.yield
    }) : () -> ()
    %eq3A_46 = arith.constant 0 : i32
    %eq3A_47 = arith.cmpi eq, %arg0, %eq3A_46 : i32
    %convert_element_type3A_48 = arith.extui %eq3A_47 : i1 to i32
    %cond3A_49 = arith.constant 0 : i32
    %cond3A_50 = arith.cmpi ne, %convert_element_type3A_48, %cond3A_49 : i32
    scf.if %cond3A_50 {
      "tpu.region"() ({
        %run_scoped3A = tpu.sem_alloc : memref<!tpu.dma_semaphore, #tpu.memory_space<semaphore_mem>>
        %dma_start3A = arith.constant 0 : i32
        %dma_start3A_98 = tpu.memref_slice %arg6[%add3A_45, %dma_start3A] : memref<10240x128xf32, #tpu.memory_space<hbm>> -> memref<128x128xf32, #tpu.memory_space<hbm>>
        %dma_start3A_99 = arith.constant 0 : i32
        %dma_start3A_100 = tpu.memref_slice %arg6[%add3A_45, %dma_start3A_99] : memref<10240x128xf32, #tpu.memory_space<hbm>> -> memref<128x128xf32, #tpu.memory_space<hbm>>
        tpu.enqueue_dma source(%arg10 : memref<128x128xf32, #tpu.memory_space<vmem>>) target(%dma_start3A_100 : memref<128x128xf32, #tpu.memory_space<hbm>>) target_semaphore(%run_scoped3A : memref<!tpu.dma_semaphore, #tpu.memory_space<semaphore_mem>>)
        %dma_wait3A = arith.constant 0 : i32
        %dma_wait3A_101 = tpu.memref_slice %arg6[%add3A_45, %dma_wait3A] : memref<10240x128xf32, #tpu.memory_space<hbm>> -> memref<128x128xf32, #tpu.memory_space<hbm>>
        %dma_wait3A_102 = arith.constant 0 : i32
        %dma_wait3A_103 = tpu.memref_slice %arg6[%add3A_45, %dma_wait3A_102] : memref<10240x128xf32, #tpu.memory_space<hbm>> -> memref<128x128xf32, #tpu.memory_space<hbm>>
        tpu.wait_dma2 semaphore(%run_scoped3A : memref<!tpu.dma_semaphore, #tpu.memory_space<semaphore_mem>>) src(%arg10 : memref<128x128xf32, #tpu.memory_space<vmem>>) dst(%dma_wait3A_103 : memref<128x128xf32, #tpu.memory_space<hbm>>)
        tpu.yield
      }) : () -> ()
    } else {
    }
    %eq3A_51 = arith.constant 1 : i32
    %eq3A_52 = arith.cmpi eq, %arg0, %eq3A_51 : i32
    %convert_element_type3A_53 = arith.extui %eq3A_52 : i1 to i32
    %cond3A_54 = arith.constant 0 : i32
    %cond3A_55 = arith.cmpi ne, %convert_element_type3A_53, %cond3A_54 : i32
    scf.if %cond3A_55 {
      "tpu.region"() ({
        %run_scoped3A = tpu.sem_alloc : memref<!tpu.dma_semaphore, #tpu.memory_space<semaphore_mem>>
        %dma_start3A = arith.constant 0 : i32
        %dma_start3A_98 = tpu.memref_slice %arg7[%add3A_45, %dma_start3A] : memref<10240x128xf32, #tpu.memory_space<hbm>> -> memref<128x128xf32, #tpu.memory_space<hbm>>
        %dma_start3A_99 = arith.constant 0 : i32
        %dma_start3A_100 = tpu.memref_slice %arg7[%add3A_45, %dma_start3A_99] : memref<10240x128xf32, #tpu.memory_space<hbm>> -> memref<128x128xf32, #tpu.memory_space<hbm>>
        tpu.enqueue_dma source(%arg10 : memref<128x128xf32, #tpu.memory_space<vmem>>) target(%dma_start3A_100 : memref<128x128xf32, #tpu.memory_space<hbm>>) target_semaphore(%run_scoped3A : memref<!tpu.dma_semaphore, #tpu.memory_space<semaphore_mem>>)
        %dma_wait3A = arith.constant 0 : i32
        %dma_wait3A_101 = tpu.memref_slice %arg7[%add3A_45, %dma_wait3A] : memref<10240x128xf32, #tpu.memory_space<hbm>> -> memref<128x128xf32, #tpu.memory_space<hbm>>
        %dma_wait3A_102 = arith.constant 0 : i32
        %dma_wait3A_103 = tpu.memref_slice %arg7[%add3A_45, %dma_wait3A_102] : memref<10240x128xf32, #tpu.memory_space<hbm>> -> memref<128x128xf32, #tpu.memory_space<hbm>>
        tpu.wait_dma2 semaphore(%run_scoped3A : memref<!tpu.dma_semaphore, #tpu.memory_space<semaphore_mem>>) src(%arg10 : memref<128x128xf32, #tpu.memory_space<vmem>>) dst(%dma_wait3A_103 : memref<128x128xf32, #tpu.memory_space<hbm>>)
        tpu.yield
      }) : () -> ()
    } else {
    }
    %mul3A_56 = arith.constant 640 : i32
    %mul3A_57 = arith.muli %arg1, %mul3A_56 : i32
    %add3A_58 = arith.constant 256 : i32
    %add3A_59 = arith.addi %mul3A_57, %add3A_58 : i32
    "tpu.region"() ({
      %run_scoped3A = tpu.sem_alloc : memref<!tpu.dma_semaphore, #tpu.memory_space<semaphore_mem>>
      %dma_start3A = arith.constant 0 : i32
      %dma_start3A_98 = tpu.memref_slice %arg11[%add3A_59, %dma_start3A] : memref<10240x128xf32, #tpu.memory_space<vmem_shared>> -> memref<128x128xf32, #tpu.memory_space<vmem_shared>>
      %dma_start3A_99 = arith.constant 0 : i32
      %dma_start3A_100 = tpu.memref_slice %arg11[%add3A_59, %dma_start3A_99] : memref<10240x128xf32, #tpu.memory_space<vmem_shared>> -> memref<128x128xf32, #tpu.memory_space<vmem_shared>>
      tpu.enqueue_dma source(%dma_start3A_100 : memref<128x128xf32, #tpu.memory_space<vmem_shared>>) target(%arg10 : memref<128x128xf32, #tpu.memory_space<vmem>>) target_semaphore(%run_scoped3A : memref<!tpu.dma_semaphore, #tpu.memory_space<semaphore_mem>>)
      %dma_wait3A = arith.constant 0 : i32
      %dma_wait3A_101 = tpu.memref_slice %arg11[%add3A_59, %dma_wait3A] : memref<10240x128xf32, #tpu.memory_space<vmem_shared>> -> memref<128x128xf32, #tpu.memory_space<vmem_shared>>
      %dma_wait3A_102 = arith.constant 0 : i32
      %dma_wait3A_103 = tpu.memref_slice %arg11[%add3A_59, %dma_wait3A_102] : memref<10240x128xf32, #tpu.memory_space<vmem_shared>> -> memref<128x128xf32, #tpu.memory_space<vmem_shared>>
      tpu.wait_dma2 semaphore(%run_scoped3A : memref<!tpu.dma_semaphore, #tpu.memory_space<semaphore_mem>>) src(%dma_wait3A_103 : memref<128x128xf32, #tpu.memory_space<vmem_shared>>) dst(%arg10 : memref<128x128xf32, #tpu.memory_space<vmem>>)
      tpu.yield
    }) : () -> ()
    %eq3A_60 = arith.constant 0 : i32
    %eq3A_61 = arith.cmpi eq, %arg0, %eq3A_60 : i32
    %convert_element_type3A_62 = arith.extui %eq3A_61 : i1 to i32
    %cond3A_63 = arith.constant 0 : i32
    %cond3A_64 = arith.cmpi ne, %convert_element_type3A_62, %cond3A_63 : i32
    scf.if %cond3A_64 {
      "tpu.region"() ({
        %run_scoped3A = tpu.sem_alloc : memref<!tpu.dma_semaphore, #tpu.memory_space<semaphore_mem>>
        %dma_start3A = arith.constant 0 : i32
        %dma_start3A_98 = tpu.memref_slice %arg6[%add3A_59, %dma_start3A] : memref<10240x128xf32, #tpu.memory_space<hbm>> -> memref<128x128xf32, #tpu.memory_space<hbm>>
        %dma_start3A_99 = arith.constant 0 : i32
        %dma_start3A_100 = tpu.memref_slice %arg6[%add3A_59, %dma_start3A_99] : memref<10240x128xf32, #tpu.memory_space<hbm>> -> memref<128x128xf32, #tpu.memory_space<hbm>>
        tpu.enqueue_dma source(%arg10 : memref<128x128xf32, #tpu.memory_space<vmem>>) target(%dma_start3A_100 : memref<128x128xf32, #tpu.memory_space<hbm>>) target_semaphore(%run_scoped3A : memref<!tpu.dma_semaphore, #tpu.memory_space<semaphore_mem>>)
        %dma_wait3A = arith.constant 0 : i32
        %dma_wait3A_101 = tpu.memref_slice %arg6[%add3A_59, %dma_wait3A] : memref<10240x128xf32, #tpu.memory_space<hbm>> -> memref<128x128xf32, #tpu.memory_space<hbm>>
        %dma_wait3A_102 = arith.constant 0 : i32
        %dma_wait3A_103 = tpu.memref_slice %arg6[%add3A_59, %dma_wait3A_102] : memref<10240x128xf32, #tpu.memory_space<hbm>> -> memref<128x128xf32, #tpu.memory_space<hbm>>
        tpu.wait_dma2 semaphore(%run_scoped3A : memref<!tpu.dma_semaphore, #tpu.memory_space<semaphore_mem>>) src(%arg10 : memref<128x128xf32, #tpu.memory_space<vmem>>) dst(%dma_wait3A_103 : memref<128x128xf32, #tpu.memory_space<hbm>>)
        tpu.yield
      }) : () -> ()
    } else {
    }
    %eq3A_65 = arith.constant 1 : i32
    %eq3A_66 = arith.cmpi eq, %arg0, %eq3A_65 : i32
    %convert_element_type3A_67 = arith.extui %eq3A_66 : i1 to i32
    %cond3A_68 = arith.constant 0 : i32
    %cond3A_69 = arith.cmpi ne, %convert_element_type3A_67, %cond3A_68 : i32
    scf.if %cond3A_69 {
      "tpu.region"() ({
        %run_scoped3A = tpu.sem_alloc : memref<!tpu.dma_semaphore, #tpu.memory_space<semaphore_mem>>
        %dma_start3A = arith.constant 0 : i32
        %dma_start3A_98 = tpu.memref_slice %arg7[%add3A_59, %dma_start3A] : memref<10240x128xf32, #tpu.memory_space<hbm>> -> memref<128x128xf32, #tpu.memory_space<hbm>>
        %dma_start3A_99 = arith.constant 0 : i32
        %dma_start3A_100 = tpu.memref_slice %arg7[%add3A_59, %dma_start3A_99] : memref<10240x128xf32, #tpu.memory_space<hbm>> -> memref<128x128xf32, #tpu.memory_space<hbm>>
        tpu.enqueue_dma source(%arg10 : memref<128x128xf32, #tpu.memory_space<vmem>>) target(%dma_start3A_100 : memref<128x128xf32, #tpu.memory_space<hbm>>) target_semaphore(%run_scoped3A : memref<!tpu.dma_semaphore, #tpu.memory_space<semaphore_mem>>)
        %dma_wait3A = arith.constant 0 : i32
        %dma_wait3A_101 = tpu.memref_slice %arg7[%add3A_59, %dma_wait3A] : memref<10240x128xf32, #tpu.memory_space<hbm>> -> memref<128x128xf32, #tpu.memory_space<hbm>>
        %dma_wait3A_102 = arith.constant 0 : i32
        %dma_wait3A_103 = tpu.memref_slice %arg7[%add3A_59, %dma_wait3A_102] : memref<10240x128xf32, #tpu.memory_space<hbm>> -> memref<128x128xf32, #tpu.memory_space<hbm>>
        tpu.wait_dma2 semaphore(%run_scoped3A : memref<!tpu.dma_semaphore, #tpu.memory_space<semaphore_mem>>) src(%arg10 : memref<128x128xf32, #tpu.memory_space<vmem>>) dst(%dma_wait3A_103 : memref<128x128xf32, #tpu.memory_space<hbm>>)
        tpu.yield
      }) : () -> ()
    } else {
    }
    %mul3A_70 = arith.constant 640 : i32
    %mul3A_71 = arith.muli %arg1, %mul3A_70 : i32
    %add3A_72 = arith.constant 384 : i32
    %add3A_73 = arith.addi %mul3A_71, %add3A_72 : i32
    "tpu.region"() ({
      %run_scoped3A = tpu.sem_alloc : memref<!tpu.dma_semaphore, #tpu.memory_space<semaphore_mem>>
      %dma_start3A = arith.constant 0 : i32
      %dma_start3A_98 = tpu.memref_slice %arg11[%add3A_73, %dma_start3A] : memref<10240x128xf32, #tpu.memory_space<vmem_shared>> -> memref<128x128xf32, #tpu.memory_space<vmem_shared>>
      %dma_start3A_99 = arith.constant 0 : i32
      %dma_start3A_100 = tpu.memref_slice %arg11[%add3A_73, %dma_start3A_99] : memref<10240x128xf32, #tpu.memory_space<vmem_shared>> -> memref<128x128xf32, #tpu.memory_space<vmem_shared>>
      tpu.enqueue_dma source(%dma_start3A_100 : memref<128x128xf32, #tpu.memory_space<vmem_shared>>) target(%arg10 : memref<128x128xf32, #tpu.memory_space<vmem>>) target_semaphore(%run_scoped3A : memref<!tpu.dma_semaphore, #tpu.memory_space<semaphore_mem>>)
      %dma_wait3A = arith.constant 0 : i32
      %dma_wait3A_101 = tpu.memref_slice %arg11[%add3A_73, %dma_wait3A] : memref<10240x128xf32, #tpu.memory_space<vmem_shared>> -> memref<128x128xf32, #tpu.memory_space<vmem_shared>>
      %dma_wait3A_102 = arith.constant 0 : i32
      %dma_wait3A_103 = tpu.memref_slice %arg11[%add3A_73, %dma_wait3A_102] : memref<10240x128xf32, #tpu.memory_space<vmem_shared>> -> memref<128x128xf32, #tpu.memory_space<vmem_shared>>
      tpu.wait_dma2 semaphore(%run_scoped3A : memref<!tpu.dma_semaphore, #tpu.memory_space<semaphore_mem>>) src(%dma_wait3A_103 : memref<128x128xf32, #tpu.memory_space<vmem_shared>>) dst(%arg10 : memref<128x128xf32, #tpu.memory_space<vmem>>)
      tpu.yield
    }) : () -> ()
    %eq3A_74 = arith.constant 0 : i32
    %eq3A_75 = arith.cmpi eq, %arg0, %eq3A_74 : i32
    %convert_element_type3A_76 = arith.extui %eq3A_75 : i1 to i32
    %cond3A_77 = arith.constant 0 : i32
    %cond3A_78 = arith.cmpi ne, %convert_element_type3A_76, %cond3A_77 : i32
    scf.if %cond3A_78 {
      "tpu.region"() ({
        %run_scoped3A = tpu.sem_alloc : memref<!tpu.dma_semaphore, #tpu.memory_space<semaphore_mem>>
        %dma_start3A = arith.constant 0 : i32
        %dma_start3A_98 = tpu.memref_slice %arg6[%add3A_73, %dma_start3A] : memref<10240x128xf32, #tpu.memory_space<hbm>> -> memref<128x128xf32, #tpu.memory_space<hbm>>
        %dma_start3A_99 = arith.constant 0 : i32
        %dma_start3A_100 = tpu.memref_slice %arg6[%add3A_73, %dma_start3A_99] : memref<10240x128xf32, #tpu.memory_space<hbm>> -> memref<128x128xf32, #tpu.memory_space<hbm>>
        tpu.enqueue_dma source(%arg10 : memref<128x128xf32, #tpu.memory_space<vmem>>) target(%dma_start3A_100 : memref<128x128xf32, #tpu.memory_space<hbm>>) target_semaphore(%run_scoped3A : memref<!tpu.dma_semaphore, #tpu.memory_space<semaphore_mem>>)
        %dma_wait3A = arith.constant 0 : i32
        %dma_wait3A_101 = tpu.memref_slice %arg6[%add3A_73, %dma_wait3A] : memref<10240x128xf32, #tpu.memory_space<hbm>> -> memref<128x128xf32, #tpu.memory_space<hbm>>
        %dma_wait3A_102 = arith.constant 0 : i32
        %dma_wait3A_103 = tpu.memref_slice %arg6[%add3A_73, %dma_wait3A_102] : memref<10240x128xf32, #tpu.memory_space<hbm>> -> memref<128x128xf32, #tpu.memory_space<hbm>>
        tpu.wait_dma2 semaphore(%run_scoped3A : memref<!tpu.dma_semaphore, #tpu.memory_space<semaphore_mem>>) src(%arg10 : memref<128x128xf32, #tpu.memory_space<vmem>>) dst(%dma_wait3A_103 : memref<128x128xf32, #tpu.memory_space<hbm>>)
        tpu.yield
      }) : () -> ()
    } else {
    }
    %eq3A_79 = arith.constant 1 : i32
    %eq3A_80 = arith.cmpi eq, %arg0, %eq3A_79 : i32
    %convert_element_type3A_81 = arith.extui %eq3A_80 : i1 to i32
    %cond3A_82 = arith.constant 0 : i32
    %cond3A_83 = arith.cmpi ne, %convert_element_type3A_81, %cond3A_82 : i32
    scf.if %cond3A_83 {
      "tpu.region"() ({
        %run_scoped3A = tpu.sem_alloc : memref<!tpu.dma_semaphore, #tpu.memory_space<semaphore_mem>>
        %dma_start3A = arith.constant 0 : i32
        %dma_start3A_98 = tpu.memref_slice %arg7[%add3A_73, %dma_start3A] : memref<10240x128xf32, #tpu.memory_space<hbm>> -> memref<128x128xf32, #tpu.memory_space<hbm>>
        %dma_start3A_99 = arith.constant 0 : i32
        %dma_start3A_100 = tpu.memref_slice %arg7[%add3A_73, %dma_start3A_99] : memref<10240x128xf32, #tpu.memory_space<hbm>> -> memref<128x128xf32, #tpu.memory_space<hbm>>
        tpu.enqueue_dma source(%arg10 : memref<128x128xf32, #tpu.memory_space<vmem>>) target(%dma_start3A_100 : memref<128x128xf32, #tpu.memory_space<hbm>>) target_semaphore(%run_scoped3A : memref<!tpu.dma_semaphore, #tpu.memory_space<semaphore_mem>>)
        %dma_wait3A = arith.constant 0 : i32
        %dma_wait3A_101 = tpu.memref_slice %arg7[%add3A_73, %dma_wait3A] : memref<10240x128xf32, #tpu.memory_space<hbm>> -> memref<128x128xf32, #tpu.memory_space<hbm>>
        %dma_wait3A_102 = arith.constant 0 : i32
        %dma_wait3A_103 = tpu.memref_slice %arg7[%add3A_73, %dma_wait3A_102] : memref<10240x128xf32, #tpu.memory_space<hbm>> -> memref<128x128xf32, #tpu.memory_space<hbm>>
        tpu.wait_dma2 semaphore(%run_scoped3A : memref<!tpu.dma_semaphore, #tpu.memory_space<semaphore_mem>>) src(%arg10 : memref<128x128xf32, #tpu.memory_space<vmem>>) dst(%dma_wait3A_103 : memref<128x128xf32, #tpu.memory_space<hbm>>)
        tpu.yield
      }) : () -> ()
    } else {
    }
    %mul3A_84 = arith.constant 640 : i32
    %mul3A_85 = arith.muli %arg1, %mul3A_84 : i32
    %add3A_86 = arith.constant 512 : i32
    %add3A_87 = arith.addi %mul3A_85, %add3A_86 : i32
    "tpu.region"() ({
      %run_scoped3A = tpu.sem_alloc : memref<!tpu.dma_semaphore, #tpu.memory_space<semaphore_mem>>
      %dma_start3A = arith.constant 0 : i32
      %dma_start3A_98 = tpu.memref_slice %arg11[%add3A_87, %dma_start3A] : memref<10240x128xf32, #tpu.memory_space<vmem_shared>> -> memref<128x128xf32, #tpu.memory_space<vmem_shared>>
      %dma_start3A_99 = arith.constant 0 : i32
      %dma_start3A_100 = tpu.memref_slice %arg11[%add3A_87, %dma_start3A_99] : memref<10240x128xf32, #tpu.memory_space<vmem_shared>> -> memref<128x128xf32, #tpu.memory_space<vmem_shared>>
      tpu.enqueue_dma source(%dma_start3A_100 : memref<128x128xf32, #tpu.memory_space<vmem_shared>>) target(%arg10 : memref<128x128xf32, #tpu.memory_space<vmem>>) target_semaphore(%run_scoped3A : memref<!tpu.dma_semaphore, #tpu.memory_space<semaphore_mem>>)
      %dma_wait3A = arith.constant 0 : i32
      %dma_wait3A_101 = tpu.memref_slice %arg11[%add3A_87, %dma_wait3A] : memref<10240x128xf32, #tpu.memory_space<vmem_shared>> -> memref<128x128xf32, #tpu.memory_space<vmem_shared>>
      %dma_wait3A_102 = arith.constant 0 : i32
      %dma_wait3A_103 = tpu.memref_slice %arg11[%add3A_87, %dma_wait3A_102] : memref<10240x128xf32, #tpu.memory_space<vmem_shared>> -> memref<128x128xf32, #tpu.memory_space<vmem_shared>>
      tpu.wait_dma2 semaphore(%run_scoped3A : memref<!tpu.dma_semaphore, #tpu.memory_space<semaphore_mem>>) src(%dma_wait3A_103 : memref<128x128xf32, #tpu.memory_space<vmem_shared>>) dst(%arg10 : memref<128x128xf32, #tpu.memory_space<vmem>>)
      tpu.yield
    }) : () -> ()
    %eq3A_88 = arith.constant 0 : i32
    %eq3A_89 = arith.cmpi eq, %arg0, %eq3A_88 : i32
    %convert_element_type3A_90 = arith.extui %eq3A_89 : i1 to i32
    %cond3A_91 = arith.constant 0 : i32
    %cond3A_92 = arith.cmpi ne, %convert_element_type3A_90, %cond3A_91 : i32
    scf.if %cond3A_92 {
      "tpu.region"() ({
        %run_scoped3A = tpu.sem_alloc : memref<!tpu.dma_semaphore, #tpu.memory_space<semaphore_mem>>
        %dma_start3A = arith.constant 0 : i32
        %dma_start3A_98 = tpu.memref_slice %arg6[%add3A_87, %dma_start3A] : memref<10240x128xf32, #tpu.memory_space<hbm>> -> memref<128x128xf32, #tpu.memory_space<hbm>>
        %dma_start3A_99 = arith.constant 0 : i32
        %dma_start3A_100 = tpu.memref_slice %arg6[%add3A_87, %dma_start3A_99] : memref<10240x128xf32, #tpu.memory_space<hbm>> -> memref<128x128xf32, #tpu.memory_space<hbm>>
        tpu.enqueue_dma source(%arg10 : memref<128x128xf32, #tpu.memory_space<vmem>>) target(%dma_start3A_100 : memref<128x128xf32, #tpu.memory_space<hbm>>) target_semaphore(%run_scoped3A : memref<!tpu.dma_semaphore, #tpu.memory_space<semaphore_mem>>)
        %dma_wait3A = arith.constant 0 : i32
        %dma_wait3A_101 = tpu.memref_slice %arg6[%add3A_87, %dma_wait3A] : memref<10240x128xf32, #tpu.memory_space<hbm>> -> memref<128x128xf32, #tpu.memory_space<hbm>>
        %dma_wait3A_102 = arith.constant 0 : i32
        %dma_wait3A_103 = tpu.memref_slice %arg6[%add3A_87, %dma_wait3A_102] : memref<10240x128xf32, #tpu.memory_space<hbm>> -> memref<128x128xf32, #tpu.memory_space<hbm>>
        tpu.wait_dma2 semaphore(%run_scoped3A : memref<!tpu.dma_semaphore, #tpu.memory_space<semaphore_mem>>) src(%arg10 : memref<128x128xf32, #tpu.memory_space<vmem>>) dst(%dma_wait3A_103 : memref<128x128xf32, #tpu.memory_space<hbm>>)
        tpu.yield
      }) : () -> ()
    } else {
    }
    %eq3A_93 = arith.constant 1 : i32
    %eq3A_94 = arith.cmpi eq, %arg0, %eq3A_93 : i32
    %convert_element_type3A_95 = arith.extui %eq3A_94 : i1 to i32
    %cond3A_96 = arith.constant 0 : i32
    %cond3A_97 = arith.cmpi ne, %convert_element_type3A_95, %cond3A_96 : i32
    scf.if %cond3A_97 {
      "tpu.region"() ({
        %run_scoped3A = tpu.sem_alloc : memref<!tpu.dma_semaphore, #tpu.memory_space<semaphore_mem>>
        %dma_start3A = arith.constant 0 : i32
        %dma_start3A_98 = tpu.memref_slice %arg7[%add3A_87, %dma_start3A] : memref<10240x128xf32, #tpu.memory_space<hbm>> -> memref<128x128xf32, #tpu.memory_space<hbm>>
        %dma_start3A_99 = arith.constant 0 : i32
        %dma_start3A_100 = tpu.memref_slice %arg7[%add3A_87, %dma_start3A_99] : memref<10240x128xf32, #tpu.memory_space<hbm>> -> memref<128x128xf32, #tpu.memory_space<hbm>>
        tpu.enqueue_dma source(%arg10 : memref<128x128xf32, #tpu.memory_space<vmem>>) target(%dma_start3A_100 : memref<128x128xf32, #tpu.memory_space<hbm>>) target_semaphore(%run_scoped3A : memref<!tpu.dma_semaphore, #tpu.memory_space<semaphore_mem>>)
        %dma_wait3A = arith.constant 0 : i32
        %dma_wait3A_101 = tpu.memref_slice %arg7[%add3A_87, %dma_wait3A] : memref<10240x128xf32, #tpu.memory_space<hbm>> -> memref<128x128xf32, #tpu.memory_space<hbm>>
        %dma_wait3A_102 = arith.constant 0 : i32
        %dma_wait3A_103 = tpu.memref_slice %arg7[%add3A_87, %dma_wait3A_102] : memref<10240x128xf32, #tpu.memory_space<hbm>> -> memref<128x128xf32, #tpu.memory_space<hbm>>
        tpu.wait_dma2 semaphore(%run_scoped3A : memref<!tpu.dma_semaphore, #tpu.memory_space<semaphore_mem>>) src(%arg10 : memref<128x128xf32, #tpu.memory_space<vmem>>) dst(%dma_wait3A_103 : memref<128x128xf32, #tpu.memory_space<hbm>>)
        tpu.yield
      }) : () -> ()
    } else {
    }
    return
  }
}

#map = affine_map<(d0, d1) -> (0, 0)>
#map1 = affine_map<(d0, d1) -> (0)>
module attributes {stable_mosaic.version = 14 : i64} {
  func.func @body(%arg0: i32, %arg1: i32, %arg2: memref<10240x128xf32, #tpu.memory_space<hbm>>, %arg3: memref<323584xi32, #tpu.memory_space<hbm>>, %arg4: memref<323584xi32, #tpu.memory_space<hbm>>, %arg5: memref<128x128xf32, #tpu.memory_space<hbm>>, %arg6: memref<10240xf32, #tpu.memory_space<hbm>>, %arg7: memref<10240x128xf32, #tpu.memory_space<hbm>>, %arg8: memref<10240x128xf32, #tpu.memory_space<hbm>>, %arg9: memref<32x10240xf32, #tpu.memory_space<hbm>>, %arg10: memref<128xi32, #tpu.memory_space<vmem>>, %arg11: memref<1x128xi32, #tpu.memory_space<vmem>>, %arg12: memref<128x128xf32, #tpu.memory_space<vmem>>, %arg13: memref<10240x128xf32, #tpu.memory_space<vmem_shared>>, %arg14: memref<!tpu.dma_semaphore, #tpu.memory_space<semaphore_mem>>, %arg15: memref<10240xf32, #tpu.memory_space<vmem>>) attributes {dimension_semantics = [#tpu.dimension_semantics<core_parallel>, #tpu.dimension_semantics<subcore_parallel>], iteration_bounds = array<i64: 2, 16>, scalar_prefetch = 0 : i64, scratch_operands = 6 : i64, tpu.core_type = #tpu.core_type<sc_vector_subcore>, window_params = [{transform_indices = #map}, {transform_indices = #map1}, {transform_indices = #map1}, {transform_indices = #map}, {transform_indices = #map1}, {transform_indices = #map}, {transform_indices = #map}, {transform_indices = #map}]} {
    %mul3A = arith.constant 2 : i32
    %mul3A_0 = arith.muli %arg1, %mul3A : i32
    %add3A = arith.addi %mul3A_0, %arg0 : i32
    "tpu.region"() ({
      %run_scoped3A = tpu.sem_alloc : memref<!tpu.dma_semaphore, #tpu.memory_space<semaphore_mem>>
      tpu.enqueue_dma source(%arg5 : memref<128x128xf32, #tpu.memory_space<hbm>>) target(%arg12 : memref<128x128xf32, #tpu.memory_space<vmem>>) target_semaphore(%run_scoped3A : memref<!tpu.dma_semaphore, #tpu.memory_space<semaphore_mem>>)
      tpu.wait_dma2 semaphore(%run_scoped3A : memref<!tpu.dma_semaphore, #tpu.memory_space<semaphore_mem>>) src(%arg5 : memref<128x128xf32, #tpu.memory_space<hbm>>) dst(%arg12 : memref<128x128xf32, #tpu.memory_space<vmem>>)
      tpu.yield
    }) : () -> ()
    %mul3A_1 = arith.constant 640 : i32
    %mul3A_2 = arith.muli %arg1, %mul3A_1 : i32
    %add3A_3 = arith.constant 0 : i32
    %add3A_4 = arith.addi %mul3A_2, %add3A_3 : i32
    "tpu.region"() ({
      %run_scoped3A = tpu.sem_alloc : memref<!tpu.dma_semaphore, #tpu.memory_space<semaphore_mem>>
      %dma_start3A = arith.constant 0 : i32
      %dma_start3A_98 = tpu.memref_slice %arg13[%add3A_4, %dma_start3A] : memref<10240x128xf32, #tpu.memory_space<vmem_shared>> -> memref<128x128xf32, #tpu.memory_space<vmem_shared>>
      %dma_start3A_99 = arith.constant 0 : i32
      %dma_start3A_100 = tpu.memref_slice %arg13[%add3A_4, %dma_start3A_99] : memref<10240x128xf32, #tpu.memory_space<vmem_shared>> -> memref<128x128xf32, #tpu.memory_space<vmem_shared>>
      tpu.enqueue_dma source(%arg12 : memref<128x128xf32, #tpu.memory_space<vmem>>) target(%dma_start3A_100 : memref<128x128xf32, #tpu.memory_space<vmem_shared>>) target_semaphore(%run_scoped3A : memref<!tpu.dma_semaphore, #tpu.memory_space<semaphore_mem>>)
      %dma_wait3A = arith.constant 0 : i32
      %dma_wait3A_101 = tpu.memref_slice %arg13[%add3A_4, %dma_wait3A] : memref<10240x128xf32, #tpu.memory_space<vmem_shared>> -> memref<128x128xf32, #tpu.memory_space<vmem_shared>>
      %dma_wait3A_102 = arith.constant 0 : i32
      %dma_wait3A_103 = tpu.memref_slice %arg13[%add3A_4, %dma_wait3A_102] : memref<10240x128xf32, #tpu.memory_space<vmem_shared>> -> memref<128x128xf32, #tpu.memory_space<vmem_shared>>
      tpu.wait_dma2 semaphore(%run_scoped3A : memref<!tpu.dma_semaphore, #tpu.memory_space<semaphore_mem>>) src(%arg12 : memref<128x128xf32, #tpu.memory_space<vmem>>) dst(%dma_wait3A_103 : memref<128x128xf32, #tpu.memory_space<vmem_shared>>)
      tpu.yield
    }) : () -> ()
    %mul3A_5 = arith.constant 640 : i32
    %mul3A_6 = arith.muli %arg1, %mul3A_5 : i32
    %add3A_7 = arith.constant 128 : i32
    %add3A_8 = arith.addi %mul3A_6, %add3A_7 : i32
    "tpu.region"() ({
      %run_scoped3A = tpu.sem_alloc : memref<!tpu.dma_semaphore, #tpu.memory_space<semaphore_mem>>
      %dma_start3A = arith.constant 0 : i32
      %dma_start3A_98 = tpu.memref_slice %arg13[%add3A_8, %dma_start3A] : memref<10240x128xf32, #tpu.memory_space<vmem_shared>> -> memref<128x128xf32, #tpu.memory_space<vmem_shared>>
      %dma_start3A_99 = arith.constant 0 : i32
      %dma_start3A_100 = tpu.memref_slice %arg13[%add3A_8, %dma_start3A_99] : memref<10240x128xf32, #tpu.memory_space<vmem_shared>> -> memref<128x128xf32, #tpu.memory_space<vmem_shared>>
      tpu.enqueue_dma source(%arg12 : memref<128x128xf32, #tpu.memory_space<vmem>>) target(%dma_start3A_100 : memref<128x128xf32, #tpu.memory_space<vmem_shared>>) target_semaphore(%run_scoped3A : memref<!tpu.dma_semaphore, #tpu.memory_space<semaphore_mem>>)
      %dma_wait3A = arith.constant 0 : i32
      %dma_wait3A_101 = tpu.memref_slice %arg13[%add3A_8, %dma_wait3A] : memref<10240x128xf32, #tpu.memory_space<vmem_shared>> -> memref<128x128xf32, #tpu.memory_space<vmem_shared>>
      %dma_wait3A_102 = arith.constant 0 : i32
      %dma_wait3A_103 = tpu.memref_slice %arg13[%add3A_8, %dma_wait3A_102] : memref<10240x128xf32, #tpu.memory_space<vmem_shared>> -> memref<128x128xf32, #tpu.memory_space<vmem_shared>>
      tpu.wait_dma2 semaphore(%run_scoped3A : memref<!tpu.dma_semaphore, #tpu.memory_space<semaphore_mem>>) src(%arg12 : memref<128x128xf32, #tpu.memory_space<vmem>>) dst(%dma_wait3A_103 : memref<128x128xf32, #tpu.memory_space<vmem_shared>>)
      tpu.yield
    }) : () -> ()
    %mul3A_9 = arith.constant 640 : i32
    %mul3A_10 = arith.muli %arg1, %mul3A_9 : i32
    %add3A_11 = arith.constant 256 : i32
    %add3A_12 = arith.addi %mul3A_10, %add3A_11 : i32
    "tpu.region"() ({
      %run_scoped3A = tpu.sem_alloc : memref<!tpu.dma_semaphore, #tpu.memory_space<semaphore_mem>>
      %dma_start3A = arith.constant 0 : i32
      %dma_start3A_98 = tpu.memref_slice %arg13[%add3A_12, %dma_start3A] : memref<10240x128xf32, #tpu.memory_space<vmem_shared>> -> memref<128x128xf32, #tpu.memory_space<vmem_shared>>
      %dma_start3A_99 = arith.constant 0 : i32
      %dma_start3A_100 = tpu.memref_slice %arg13[%add3A_12, %dma_start3A_99] : memref<10240x128xf32, #tpu.memory_space<vmem_shared>> -> memref<128x128xf32, #tpu.memory_space<vmem_shared>>
      tpu.enqueue_dma source(%arg12 : memref<128x128xf32, #tpu.memory_space<vmem>>) target(%dma_start3A_100 : memref<128x128xf32, #tpu.memory_space<vmem_shared>>) target_semaphore(%run_scoped3A : memref<!tpu.dma_semaphore, #tpu.memory_space<semaphore_mem>>)
      %dma_wait3A = arith.constant 0 : i32
      %dma_wait3A_101 = tpu.memref_slice %arg13[%add3A_12, %dma_wait3A] : memref<10240x128xf32, #tpu.memory_space<vmem_shared>> -> memref<128x128xf32, #tpu.memory_space<vmem_shared>>
      %dma_wait3A_102 = arith.constant 0 : i32
      %dma_wait3A_103 = tpu.memref_slice %arg13[%add3A_12, %dma_wait3A_102] : memref<10240x128xf32, #tpu.memory_space<vmem_shared>> -> memref<128x128xf32, #tpu.memory_space<vmem_shared>>
      tpu.wait_dma2 semaphore(%run_scoped3A : memref<!tpu.dma_semaphore, #tpu.memory_space<semaphore_mem>>) src(%arg12 : memref<128x128xf32, #tpu.memory_space<vmem>>) dst(%dma_wait3A_103 : memref<128x128xf32, #tpu.memory_space<vmem_shared>>)
      tpu.yield
    }) : () -> ()
    %mul3A_13 = arith.constant 640 : i32
    %mul3A_14 = arith.muli %arg1, %mul3A_13 : i32
    %add3A_15 = arith.constant 384 : i32
    %add3A_16 = arith.addi %mul3A_14, %add3A_15 : i32
    "tpu.region"() ({
      %run_scoped3A = tpu.sem_alloc : memref<!tpu.dma_semaphore, #tpu.memory_space<semaphore_mem>>
      %dma_start3A = arith.constant 0 : i32
      %dma_start3A_98 = tpu.memref_slice %arg13[%add3A_16, %dma_start3A] : memref<10240x128xf32, #tpu.memory_space<vmem_shared>> -> memref<128x128xf32, #tpu.memory_space<vmem_shared>>
      %dma_start3A_99 = arith.constant 0 : i32
      %dma_start3A_100 = tpu.memref_slice %arg13[%add3A_16, %dma_start3A_99] : memref<10240x128xf32, #tpu.memory_space<vmem_shared>> -> memref<128x128xf32, #tpu.memory_space<vmem_shared>>
      tpu.enqueue_dma source(%arg12 : memref<128x128xf32, #tpu.memory_space<vmem>>) target(%dma_start3A_100 : memref<128x128xf32, #tpu.memory_space<vmem_shared>>) target_semaphore(%run_scoped3A : memref<!tpu.dma_semaphore, #tpu.memory_space<semaphore_mem>>)
      %dma_wait3A = arith.constant 0 : i32
      %dma_wait3A_101 = tpu.memref_slice %arg13[%add3A_16, %dma_wait3A] : memref<10240x128xf32, #tpu.memory_space<vmem_shared>> -> memref<128x128xf32, #tpu.memory_space<vmem_shared>>
      %dma_wait3A_102 = arith.constant 0 : i32
      %dma_wait3A_103 = tpu.memref_slice %arg13[%add3A_16, %dma_wait3A_102] : memref<10240x128xf32, #tpu.memory_space<vmem_shared>> -> memref<128x128xf32, #tpu.memory_space<vmem_shared>>
      tpu.wait_dma2 semaphore(%run_scoped3A : memref<!tpu.dma_semaphore, #tpu.memory_space<semaphore_mem>>) src(%arg12 : memref<128x128xf32, #tpu.memory_space<vmem>>) dst(%dma_wait3A_103 : memref<128x128xf32, #tpu.memory_space<vmem_shared>>)
      tpu.yield
    }) : () -> ()
    %mul3A_17 = arith.constant 640 : i32
    %mul3A_18 = arith.muli %arg1, %mul3A_17 : i32
    %add3A_19 = arith.constant 512 : i32
    %add3A_20 = arith.addi %mul3A_18, %add3A_19 : i32
    "tpu.region"() ({
      %run_scoped3A = tpu.sem_alloc : memref<!tpu.dma_semaphore, #tpu.memory_space<semaphore_mem>>
      %dma_start3A = arith.constant 0 : i32
      %dma_start3A_98 = tpu.memref_slice %arg13[%add3A_20, %dma_start3A] : memref<10240x128xf32, #tpu.memory_space<vmem_shared>> -> memref<128x128xf32, #tpu.memory_space<vmem_shared>>
      %dma_start3A_99 = arith.constant 0 : i32
      %dma_start3A_100 = tpu.memref_slice %arg13[%add3A_20, %dma_start3A_99] : memref<10240x128xf32, #tpu.memory_space<vmem_shared>> -> memref<128x128xf32, #tpu.memory_space<vmem_shared>>
      tpu.enqueue_dma source(%arg12 : memref<128x128xf32, #tpu.memory_space<vmem>>) target(%dma_start3A_100 : memref<128x128xf32, #tpu.memory_space<vmem_shared>>) target_semaphore(%run_scoped3A : memref<!tpu.dma_semaphore, #tpu.memory_space<semaphore_mem>>)
      %dma_wait3A = arith.constant 0 : i32
      %dma_wait3A_101 = tpu.memref_slice %arg13[%add3A_20, %dma_wait3A] : memref<10240x128xf32, #tpu.memory_space<vmem_shared>> -> memref<128x128xf32, #tpu.memory_space<vmem_shared>>
      %dma_wait3A_102 = arith.constant 0 : i32
      %dma_wait3A_103 = tpu.memref_slice %arg13[%add3A_20, %dma_wait3A_102] : memref<10240x128xf32, #tpu.memory_space<vmem_shared>> -> memref<128x128xf32, #tpu.memory_space<vmem_shared>>
      tpu.wait_dma2 semaphore(%run_scoped3A : memref<!tpu.dma_semaphore, #tpu.memory_space<semaphore_mem>>) src(%arg12 : memref<128x128xf32, #tpu.memory_space<vmem>>) dst(%dma_wait3A_103 : memref<128x128xf32, #tpu.memory_space<vmem_shared>>)
      tpu.yield
    }) : () -> ()
    "tpu.region"() ({
      %run_scoped3A = tpu.sem_alloc : memref<!tpu.dma_semaphore, #tpu.memory_space<semaphore_mem>>
      tpu.enqueue_dma source(%arg6 : memref<10240xf32, #tpu.memory_space<hbm>>) target(%arg15 : memref<10240xf32, #tpu.memory_space<vmem>>) target_semaphore(%run_scoped3A : memref<!tpu.dma_semaphore, #tpu.memory_space<semaphore_mem>>)
      tpu.wait_dma2 semaphore(%run_scoped3A : memref<!tpu.dma_semaphore, #tpu.memory_space<semaphore_mem>>) src(%arg6 : memref<10240xf32, #tpu.memory_space<hbm>>) dst(%arg15 : memref<10240xf32, #tpu.memory_space<vmem>>)
      tpu.yield
    }) : () -> ()
    %barrier3A = arith.constant 0 : index
    tpu.barrier barrier_id(%barrier3A)
    %mul3A_21 = arith.constant 79 : i32
    %mul3A_22 = arith.muli %add3A, %mul3A_21 : i32
    %mul3A_23 = arith.constant 128 : i32
    %mul3A_24 = arith.muli %mul3A_22, %mul3A_23 : i32
    %broadcast_in_dim3A = arith.constant 1.000000e+00 : f32
    %broadcast_in_dim3A_25 = vector.broadcast %broadcast_in_dim3A : f32 to vector<16xf32>
    %scan3A = arith.constant 0 : i32
    %scan3A_26 = arith.constant 79 : i32
    %scan3A_27 = arith.addi %scan3A, %scan3A_26 : i32
    %scan3A_28 = arith.constant 1 : i32
    scf.for %scan3A_98 = %scan3A to %scan3A_27 step %scan3A_28  : i32 {
      %mul3A_99 = arith.constant 1 : i32
      %mul3A_100 = arith.muli %scan3A_98, %mul3A_99 : i32
      %add3A_101 = arith.constant 0 : i32
      %add3A_102 = arith.addi %add3A_101, %mul3A_100 : i32
      %mul3A_103 = arith.constant 128 : i32
      %mul3A_104 = arith.muli %add3A_102, %mul3A_103 : i32
      %add3A_105 = arith.addi %mul3A_24, %mul3A_104 : i32
      %multiple_of3A = tpu.assume_multiple %add3A_105, 128 : i32
      "tpu.region"() ({
        %run_scoped3A_142 = tpu.sem_alloc : memref<!tpu.dma_semaphore, #tpu.memory_space<semaphore_mem>>
        %dma_start3A_143 = tpu.memref_slice %arg3[%multiple_of3A] : memref<323584xi32, #tpu.memory_space<hbm>> -> memref<128xi32, #tpu.memory_space<hbm>>
        %dma_start3A_144 = tpu.memref_slice %arg3[%multiple_of3A] : memref<323584xi32, #tpu.memory_space<hbm>> -> memref<128xi32, #tpu.memory_space<hbm>>
        tpu.enqueue_dma source(%dma_start3A_144 : memref<128xi32, #tpu.memory_space<hbm>>) target(%arg10 : memref<128xi32, #tpu.memory_space<vmem>>) target_semaphore(%run_scoped3A_142 : memref<!tpu.dma_semaphore, #tpu.memory_space<semaphore_mem>>)
        %dma_wait3A_145 = tpu.memref_slice %arg3[%multiple_of3A] : memref<323584xi32, #tpu.memory_space<hbm>> -> memref<128xi32, #tpu.memory_space<hbm>>
        %dma_wait3A_146 = tpu.memref_slice %arg3[%multiple_of3A] : memref<323584xi32, #tpu.memory_space<hbm>> -> memref<128xi32, #tpu.memory_space<hbm>>
        tpu.wait_dma2 semaphore(%run_scoped3A_142 : memref<!tpu.dma_semaphore, #tpu.memory_space<semaphore_mem>>) src(%dma_wait3A_146 : memref<128xi32, #tpu.memory_space<hbm>>) dst(%arg10 : memref<128xi32, #tpu.memory_space<vmem>>)
        tpu.yield
      }) : () -> ()
      %run_scoped3A = arith.constant 0 : i32
      "tpu.region"() ({
        %run_scoped3A_142 = tpu.sem_alloc : memref<!tpu.dma_semaphore, #tpu.memory_space<semaphore_mem>>
        %dma_start3A_143 = arith.constant 0 : i32
        %dma_start3A_144 = tpu.memref_slice %arg11[%run_scoped3A, %dma_start3A_143] : memref<1x128xi32, #tpu.memory_space<vmem>> -> memref<1x128xi32, #tpu.memory_space<vmem>>
        %dma_start3A_145 = tpu.memref_squeeze %dma_start3A_144 : memref<1x128xi32, #tpu.memory_space<vmem>> -> memref<128xi32, #tpu.memory_space<vmem>>
        %dma_start3A_146 = tpu.memref_slice %arg4[%multiple_of3A] : memref<323584xi32, #tpu.memory_space<hbm>> -> memref<128xi32, #tpu.memory_space<hbm>>
        %dma_start3A_147 = arith.constant 0 : i32
        %dma_start3A_148 = tpu.memref_slice %arg11[%run_scoped3A, %dma_start3A_147] : memref<1x128xi32, #tpu.memory_space<vmem>> -> memref<1x128xi32, #tpu.memory_space<vmem>>
        %dma_start3A_149 = tpu.memref_squeeze %dma_start3A_148 : memref<1x128xi32, #tpu.memory_space<vmem>> -> memref<128xi32, #tpu.memory_space<vmem>>
        %dma_start3A_150 = tpu.memref_slice %arg4[%multiple_of3A] : memref<323584xi32, #tpu.memory_space<hbm>> -> memref<128xi32, #tpu.memory_space<hbm>>
        tpu.enqueue_dma source(%dma_start3A_150 : memref<128xi32, #tpu.memory_space<hbm>>) target(%dma_start3A_149 : memref<128xi32, #tpu.memory_space<vmem>>) target_semaphore(%run_scoped3A_142 : memref<!tpu.dma_semaphore, #tpu.memory_space<semaphore_mem>>)
        %dma_wait3A_151 = arith.constant 0 : i32
        %dma_wait3A_152 = tpu.memref_slice %arg11[%run_scoped3A, %dma_wait3A_151] : memref<1x128xi32, #tpu.memory_space<vmem>> -> memref<1x128xi32, #tpu.memory_space<vmem>>
        %dma_wait3A_153 = tpu.memref_squeeze %dma_wait3A_152 : memref<1x128xi32, #tpu.memory_space<vmem>> -> memref<128xi32, #tpu.memory_space<vmem>>
        %dma_wait3A_154 = tpu.memref_slice %arg4[%multiple_of3A] : memref<323584xi32, #tpu.memory_space<hbm>> -> memref<128xi32, #tpu.memory_space<hbm>>
        %dma_wait3A_155 = arith.constant 0 : i32
        %dma_wait3A_156 = tpu.memref_slice %arg11[%run_scoped3A, %dma_wait3A_155] : memref<1x128xi32, #tpu.memory_space<vmem>> -> memref<1x128xi32, #tpu.memory_space<vmem>>
        %dma_wait3A_157 = tpu.memref_squeeze %dma_wait3A_156 : memref<1x128xi32, #tpu.memory_space<vmem>> -> memref<128xi32, #tpu.memory_space<vmem>>
        %dma_wait3A_158 = tpu.memref_slice %arg4[%multiple_of3A] : memref<323584xi32, #tpu.memory_space<hbm>> -> memref<128xi32, #tpu.memory_space<hbm>>
        tpu.wait_dma2 semaphore(%run_scoped3A_142 : memref<!tpu.dma_semaphore, #tpu.memory_space<semaphore_mem>>) src(%dma_wait3A_158 : memref<128xi32, #tpu.memory_space<hbm>>) dst(%dma_wait3A_157 : memref<128xi32, #tpu.memory_space<vmem>>)
        tpu.yield
      }) : () -> ()
      %dma_start3A = arith.constant 0 : i32
      %dma_start3A_106 = arith.constant 0 : i32
      %dma_start3A_107 = tpu.memref_slice %arg2[%dma_start3A, %dma_start3A_106] : memref<10240x128xf32, #tpu.memory_space<hbm>> -> memref<10240x128xf32, #tpu.memory_space<hbm>>
      tpu.enqueue_indirect_dma source(%dma_start3A_107 : memref<10240x128xf32, #tpu.memory_space<hbm>>) target(%arg12 : memref<128x128xf32, #tpu.memory_space<vmem>>) offsets(%arg10 : memref<128xi32, #tpu.memory_space<vmem>>) semaphore(%arg14 : memref<!tpu.dma_semaphore, #tpu.memory_space<semaphore_mem>>)
      %dma_wait3A = arith.constant 0 : i32
      %dma_wait3A_108 = arith.constant 0 : i32
      %dma_wait3A_109 = tpu.memref_slice %arg2[%dma_wait3A, %dma_wait3A_108] : memref<10240x128xf32, #tpu.memory_space<hbm>> -> memref<10240x128xf32, #tpu.memory_space<hbm>>
      tpu.wait_indirect_dma semaphore(%arg14 : memref<!tpu.dma_semaphore, #tpu.memory_space<semaphore_mem>>) src(%dma_wait3A_109 : memref<10240x128xf32, #tpu.memory_space<hbm>>) dst(%arg12 : memref<128x128xf32, #tpu.memory_space<vmem>>)
      %run_scoped3A_110 = arith.constant 0 : i32
      "tpu.region"() ({
        %run_scoped3A_142 = tpu.sem_alloc : memref<!tpu.dma_semaphore, #tpu.memory_space<semaphore_mem>>
        %dma_start3A_143 = arith.constant 0 : i32
        %dma_start3A_144 = tpu.memref_slice %arg11[%run_scoped3A_110, %dma_start3A_143] : memref<1x128xi32, #tpu.memory_space<vmem>> -> memref<1x128xi32, #tpu.memory_space<vmem>>
        %dma_start3A_145 = tpu.memref_squeeze %dma_start3A_144 : memref<1x128xi32, #tpu.memory_space<vmem>> -> memref<128xi32, #tpu.memory_space<vmem>>
        %dma_start3A_146 = arith.constant 0 : i32
        %dma_start3A_147 = arith.constant 0 : i32
        %dma_start3A_148 = tpu.memref_slice %arg13[%dma_start3A_146, %dma_start3A_147] : memref<10240x128xf32, #tpu.memory_space<vmem_shared>> -> memref<10240x128xf32, #tpu.memory_space<vmem_shared>>
        tpu.enqueue_indirect_dma source(%arg12 : memref<128x128xf32, #tpu.memory_space<vmem>>) target(%dma_start3A_148 : memref<10240x128xf32, #tpu.memory_space<vmem_shared>>) offsets(%dma_start3A_145 : memref<128xi32, #tpu.memory_space<vmem>>) semaphore(%run_scoped3A_142 : memref<!tpu.dma_semaphore, #tpu.memory_space<semaphore_mem>>) {add = true}
        %dma_wait3A_149 = arith.constant 0 : i32
        %dma_wait3A_150 = tpu.memref_slice %arg11[%run_scoped3A_110, %dma_wait3A_149] : memref<1x128xi32, #tpu.memory_space<vmem>> -> memref<1x128xi32, #tpu.memory_space<vmem>>
        %dma_wait3A_151 = tpu.memref_squeeze %dma_wait3A_150 : memref<1x128xi32, #tpu.memory_space<vmem>> -> memref<128xi32, #tpu.memory_space<vmem>>
        %dma_wait3A_152 = arith.constant 0 : i32
        %dma_wait3A_153 = arith.constant 0 : i32
        %dma_wait3A_154 = tpu.memref_slice %arg13[%dma_wait3A_152, %dma_wait3A_153] : memref<10240x128xf32, #tpu.memory_space<vmem_shared>> -> memref<10240x128xf32, #tpu.memory_space<vmem_shared>>
        tpu.wait_indirect_dma semaphore(%run_scoped3A_142 : memref<!tpu.dma_semaphore, #tpu.memory_space<semaphore_mem>>) src(%arg12 : memref<128x128xf32, #tpu.memory_space<vmem>>) dst(%dma_wait3A_154 : memref<10240x128xf32, #tpu.memory_space<vmem_shared>>)
        tpu.yield
      }) : () -> ()
      %get3A = arith.constant 0 : i32
      %get3A_111 = arith.index_cast %get3A : i32 to index
      %get3A_112 = arith.constant 0 : index
      %get3A_113 = tpu.vector_load %arg11[%get3A_111, %get3A_112] {strides = array<i32>} : memref<1x128xi32, #tpu.memory_space<vmem>>, vector<16xi32>,
      tpu.vector_store_idx %arg15[%get3A_113], %broadcast_in_dim3A_25 {add = true} : memref<10240xf32, #tpu.memory_space<vmem>>[vector<16xi32>], vector<16xf32>,
      %get3A_114 = arith.constant 0 : i32
      %get3A_115 = arith.index_cast %get3A_114 : i32 to index
      %get3A_116 = arith.constant 16 : index
      %get3A_117 = tpu.vector_load %arg11[%get3A_115, %get3A_116] {strides = array<i32>} : memref<1x128xi32, #tpu.memory_space<vmem>>, vector<16xi32>,
      tpu.vector_store_idx %arg15[%get3A_117], %broadcast_in_dim3A_25 {add = true} : memref<10240xf32, #tpu.memory_space<vmem>>[vector<16xi32>], vector<16xf32>,
      %get3A_118 = arith.constant 0 : i32
      %get3A_119 = arith.index_cast %get3A_118 : i32 to index
      %get3A_120 = arith.constant 32 : index
      %get3A_121 = tpu.vector_load %arg11[%get3A_119, %get3A_120] {strides = array<i32>} : memref<1x128xi32, #tpu.memory_space<vmem>>, vector<16xi32>,
      tpu.vector_store_idx %arg15[%get3A_121], %broadcast_in_dim3A_25 {add = true} : memref<10240xf32, #tpu.memory_space<vmem>>[vector<16xi32>], vector<16xf32>,
      %get3A_122 = arith.constant 0 : i32
      %get3A_123 = arith.index_cast %get3A_122 : i32 to index
      %get3A_124 = arith.constant 48 : index
      %get3A_125 = tpu.vector_load %arg11[%get3A_123, %get3A_124] {strides = array<i32>} : memref<1x128xi32, #tpu.memory_space<vmem>>, vector<16xi32>,
      tpu.vector_store_idx %arg15[%get3A_125], %broadcast_in_dim3A_25 {add = true} : memref<10240xf32, #tpu.memory_space<vmem>>[vector<16xi32>], vector<16xf32>,
      %get3A_126 = arith.constant 0 : i32
      %get3A_127 = arith.index_cast %get3A_126 : i32 to index
      %get3A_128 = arith.constant 64 : index
      %get3A_129 = tpu.vector_load %arg11[%get3A_127, %get3A_128] {strides = array<i32>} : memref<1x128xi32, #tpu.memory_space<vmem>>, vector<16xi32>,
      tpu.vector_store_idx %arg15[%get3A_129], %broadcast_in_dim3A_25 {add = true} : memref<10240xf32, #tpu.memory_space<vmem>>[vector<16xi32>], vector<16xf32>,
      %get3A_130 = arith.constant 0 : i32
      %get3A_131 = arith.index_cast %get3A_130 : i32 to index
      %get3A_132 = arith.constant 80 : index
      %get3A_133 = tpu.vector_load %arg11[%get3A_131, %get3A_132] {strides = array<i32>} : memref<1x128xi32, #tpu.memory_space<vmem>>, vector<16xi32>,
      tpu.vector_store_idx %arg15[%get3A_133], %broadcast_in_dim3A_25 {add = true} : memref<10240xf32, #tpu.memory_space<vmem>>[vector<16xi32>], vector<16xf32>,
      %get3A_134 = arith.constant 0 : i32
      %get3A_135 = arith.index_cast %get3A_134 : i32 to index
      %get3A_136 = arith.constant 96 : index
      %get3A_137 = tpu.vector_load %arg11[%get3A_135, %get3A_136] {strides = array<i32>} : memref<1x128xi32, #tpu.memory_space<vmem>>, vector<16xi32>,
      tpu.vector_store_idx %arg15[%get3A_137], %broadcast_in_dim3A_25 {add = true} : memref<10240xf32, #tpu.memory_space<vmem>>[vector<16xi32>], vector<16xf32>,
      %get3A_138 = arith.constant 0 : i32
      %get3A_139 = arith.index_cast %get3A_138 : i32 to index
      %get3A_140 = arith.constant 112 : index
      %get3A_141 = tpu.vector_load %arg11[%get3A_139, %get3A_140] {strides = array<i32>} : memref<1x128xi32, #tpu.memory_space<vmem>>, vector<16xi32>,
      tpu.vector_store_idx %arg15[%get3A_141], %broadcast_in_dim3A_25 {add = true} : memref<10240xf32, #tpu.memory_space<vmem>>[vector<16xi32>], vector<16xf32>,
    }
    %scan3A_29 = arith.constant 79 : i32
    %barrier3A_30 = arith.constant 0 : index
    tpu.barrier barrier_id(%barrier3A_30)
    "tpu.region"() ({
      %run_scoped3A = tpu.sem_alloc : memref<!tpu.dma_semaphore, #tpu.memory_space<semaphore_mem>>
      %dma_start3A = arith.constant 0 : i32
      %dma_start3A_98 = tpu.memref_slice %arg9[%add3A, %dma_start3A] : memref<32x10240xf32, #tpu.memory_space<hbm>> -> memref<1x10240xf32, #tpu.memory_space<hbm>>
      %dma_start3A_99 = tpu.memref_squeeze %dma_start3A_98 : memref<1x10240xf32, #tpu.memory_space<hbm>> -> memref<10240xf32, #tpu.memory_space<hbm>>
      %dma_start3A_100 = arith.constant 0 : i32
      %dma_start3A_101 = tpu.memref_slice %arg9[%add3A, %dma_start3A_100] : memref<32x10240xf32, #tpu.memory_space<hbm>> -> memref<1x10240xf32, #tpu.memory_space<hbm>>
      %dma_start3A_102 = tpu.memref_squeeze %dma_start3A_101 : memref<1x10240xf32, #tpu.memory_space<hbm>> -> memref<10240xf32, #tpu.memory_space<hbm>>
      tpu.enqueue_dma source(%arg15 : memref<10240xf32, #tpu.memory_space<vmem>>) target(%dma_start3A_102 : memref<10240xf32, #tpu.memory_space<hbm>>) target_semaphore(%run_scoped3A : memref<!tpu.dma_semaphore, #tpu.memory_space<semaphore_mem>>)
      %dma_wait3A = arith.constant 0 : i32
      %dma_wait3A_103 = tpu.memref_slice %arg9[%add3A, %dma_wait3A] : memref<32x10240xf32, #tpu.memory_space<hbm>> -> memref<1x10240xf32, #tpu.memory_space<hbm>>
      %dma_wait3A_104 = tpu.memref_squeeze %dma_wait3A_103 : memref<1x10240xf32, #tpu.memory_space<hbm>> -> memref<10240xf32, #tpu.memory_space<hbm>>
      %dma_wait3A_105 = arith.constant 0 : i32
      %dma_wait3A_106 = tpu.memref_slice %arg9[%add3A, %dma_wait3A_105] : memref<32x10240xf32, #tpu.memory_space<hbm>> -> memref<1x10240xf32, #tpu.memory_space<hbm>>
      %dma_wait3A_107 = tpu.memref_squeeze %dma_wait3A_106 : memref<1x10240xf32, #tpu.memory_space<hbm>> -> memref<10240xf32, #tpu.memory_space<hbm>>
      tpu.wait_dma2 semaphore(%run_scoped3A : memref<!tpu.dma_semaphore, #tpu.memory_space<semaphore_mem>>) src(%arg15 : memref<10240xf32, #tpu.memory_space<vmem>>) dst(%dma_wait3A_107 : memref<10240xf32, #tpu.memory_space<hbm>>)
      tpu.yield
    }) : () -> ()
    %mul3A_31 = arith.constant 640 : i32
    %mul3A_32 = arith.muli %arg1, %mul3A_31 : i32
    %add3A_33 = arith.constant 0 : i32
    %add3A_34 = arith.addi %mul3A_32, %add3A_33 : i32
    "tpu.region"() ({
      %run_scoped3A = tpu.sem_alloc : memref<!tpu.dma_semaphore, #tpu.memory_space<semaphore_mem>>
      %dma_start3A = arith.constant 0 : i32
      %dma_start3A_98 = tpu.memref_slice %arg13[%add3A_34, %dma_start3A] : memref<10240x128xf32, #tpu.memory_space<vmem_shared>> -> memref<128x128xf32, #tpu.memory_space<vmem_shared>>
      %dma_start3A_99 = arith.constant 0 : i32
      %dma_start3A_100 = tpu.memref_slice %arg13[%add3A_34, %dma_start3A_99] : memref<10240x128xf32, #tpu.memory_space<vmem_shared>> -> memref<128x128xf32, #tpu.memory_space<vmem_shared>>
      tpu.enqueue_dma source(%dma_start3A_100 : memref<128x128xf32, #tpu.memory_space<vmem_shared>>) target(%arg12 : memref<128x128xf32, #tpu.memory_space<vmem>>) target_semaphore(%run_scoped3A : memref<!tpu.dma_semaphore, #tpu.memory_space<semaphore_mem>>)
      %dma_wait3A = arith.constant 0 : i32
      %dma_wait3A_101 = tpu.memref_slice %arg13[%add3A_34, %dma_wait3A] : memref<10240x128xf32, #tpu.memory_space<vmem_shared>> -> memref<128x128xf32, #tpu.memory_space<vmem_shared>>
      %dma_wait3A_102 = arith.constant 0 : i32
      %dma_wait3A_103 = tpu.memref_slice %arg13[%add3A_34, %dma_wait3A_102] : memref<10240x128xf32, #tpu.memory_space<vmem_shared>> -> memref<128x128xf32, #tpu.memory_space<vmem_shared>>
      tpu.wait_dma2 semaphore(%run_scoped3A : memref<!tpu.dma_semaphore, #tpu.memory_space<semaphore_mem>>) src(%dma_wait3A_103 : memref<128x128xf32, #tpu.memory_space<vmem_shared>>) dst(%arg12 : memref<128x128xf32, #tpu.memory_space<vmem>>)
      tpu.yield
    }) : () -> ()
    %eq3A = arith.constant 0 : i32
    %eq3A_35 = arith.cmpi eq, %arg0, %eq3A : i32
    %convert_element_type3A = arith.extui %eq3A_35 : i1 to i32
    %cond3A = arith.constant 0 : i32
    %cond3A_36 = arith.cmpi ne, %convert_element_type3A, %cond3A : i32
    scf.if %cond3A_36 {
      "tpu.region"() ({
        %run_scoped3A = tpu.sem_alloc : memref<!tpu.dma_semaphore, #tpu.memory_space<semaphore_mem>>
        %dma_start3A = arith.constant 0 : i32
        %dma_start3A_98 = tpu.memref_slice %arg7[%add3A_34, %dma_start3A] : memref<10240x128xf32, #tpu.memory_space<hbm>> -> memref<128x128xf32, #tpu.memory_space<hbm>>
        %dma_start3A_99 = arith.constant 0 : i32
        %dma_start3A_100 = tpu.memref_slice %arg7[%add3A_34, %dma_start3A_99] : memref<10240x128xf32, #tpu.memory_space<hbm>> -> memref<128x128xf32, #tpu.memory_space<hbm>>
        tpu.enqueue_dma source(%arg12 : memref<128x128xf32, #tpu.memory_space<vmem>>) target(%dma_start3A_100 : memref<128x128xf32, #tpu.memory_space<hbm>>) target_semaphore(%run_scoped3A : memref<!tpu.dma_semaphore, #tpu.memory_space<semaphore_mem>>)
        %dma_wait3A = arith.constant 0 : i32
        %dma_wait3A_101 = tpu.memref_slice %arg7[%add3A_34, %dma_wait3A] : memref<10240x128xf32, #tpu.memory_space<hbm>> -> memref<128x128xf32, #tpu.memory_space<hbm>>
        %dma_wait3A_102 = arith.constant 0 : i32
        %dma_wait3A_103 = tpu.memref_slice %arg7[%add3A_34, %dma_wait3A_102] : memref<10240x128xf32, #tpu.memory_space<hbm>> -> memref<128x128xf32, #tpu.memory_space<hbm>>
        tpu.wait_dma2 semaphore(%run_scoped3A : memref<!tpu.dma_semaphore, #tpu.memory_space<semaphore_mem>>) src(%arg12 : memref<128x128xf32, #tpu.memory_space<vmem>>) dst(%dma_wait3A_103 : memref<128x128xf32, #tpu.memory_space<hbm>>)
        tpu.yield
      }) : () -> ()
    } else {
    }
    %eq3A_37 = arith.constant 1 : i32
    %eq3A_38 = arith.cmpi eq, %arg0, %eq3A_37 : i32
    %convert_element_type3A_39 = arith.extui %eq3A_38 : i1 to i32
    %cond3A_40 = arith.constant 0 : i32
    %cond3A_41 = arith.cmpi ne, %convert_element_type3A_39, %cond3A_40 : i32
    scf.if %cond3A_41 {
      "tpu.region"() ({
        %run_scoped3A = tpu.sem_alloc : memref<!tpu.dma_semaphore, #tpu.memory_space<semaphore_mem>>
        %dma_start3A = arith.constant 0 : i32
        %dma_start3A_98 = tpu.memref_slice %arg8[%add3A_34, %dma_start3A] : memref<10240x128xf32, #tpu.memory_space<hbm>> -> memref<128x128xf32, #tpu.memory_space<hbm>>
        %dma_start3A_99 = arith.constant 0 : i32
        %dma_start3A_100 = tpu.memref_slice %arg8[%add3A_34, %dma_start3A_99] : memref<10240x128xf32, #tpu.memory_space<hbm>> -> memref<128x128xf32, #tpu.memory_space<hbm>>
        tpu.enqueue_dma source(%arg12 : memref<128x128xf32, #tpu.memory_space<vmem>>) target(%dma_start3A_100 : memref<128x128xf32, #tpu.memory_space<hbm>>) target_semaphore(%run_scoped3A : memref<!tpu.dma_semaphore, #tpu.memory_space<semaphore_mem>>)
        %dma_wait3A = arith.constant 0 : i32
        %dma_wait3A_101 = tpu.memref_slice %arg8[%add3A_34, %dma_wait3A] : memref<10240x128xf32, #tpu.memory_space<hbm>> -> memref<128x128xf32, #tpu.memory_space<hbm>>
        %dma_wait3A_102 = arith.constant 0 : i32
        %dma_wait3A_103 = tpu.memref_slice %arg8[%add3A_34, %dma_wait3A_102] : memref<10240x128xf32, #tpu.memory_space<hbm>> -> memref<128x128xf32, #tpu.memory_space<hbm>>
        tpu.wait_dma2 semaphore(%run_scoped3A : memref<!tpu.dma_semaphore, #tpu.memory_space<semaphore_mem>>) src(%arg12 : memref<128x128xf32, #tpu.memory_space<vmem>>) dst(%dma_wait3A_103 : memref<128x128xf32, #tpu.memory_space<hbm>>)
        tpu.yield
      }) : () -> ()
    } else {
    }
    %mul3A_42 = arith.constant 640 : i32
    %mul3A_43 = arith.muli %arg1, %mul3A_42 : i32
    %add3A_44 = arith.constant 128 : i32
    %add3A_45 = arith.addi %mul3A_43, %add3A_44 : i32
    "tpu.region"() ({
      %run_scoped3A = tpu.sem_alloc : memref<!tpu.dma_semaphore, #tpu.memory_space<semaphore_mem>>
      %dma_start3A = arith.constant 0 : i32
      %dma_start3A_98 = tpu.memref_slice %arg13[%add3A_45, %dma_start3A] : memref<10240x128xf32, #tpu.memory_space<vmem_shared>> -> memref<128x128xf32, #tpu.memory_space<vmem_shared>>
      %dma_start3A_99 = arith.constant 0 : i32
      %dma_start3A_100 = tpu.memref_slice %arg13[%add3A_45, %dma_start3A_99] : memref<10240x128xf32, #tpu.memory_space<vmem_shared>> -> memref<128x128xf32, #tpu.memory_space<vmem_shared>>
      tpu.enqueue_dma source(%dma_start3A_100 : memref<128x128xf32, #tpu.memory_space<vmem_shared>>) target(%arg12 : memref<128x128xf32, #tpu.memory_space<vmem>>) target_semaphore(%run_scoped3A : memref<!tpu.dma_semaphore, #tpu.memory_space<semaphore_mem>>)
      %dma_wait3A = arith.constant 0 : i32
      %dma_wait3A_101 = tpu.memref_slice %arg13[%add3A_45, %dma_wait3A] : memref<10240x128xf32, #tpu.memory_space<vmem_shared>> -> memref<128x128xf32, #tpu.memory_space<vmem_shared>>
      %dma_wait3A_102 = arith.constant 0 : i32
      %dma_wait3A_103 = tpu.memref_slice %arg13[%add3A_45, %dma_wait3A_102] : memref<10240x128xf32, #tpu.memory_space<vmem_shared>> -> memref<128x128xf32, #tpu.memory_space<vmem_shared>>
      tpu.wait_dma2 semaphore(%run_scoped3A : memref<!tpu.dma_semaphore, #tpu.memory_space<semaphore_mem>>) src(%dma_wait3A_103 : memref<128x128xf32, #tpu.memory_space<vmem_shared>>) dst(%arg12 : memref<128x128xf32, #tpu.memory_space<vmem>>)
      tpu.yield
    }) : () -> ()
    %eq3A_46 = arith.constant 0 : i32
    %eq3A_47 = arith.cmpi eq, %arg0, %eq3A_46 : i32
    %convert_element_type3A_48 = arith.extui %eq3A_47 : i1 to i32
    %cond3A_49 = arith.constant 0 : i32
    %cond3A_50 = arith.cmpi ne, %convert_element_type3A_48, %cond3A_49 : i32
    scf.if %cond3A_50 {
      "tpu.region"() ({
        %run_scoped3A = tpu.sem_alloc : memref<!tpu.dma_semaphore, #tpu.memory_space<semaphore_mem>>
        %dma_start3A = arith.constant 0 : i32
        %dma_start3A_98 = tpu.memref_slice %arg7[%add3A_45, %dma_start3A] : memref<10240x128xf32, #tpu.memory_space<hbm>> -> memref<128x128xf32, #tpu.memory_space<hbm>>
        %dma_start3A_99 = arith.constant 0 : i32
        %dma_start3A_100 = tpu.memref_slice %arg7[%add3A_45, %dma_start3A_99] : memref<10240x128xf32, #tpu.memory_space<hbm>> -> memref<128x128xf32, #tpu.memory_space<hbm>>
        tpu.enqueue_dma source(%arg12 : memref<128x128xf32, #tpu.memory_space<vmem>>) target(%dma_start3A_100 : memref<128x128xf32, #tpu.memory_space<hbm>>) target_semaphore(%run_scoped3A : memref<!tpu.dma_semaphore, #tpu.memory_space<semaphore_mem>>)
        %dma_wait3A = arith.constant 0 : i32
        %dma_wait3A_101 = tpu.memref_slice %arg7[%add3A_45, %dma_wait3A] : memref<10240x128xf32, #tpu.memory_space<hbm>> -> memref<128x128xf32, #tpu.memory_space<hbm>>
        %dma_wait3A_102 = arith.constant 0 : i32
        %dma_wait3A_103 = tpu.memref_slice %arg7[%add3A_45, %dma_wait3A_102] : memref<10240x128xf32, #tpu.memory_space<hbm>> -> memref<128x128xf32, #tpu.memory_space<hbm>>
        tpu.wait_dma2 semaphore(%run_scoped3A : memref<!tpu.dma_semaphore, #tpu.memory_space<semaphore_mem>>) src(%arg12 : memref<128x128xf32, #tpu.memory_space<vmem>>) dst(%dma_wait3A_103 : memref<128x128xf32, #tpu.memory_space<hbm>>)
        tpu.yield
      }) : () -> ()
    } else {
    }
    %eq3A_51 = arith.constant 1 : i32
    %eq3A_52 = arith.cmpi eq, %arg0, %eq3A_51 : i32
    %convert_element_type3A_53 = arith.extui %eq3A_52 : i1 to i32
    %cond3A_54 = arith.constant 0 : i32
    %cond3A_55 = arith.cmpi ne, %convert_element_type3A_53, %cond3A_54 : i32
    scf.if %cond3A_55 {
      "tpu.region"() ({
        %run_scoped3A = tpu.sem_alloc : memref<!tpu.dma_semaphore, #tpu.memory_space<semaphore_mem>>
        %dma_start3A = arith.constant 0 : i32
        %dma_start3A_98 = tpu.memref_slice %arg8[%add3A_45, %dma_start3A] : memref<10240x128xf32, #tpu.memory_space<hbm>> -> memref<128x128xf32, #tpu.memory_space<hbm>>
        %dma_start3A_99 = arith.constant 0 : i32
        %dma_start3A_100 = tpu.memref_slice %arg8[%add3A_45, %dma_start3A_99] : memref<10240x128xf32, #tpu.memory_space<hbm>> -> memref<128x128xf32, #tpu.memory_space<hbm>>
        tpu.enqueue_dma source(%arg12 : memref<128x128xf32, #tpu.memory_space<vmem>>) target(%dma_start3A_100 : memref<128x128xf32, #tpu.memory_space<hbm>>) target_semaphore(%run_scoped3A : memref<!tpu.dma_semaphore, #tpu.memory_space<semaphore_mem>>)
        %dma_wait3A = arith.constant 0 : i32
        %dma_wait3A_101 = tpu.memref_slice %arg8[%add3A_45, %dma_wait3A] : memref<10240x128xf32, #tpu.memory_space<hbm>> -> memref<128x128xf32, #tpu.memory_space<hbm>>
        %dma_wait3A_102 = arith.constant 0 : i32
        %dma_wait3A_103 = tpu.memref_slice %arg8[%add3A_45, %dma_wait3A_102] : memref<10240x128xf32, #tpu.memory_space<hbm>> -> memref<128x128xf32, #tpu.memory_space<hbm>>
        tpu.wait_dma2 semaphore(%run_scoped3A : memref<!tpu.dma_semaphore, #tpu.memory_space<semaphore_mem>>) src(%arg12 : memref<128x128xf32, #tpu.memory_space<vmem>>) dst(%dma_wait3A_103 : memref<128x128xf32, #tpu.memory_space<hbm>>)
        tpu.yield
      }) : () -> ()
    } else {
    }
    %mul3A_56 = arith.constant 640 : i32
    %mul3A_57 = arith.muli %arg1, %mul3A_56 : i32
    %add3A_58 = arith.constant 256 : i32
    %add3A_59 = arith.addi %mul3A_57, %add3A_58 : i32
    "tpu.region"() ({
      %run_scoped3A = tpu.sem_alloc : memref<!tpu.dma_semaphore, #tpu.memory_space<semaphore_mem>>
      %dma_start3A = arith.constant 0 : i32
      %dma_start3A_98 = tpu.memref_slice %arg13[%add3A_59, %dma_start3A] : memref<10240x128xf32, #tpu.memory_space<vmem_shared>> -> memref<128x128xf32, #tpu.memory_space<vmem_shared>>
      %dma_start3A_99 = arith.constant 0 : i32
      %dma_start3A_100 = tpu.memref_slice %arg13[%add3A_59, %dma_start3A_99] : memref<10240x128xf32, #tpu.memory_space<vmem_shared>> -> memref<128x128xf32, #tpu.memory_space<vmem_shared>>
      tpu.enqueue_dma source(%dma_start3A_100 : memref<128x128xf32, #tpu.memory_space<vmem_shared>>) target(%arg12 : memref<128x128xf32, #tpu.memory_space<vmem>>) target_semaphore(%run_scoped3A : memref<!tpu.dma_semaphore, #tpu.memory_space<semaphore_mem>>)
      %dma_wait3A = arith.constant 0 : i32
      %dma_wait3A_101 = tpu.memref_slice %arg13[%add3A_59, %dma_wait3A] : memref<10240x128xf32, #tpu.memory_space<vmem_shared>> -> memref<128x128xf32, #tpu.memory_space<vmem_shared>>
      %dma_wait3A_102 = arith.constant 0 : i32
      %dma_wait3A_103 = tpu.memref_slice %arg13[%add3A_59, %dma_wait3A_102] : memref<10240x128xf32, #tpu.memory_space<vmem_shared>> -> memref<128x128xf32, #tpu.memory_space<vmem_shared>>
      tpu.wait_dma2 semaphore(%run_scoped3A : memref<!tpu.dma_semaphore, #tpu.memory_space<semaphore_mem>>) src(%dma_wait3A_103 : memref<128x128xf32, #tpu.memory_space<vmem_shared>>) dst(%arg12 : memref<128x128xf32, #tpu.memory_space<vmem>>)
      tpu.yield
    }) : () -> ()
    %eq3A_60 = arith.constant 0 : i32
    %eq3A_61 = arith.cmpi eq, %arg0, %eq3A_60 : i32
    %convert_element_type3A_62 = arith.extui %eq3A_61 : i1 to i32
    %cond3A_63 = arith.constant 0 : i32
    %cond3A_64 = arith.cmpi ne, %convert_element_type3A_62, %cond3A_63 : i32
    scf.if %cond3A_64 {
      "tpu.region"() ({
        %run_scoped3A = tpu.sem_alloc : memref<!tpu.dma_semaphore, #tpu.memory_space<semaphore_mem>>
        %dma_start3A = arith.constant 0 : i32
        %dma_start3A_98 = tpu.memref_slice %arg7[%add3A_59, %dma_start3A] : memref<10240x128xf32, #tpu.memory_space<hbm>> -> memref<128x128xf32, #tpu.memory_space<hbm>>
        %dma_start3A_99 = arith.constant 0 : i32
        %dma_start3A_100 = tpu.memref_slice %arg7[%add3A_59, %dma_start3A_99] : memref<10240x128xf32, #tpu.memory_space<hbm>> -> memref<128x128xf32, #tpu.memory_space<hbm>>
        tpu.enqueue_dma source(%arg12 : memref<128x128xf32, #tpu.memory_space<vmem>>) target(%dma_start3A_100 : memref<128x128xf32, #tpu.memory_space<hbm>>) target_semaphore(%run_scoped3A : memref<!tpu.dma_semaphore, #tpu.memory_space<semaphore_mem>>)
        %dma_wait3A = arith.constant 0 : i32
        %dma_wait3A_101 = tpu.memref_slice %arg7[%add3A_59, %dma_wait3A] : memref<10240x128xf32, #tpu.memory_space<hbm>> -> memref<128x128xf32, #tpu.memory_space<hbm>>
        %dma_wait3A_102 = arith.constant 0 : i32
        %dma_wait3A_103 = tpu.memref_slice %arg7[%add3A_59, %dma_wait3A_102] : memref<10240x128xf32, #tpu.memory_space<hbm>> -> memref<128x128xf32, #tpu.memory_space<hbm>>
        tpu.wait_dma2 semaphore(%run_scoped3A : memref<!tpu.dma_semaphore, #tpu.memory_space<semaphore_mem>>) src(%arg12 : memref<128x128xf32, #tpu.memory_space<vmem>>) dst(%dma_wait3A_103 : memref<128x128xf32, #tpu.memory_space<hbm>>)
        tpu.yield
      }) : () -> ()
    } else {
    }
    %eq3A_65 = arith.constant 1 : i32
    %eq3A_66 = arith.cmpi eq, %arg0, %eq3A_65 : i32
    %convert_element_type3A_67 = arith.extui %eq3A_66 : i1 to i32
    %cond3A_68 = arith.constant 0 : i32
    %cond3A_69 = arith.cmpi ne, %convert_element_type3A_67, %cond3A_68 : i32
    scf.if %cond3A_69 {
      "tpu.region"() ({
        %run_scoped3A = tpu.sem_alloc : memref<!tpu.dma_semaphore, #tpu.memory_space<semaphore_mem>>
        %dma_start3A = arith.constant 0 : i32
        %dma_start3A_98 = tpu.memref_slice %arg8[%add3A_59, %dma_start3A] : memref<10240x128xf32, #tpu.memory_space<hbm>> -> memref<128x128xf32, #tpu.memory_space<hbm>>
        %dma_start3A_99 = arith.constant 0 : i32
        %dma_start3A_100 = tpu.memref_slice %arg8[%add3A_59, %dma_start3A_99] : memref<10240x128xf32, #tpu.memory_space<hbm>> -> memref<128x128xf32, #tpu.memory_space<hbm>>
        tpu.enqueue_dma source(%arg12 : memref<128x128xf32, #tpu.memory_space<vmem>>) target(%dma_start3A_100 : memref<128x128xf32, #tpu.memory_space<hbm>>) target_semaphore(%run_scoped3A : memref<!tpu.dma_semaphore, #tpu.memory_space<semaphore_mem>>)
        %dma_wait3A = arith.constant 0 : i32
        %dma_wait3A_101 = tpu.memref_slice %arg8[%add3A_59, %dma_wait3A] : memref<10240x128xf32, #tpu.memory_space<hbm>> -> memref<128x128xf32, #tpu.memory_space<hbm>>
        %dma_wait3A_102 = arith.constant 0 : i32
        %dma_wait3A_103 = tpu.memref_slice %arg8[%add3A_59, %dma_wait3A_102] : memref<10240x128xf32, #tpu.memory_space<hbm>> -> memref<128x128xf32, #tpu.memory_space<hbm>>
        tpu.wait_dma2 semaphore(%run_scoped3A : memref<!tpu.dma_semaphore, #tpu.memory_space<semaphore_mem>>) src(%arg12 : memref<128x128xf32, #tpu.memory_space<vmem>>) dst(%dma_wait3A_103 : memref<128x128xf32, #tpu.memory_space<hbm>>)
        tpu.yield
      }) : () -> ()
    } else {
    }
    %mul3A_70 = arith.constant 640 : i32
    %mul3A_71 = arith.muli %arg1, %mul3A_70 : i32
    %add3A_72 = arith.constant 384 : i32
    %add3A_73 = arith.addi %mul3A_71, %add3A_72 : i32
    "tpu.region"() ({
      %run_scoped3A = tpu.sem_alloc : memref<!tpu.dma_semaphore, #tpu.memory_space<semaphore_mem>>
      %dma_start3A = arith.constant 0 : i32
      %dma_start3A_98 = tpu.memref_slice %arg13[%add3A_73, %dma_start3A] : memref<10240x128xf32, #tpu.memory_space<vmem_shared>> -> memref<128x128xf32, #tpu.memory_space<vmem_shared>>
      %dma_start3A_99 = arith.constant 0 : i32
      %dma_start3A_100 = tpu.memref_slice %arg13[%add3A_73, %dma_start3A_99] : memref<10240x128xf32, #tpu.memory_space<vmem_shared>> -> memref<128x128xf32, #tpu.memory_space<vmem_shared>>
      tpu.enqueue_dma source(%dma_start3A_100 : memref<128x128xf32, #tpu.memory_space<vmem_shared>>) target(%arg12 : memref<128x128xf32, #tpu.memory_space<vmem>>) target_semaphore(%run_scoped3A : memref<!tpu.dma_semaphore, #tpu.memory_space<semaphore_mem>>)
      %dma_wait3A = arith.constant 0 : i32
      %dma_wait3A_101 = tpu.memref_slice %arg13[%add3A_73, %dma_wait3A] : memref<10240x128xf32, #tpu.memory_space<vmem_shared>> -> memref<128x128xf32, #tpu.memory_space<vmem_shared>>
      %dma_wait3A_102 = arith.constant 0 : i32
      %dma_wait3A_103 = tpu.memref_slice %arg13[%add3A_73, %dma_wait3A_102] : memref<10240x128xf32, #tpu.memory_space<vmem_shared>> -> memref<128x128xf32, #tpu.memory_space<vmem_shared>>
      tpu.wait_dma2 semaphore(%run_scoped3A : memref<!tpu.dma_semaphore, #tpu.memory_space<semaphore_mem>>) src(%dma_wait3A_103 : memref<128x128xf32, #tpu.memory_space<vmem_shared>>) dst(%arg12 : memref<128x128xf32, #tpu.memory_space<vmem>>)
      tpu.yield
    }) : () -> ()
    %eq3A_74 = arith.constant 0 : i32
    %eq3A_75 = arith.cmpi eq, %arg0, %eq3A_74 : i32
    %convert_element_type3A_76 = arith.extui %eq3A_75 : i1 to i32
    %cond3A_77 = arith.constant 0 : i32
    %cond3A_78 = arith.cmpi ne, %convert_element_type3A_76, %cond3A_77 : i32
    scf.if %cond3A_78 {
      "tpu.region"() ({
        %run_scoped3A = tpu.sem_alloc : memref<!tpu.dma_semaphore, #tpu.memory_space<semaphore_mem>>
        %dma_start3A = arith.constant 0 : i32
        %dma_start3A_98 = tpu.memref_slice %arg7[%add3A_73, %dma_start3A] : memref<10240x128xf32, #tpu.memory_space<hbm>> -> memref<128x128xf32, #tpu.memory_space<hbm>>
        %dma_start3A_99 = arith.constant 0 : i32
        %dma_start3A_100 = tpu.memref_slice %arg7[%add3A_73, %dma_start3A_99] : memref<10240x128xf32, #tpu.memory_space<hbm>> -> memref<128x128xf32, #tpu.memory_space<hbm>>
        tpu.enqueue_dma source(%arg12 : memref<128x128xf32, #tpu.memory_space<vmem>>) target(%dma_start3A_100 : memref<128x128xf32, #tpu.memory_space<hbm>>) target_semaphore(%run_scoped3A : memref<!tpu.dma_semaphore, #tpu.memory_space<semaphore_mem>>)
        %dma_wait3A = arith.constant 0 : i32
        %dma_wait3A_101 = tpu.memref_slice %arg7[%add3A_73, %dma_wait3A] : memref<10240x128xf32, #tpu.memory_space<hbm>> -> memref<128x128xf32, #tpu.memory_space<hbm>>
        %dma_wait3A_102 = arith.constant 0 : i32
        %dma_wait3A_103 = tpu.memref_slice %arg7[%add3A_73, %dma_wait3A_102] : memref<10240x128xf32, #tpu.memory_space<hbm>> -> memref<128x128xf32, #tpu.memory_space<hbm>>
        tpu.wait_dma2 semaphore(%run_scoped3A : memref<!tpu.dma_semaphore, #tpu.memory_space<semaphore_mem>>) src(%arg12 : memref<128x128xf32, #tpu.memory_space<vmem>>) dst(%dma_wait3A_103 : memref<128x128xf32, #tpu.memory_space<hbm>>)
        tpu.yield
      }) : () -> ()
    } else {
    }
    %eq3A_79 = arith.constant 1 : i32
    %eq3A_80 = arith.cmpi eq, %arg0, %eq3A_79 : i32
    %convert_element_type3A_81 = arith.extui %eq3A_80 : i1 to i32
    %cond3A_82 = arith.constant 0 : i32
    %cond3A_83 = arith.cmpi ne, %convert_element_type3A_81, %cond3A_82 : i32
    scf.if %cond3A_83 {
      "tpu.region"() ({
        %run_scoped3A = tpu.sem_alloc : memref<!tpu.dma_semaphore, #tpu.memory_space<semaphore_mem>>
        %dma_start3A = arith.constant 0 : i32
        %dma_start3A_98 = tpu.memref_slice %arg8[%add3A_73, %dma_start3A] : memref<10240x128xf32, #tpu.memory_space<hbm>> -> memref<128x128xf32, #tpu.memory_space<hbm>>
        %dma_start3A_99 = arith.constant 0 : i32
        %dma_start3A_100 = tpu.memref_slice %arg8[%add3A_73, %dma_start3A_99] : memref<10240x128xf32, #tpu.memory_space<hbm>> -> memref<128x128xf32, #tpu.memory_space<hbm>>
        tpu.enqueue_dma source(%arg12 : memref<128x128xf32, #tpu.memory_space<vmem>>) target(%dma_start3A_100 : memref<128x128xf32, #tpu.memory_space<hbm>>) target_semaphore(%run_scoped3A : memref<!tpu.dma_semaphore, #tpu.memory_space<semaphore_mem>>)
        %dma_wait3A = arith.constant 0 : i32
        %dma_wait3A_101 = tpu.memref_slice %arg8[%add3A_73, %dma_wait3A] : memref<10240x128xf32, #tpu.memory_space<hbm>> -> memref<128x128xf32, #tpu.memory_space<hbm>>
        %dma_wait3A_102 = arith.constant 0 : i32
        %dma_wait3A_103 = tpu.memref_slice %arg8[%add3A_73, %dma_wait3A_102] : memref<10240x128xf32, #tpu.memory_space<hbm>> -> memref<128x128xf32, #tpu.memory_space<hbm>>
        tpu.wait_dma2 semaphore(%run_scoped3A : memref<!tpu.dma_semaphore, #tpu.memory_space<semaphore_mem>>) src(%arg12 : memref<128x128xf32, #tpu.memory_space<vmem>>) dst(%dma_wait3A_103 : memref<128x128xf32, #tpu.memory_space<hbm>>)
        tpu.yield
      }) : () -> ()
    } else {
    }
    %mul3A_84 = arith.constant 640 : i32
    %mul3A_85 = arith.muli %arg1, %mul3A_84 : i32
    %add3A_86 = arith.constant 512 : i32
    %add3A_87 = arith.addi %mul3A_85, %add3A_86 : i32
    "tpu.region"() ({
      %run_scoped3A = tpu.sem_alloc : memref<!tpu.dma_semaphore, #tpu.memory_space<semaphore_mem>>
      %dma_start3A = arith.constant 0 : i32
      %dma_start3A_98 = tpu.memref_slice %arg13[%add3A_87, %dma_start3A] : memref<10240x128xf32, #tpu.memory_space<vmem_shared>> -> memref<128x128xf32, #tpu.memory_space<vmem_shared>>
      %dma_start3A_99 = arith.constant 0 : i32
      %dma_start3A_100 = tpu.memref_slice %arg13[%add3A_87, %dma_start3A_99] : memref<10240x128xf32, #tpu.memory_space<vmem_shared>> -> memref<128x128xf32, #tpu.memory_space<vmem_shared>>
      tpu.enqueue_dma source(%dma_start3A_100 : memref<128x128xf32, #tpu.memory_space<vmem_shared>>) target(%arg12 : memref<128x128xf32, #tpu.memory_space<vmem>>) target_semaphore(%run_scoped3A : memref<!tpu.dma_semaphore, #tpu.memory_space<semaphore_mem>>)
      %dma_wait3A = arith.constant 0 : i32
      %dma_wait3A_101 = tpu.memref_slice %arg13[%add3A_87, %dma_wait3A] : memref<10240x128xf32, #tpu.memory_space<vmem_shared>> -> memref<128x128xf32, #tpu.memory_space<vmem_shared>>
      %dma_wait3A_102 = arith.constant 0 : i32
      %dma_wait3A_103 = tpu.memref_slice %arg13[%add3A_87, %dma_wait3A_102] : memref<10240x128xf32, #tpu.memory_space<vmem_shared>> -> memref<128x128xf32, #tpu.memory_space<vmem_shared>>
      tpu.wait_dma2 semaphore(%run_scoped3A : memref<!tpu.dma_semaphore, #tpu.memory_space<semaphore_mem>>) src(%dma_wait3A_103 : memref<128x128xf32, #tpu.memory_space<vmem_shared>>) dst(%arg12 : memref<128x128xf32, #tpu.memory_space<vmem>>)
      tpu.yield
    }) : () -> ()
    %eq3A_88 = arith.constant 0 : i32
    %eq3A_89 = arith.cmpi eq, %arg0, %eq3A_88 : i32
    %convert_element_type3A_90 = arith.extui %eq3A_89 : i1 to i32
    %cond3A_91 = arith.constant 0 : i32
    %cond3A_92 = arith.cmpi ne, %convert_element_type3A_90, %cond3A_91 : i32
    scf.if %cond3A_92 {
      "tpu.region"() ({
        %run_scoped3A = tpu.sem_alloc : memref<!tpu.dma_semaphore, #tpu.memory_space<semaphore_mem>>
        %dma_start3A = arith.constant 0 : i32
        %dma_start3A_98 = tpu.memref_slice %arg7[%add3A_87, %dma_start3A] : memref<10240x128xf32, #tpu.memory_space<hbm>> -> memref<128x128xf32, #tpu.memory_space<hbm>>
        %dma_start3A_99 = arith.constant 0 : i32
        %dma_start3A_100 = tpu.memref_slice %arg7[%add3A_87, %dma_start3A_99] : memref<10240x128xf32, #tpu.memory_space<hbm>> -> memref<128x128xf32, #tpu.memory_space<hbm>>
        tpu.enqueue_dma source(%arg12 : memref<128x128xf32, #tpu.memory_space<vmem>>) target(%dma_start3A_100 : memref<128x128xf32, #tpu.memory_space<hbm>>) target_semaphore(%run_scoped3A : memref<!tpu.dma_semaphore, #tpu.memory_space<semaphore_mem>>)
        %dma_wait3A = arith.constant 0 : i32
        %dma_wait3A_101 = tpu.memref_slice %arg7[%add3A_87, %dma_wait3A] : memref<10240x128xf32, #tpu.memory_space<hbm>> -> memref<128x128xf32, #tpu.memory_space<hbm>>
        %dma_wait3A_102 = arith.constant 0 : i32
        %dma_wait3A_103 = tpu.memref_slice %arg7[%add3A_87, %dma_wait3A_102] : memref<10240x128xf32, #tpu.memory_space<hbm>> -> memref<128x128xf32, #tpu.memory_space<hbm>>
        tpu.wait_dma2 semaphore(%run_scoped3A : memref<!tpu.dma_semaphore, #tpu.memory_space<semaphore_mem>>) src(%arg12 : memref<128x128xf32, #tpu.memory_space<vmem>>) dst(%dma_wait3A_103 : memref<128x128xf32, #tpu.memory_space<hbm>>)
        tpu.yield
      }) : () -> ()
    } else {
    }
    %eq3A_93 = arith.constant 1 : i32
    %eq3A_94 = arith.cmpi eq, %arg0, %eq3A_93 : i32
    %convert_element_type3A_95 = arith.extui %eq3A_94 : i1 to i32
    %cond3A_96 = arith.constant 0 : i32
    %cond3A_97 = arith.cmpi ne, %convert_element_type3A_95, %cond3A_96 : i32
    scf.if %cond3A_97 {
      "tpu.region"() ({
        %run_scoped3A = tpu.sem_alloc : memref<!tpu.dma_semaphore, #tpu.memory_space<semaphore_mem>>
        %dma_start3A = arith.constant 0 : i32
        %dma_start3A_98 = tpu.memref_slice %arg8[%add3A_87, %dma_start3A] : memref<10240x128xf32, #tpu.memory_space<hbm>> -> memref<128x128xf32, #tpu.memory_space<hbm>>
        %dma_start3A_99 = arith.constant 0 : i32
        %dma_start3A_100 = tpu.memref_slice %arg8[%add3A_87, %dma_start3A_99] : memref<10240x128xf32, #tpu.memory_space<hbm>> -> memref<128x128xf32, #tpu.memory_space<hbm>>
        tpu.enqueue_dma source(%arg12 : memref<128x128xf32, #tpu.memory_space<vmem>>) target(%dma_start3A_100 : memref<128x128xf32, #tpu.memory_space<hbm>>) target_semaphore(%run_scoped3A : memref<!tpu.dma_semaphore, #tpu.memory_space<semaphore_mem>>)
        %dma_wait3A = arith.constant 0 : i32
        %dma_wait3A_101 = tpu.memref_slice %arg8[%add3A_87, %dma_wait3A] : memref<10240x128xf32, #tpu.memory_space<hbm>> -> memref<128x128xf32, #tpu.memory_space<hbm>>
        %dma_wait3A_102 = arith.constant 0 : i32
        %dma_wait3A_103 = tpu.memref_slice %arg8[%add3A_87, %dma_wait3A_102] : memref<10240x128xf32, #tpu.memory_space<hbm>> -> memref<128x128xf32, #tpu.memory_space<hbm>>
        tpu.wait_dma2 semaphore(%run_scoped3A : memref<!tpu.dma_semaphore, #tpu.memory_space<semaphore_mem>>) src(%arg12 : memref<128x128xf32, #tpu.memory_space<vmem>>) dst(%dma_wait3A_103 : memref<128x128xf32, #tpu.memory_space<hbm>>)
        tpu.yield
      }) : () -> ()
    } else {
    }
    return
  }
}

#map = affine_map<(d0, d1) -> (0, 0)>
#map1 = affine_map<(d0, d1) -> (0)>
module attributes {stable_mosaic.version = 14 : i64} {
  func.func @body(%arg0: i32, %arg1: i32, %arg2: memref<10240x128xf32, #tpu.memory_space<hbm>>, %arg3: memref<323584xi32, #tpu.memory_space<hbm>>, %arg4: memref<323584xi32, #tpu.memory_space<hbm>>, %arg5: memref<128x128xf32, #tpu.memory_space<hbm>>, %arg6: memref<10240x128xf32, #tpu.memory_space<hbm>>, %arg7: memref<10240x128xf32, #tpu.memory_space<hbm>>, %arg8: memref<128xi32, #tpu.memory_space<vmem>>, %arg9: memref<1x128xi32, #tpu.memory_space<vmem>>, %arg10: memref<128x128xf32, #tpu.memory_space<vmem>>, %arg11: memref<10240x128xf32, #tpu.memory_space<vmem_shared>>, %arg12: memref<!tpu.dma_semaphore, #tpu.memory_space<semaphore_mem>>) attributes {dimension_semantics = [#tpu.dimension_semantics<core_parallel>, #tpu.dimension_semantics<subcore_parallel>], iteration_bounds = array<i64: 2, 16>, scalar_prefetch = 0 : i64, scratch_operands = 5 : i64, tpu.core_type = #tpu.core_type<sc_vector_subcore>, window_params = [{transform_indices = #map}, {transform_indices = #map1}, {transform_indices = #map1}, {transform_indices = #map}, {transform_indices = #map}, {transform_indices = #map}]} {
    %mul3A = arith.constant 2 : i32
    %mul3A_0 = arith.muli %arg1, %mul3A : i32
    %add3A = arith.addi %mul3A_0, %arg0 : i32
    "tpu.region"() ({
      %run_scoped3A = tpu.sem_alloc : memref<!tpu.dma_semaphore, #tpu.memory_space<semaphore_mem>>
      tpu.enqueue_dma source(%arg5 : memref<128x128xf32, #tpu.memory_space<hbm>>) target(%arg10 : memref<128x128xf32, #tpu.memory_space<vmem>>) target_semaphore(%run_scoped3A : memref<!tpu.dma_semaphore, #tpu.memory_space<semaphore_mem>>)
      tpu.wait_dma2 semaphore(%run_scoped3A : memref<!tpu.dma_semaphore, #tpu.memory_space<semaphore_mem>>) src(%arg5 : memref<128x128xf32, #tpu.memory_space<hbm>>) dst(%arg10 : memref<128x128xf32, #tpu.memory_space<vmem>>)
      tpu.yield
    }) : () -> ()
    %mul3A_1 = arith.constant 640 : i32
    %mul3A_2 = arith.muli %arg1, %mul3A_1 : i32
    %add3A_3 = arith.constant 0 : i32
    %add3A_4 = arith.addi %mul3A_2, %add3A_3 : i32
    "tpu.region"() ({
      %run_scoped3A = tpu.sem_alloc : memref<!tpu.dma_semaphore, #tpu.memory_space<semaphore_mem>>
      %dma_start3A = arith.constant 0 : i32
      %dma_start3A_98 = tpu.memref_slice %arg11[%add3A_4, %dma_start3A] : memref<10240x128xf32, #tpu.memory_space<vmem_shared>> -> memref<128x128xf32, #tpu.memory_space<vmem_shared>>
      %dma_start3A_99 = arith.constant 0 : i32
      %dma_start3A_100 = tpu.memref_slice %arg11[%add3A_4, %dma_start3A_99] : memref<10240x128xf32, #tpu.memory_space<vmem_shared>> -> memref<128x128xf32, #tpu.memory_space<vmem_shared>>
      tpu.enqueue_dma source(%arg10 : memref<128x128xf32, #tpu.memory_space<vmem>>) target(%dma_start3A_100 : memref<128x128xf32, #tpu.memory_space<vmem_shared>>) target_semaphore(%run_scoped3A : memref<!tpu.dma_semaphore, #tpu.memory_space<semaphore_mem>>)
      %dma_wait3A = arith.constant 0 : i32
      %dma_wait3A_101 = tpu.memref_slice %arg11[%add3A_4, %dma_wait3A] : memref<10240x128xf32, #tpu.memory_space<vmem_shared>> -> memref<128x128xf32, #tpu.memory_space<vmem_shared>>
      %dma_wait3A_102 = arith.constant 0 : i32
      %dma_wait3A_103 = tpu.memref_slice %arg11[%add3A_4, %dma_wait3A_102] : memref<10240x128xf32, #tpu.memory_space<vmem_shared>> -> memref<128x128xf32, #tpu.memory_space<vmem_shared>>
      tpu.wait_dma2 semaphore(%run_scoped3A : memref<!tpu.dma_semaphore, #tpu.memory_space<semaphore_mem>>) src(%arg10 : memref<128x128xf32, #tpu.memory_space<vmem>>) dst(%dma_wait3A_103 : memref<128x128xf32, #tpu.memory_space<vmem_shared>>)
      tpu.yield
    }) : () -> ()
    %mul3A_5 = arith.constant 640 : i32
    %mul3A_6 = arith.muli %arg1, %mul3A_5 : i32
    %add3A_7 = arith.constant 128 : i32
    %add3A_8 = arith.addi %mul3A_6, %add3A_7 : i32
    "tpu.region"() ({
      %run_scoped3A = tpu.sem_alloc : memref<!tpu.dma_semaphore, #tpu.memory_space<semaphore_mem>>
      %dma_start3A = arith.constant 0 : i32
      %dma_start3A_98 = tpu.memref_slice %arg11[%add3A_8, %dma_start3A] : memref<10240x128xf32, #tpu.memory_space<vmem_shared>> -> memref<128x128xf32, #tpu.memory_space<vmem_shared>>
      %dma_start3A_99 = arith.constant 0 : i32
      %dma_start3A_100 = tpu.memref_slice %arg11[%add3A_8, %dma_start3A_99] : memref<10240x128xf32, #tpu.memory_space<vmem_shared>> -> memref<128x128xf32, #tpu.memory_space<vmem_shared>>
      tpu.enqueue_dma source(%arg10 : memref<128x128xf32, #tpu.memory_space<vmem>>) target(%dma_start3A_100 : memref<128x128xf32, #tpu.memory_space<vmem_shared>>) target_semaphore(%run_scoped3A : memref<!tpu.dma_semaphore, #tpu.memory_space<semaphore_mem>>)
      %dma_wait3A = arith.constant 0 : i32
      %dma_wait3A_101 = tpu.memref_slice %arg11[%add3A_8, %dma_wait3A] : memref<10240x128xf32, #tpu.memory_space<vmem_shared>> -> memref<128x128xf32, #tpu.memory_space<vmem_shared>>
      %dma_wait3A_102 = arith.constant 0 : i32
      %dma_wait3A_103 = tpu.memref_slice %arg11[%add3A_8, %dma_wait3A_102] : memref<10240x128xf32, #tpu.memory_space<vmem_shared>> -> memref<128x128xf32, #tpu.memory_space<vmem_shared>>
      tpu.wait_dma2 semaphore(%run_scoped3A : memref<!tpu.dma_semaphore, #tpu.memory_space<semaphore_mem>>) src(%arg10 : memref<128x128xf32, #tpu.memory_space<vmem>>) dst(%dma_wait3A_103 : memref<128x128xf32, #tpu.memory_space<vmem_shared>>)
      tpu.yield
    }) : () -> ()
    %mul3A_9 = arith.constant 640 : i32
    %mul3A_10 = arith.muli %arg1, %mul3A_9 : i32
    %add3A_11 = arith.constant 256 : i32
    %add3A_12 = arith.addi %mul3A_10, %add3A_11 : i32
    "tpu.region"() ({
      %run_scoped3A = tpu.sem_alloc : memref<!tpu.dma_semaphore, #tpu.memory_space<semaphore_mem>>
      %dma_start3A = arith.constant 0 : i32
      %dma_start3A_98 = tpu.memref_slice %arg11[%add3A_12, %dma_start3A] : memref<10240x128xf32, #tpu.memory_space<vmem_shared>> -> memref<128x128xf32, #tpu.memory_space<vmem_shared>>
      %dma_start3A_99 = arith.constant 0 : i32
      %dma_start3A_100 = tpu.memref_slice %arg11[%add3A_12, %dma_start3A_99] : memref<10240x128xf32, #tpu.memory_space<vmem_shared>> -> memref<128x128xf32, #tpu.memory_space<vmem_shared>>
      tpu.enqueue_dma source(%arg10 : memref<128x128xf32, #tpu.memory_space<vmem>>) target(%dma_start3A_100 : memref<128x128xf32, #tpu.memory_space<vmem_shared>>) target_semaphore(%run_scoped3A : memref<!tpu.dma_semaphore, #tpu.memory_space<semaphore_mem>>)
      %dma_wait3A = arith.constant 0 : i32
      %dma_wait3A_101 = tpu.memref_slice %arg11[%add3A_12, %dma_wait3A] : memref<10240x128xf32, #tpu.memory_space<vmem_shared>> -> memref<128x128xf32, #tpu.memory_space<vmem_shared>>
      %dma_wait3A_102 = arith.constant 0 : i32
      %dma_wait3A_103 = tpu.memref_slice %arg11[%add3A_12, %dma_wait3A_102] : memref<10240x128xf32, #tpu.memory_space<vmem_shared>> -> memref<128x128xf32, #tpu.memory_space<vmem_shared>>
      tpu.wait_dma2 semaphore(%run_scoped3A : memref<!tpu.dma_semaphore, #tpu.memory_space<semaphore_mem>>) src(%arg10 : memref<128x128xf32, #tpu.memory_space<vmem>>) dst(%dma_wait3A_103 : memref<128x128xf32, #tpu.memory_space<vmem_shared>>)
      tpu.yield
    }) : () -> ()
    %mul3A_13 = arith.constant 640 : i32
    %mul3A_14 = arith.muli %arg1, %mul3A_13 : i32
    %add3A_15 = arith.constant 384 : i32
    %add3A_16 = arith.addi %mul3A_14, %add3A_15 : i32
    "tpu.region"() ({
      %run_scoped3A = tpu.sem_alloc : memref<!tpu.dma_semaphore, #tpu.memory_space<semaphore_mem>>
      %dma_start3A = arith.constant 0 : i32
      %dma_start3A_98 = tpu.memref_slice %arg11[%add3A_16, %dma_start3A] : memref<10240x128xf32, #tpu.memory_space<vmem_shared>> -> memref<128x128xf32, #tpu.memory_space<vmem_shared>>
      %dma_start3A_99 = arith.constant 0 : i32
      %dma_start3A_100 = tpu.memref_slice %arg11[%add3A_16, %dma_start3A_99] : memref<10240x128xf32, #tpu.memory_space<vmem_shared>> -> memref<128x128xf32, #tpu.memory_space<vmem_shared>>
      tpu.enqueue_dma source(%arg10 : memref<128x128xf32, #tpu.memory_space<vmem>>) target(%dma_start3A_100 : memref<128x128xf32, #tpu.memory_space<vmem_shared>>) target_semaphore(%run_scoped3A : memref<!tpu.dma_semaphore, #tpu.memory_space<semaphore_mem>>)
      %dma_wait3A = arith.constant 0 : i32
      %dma_wait3A_101 = tpu.memref_slice %arg11[%add3A_16, %dma_wait3A] : memref<10240x128xf32, #tpu.memory_space<vmem_shared>> -> memref<128x128xf32, #tpu.memory_space<vmem_shared>>
      %dma_wait3A_102 = arith.constant 0 : i32
      %dma_wait3A_103 = tpu.memref_slice %arg11[%add3A_16, %dma_wait3A_102] : memref<10240x128xf32, #tpu.memory_space<vmem_shared>> -> memref<128x128xf32, #tpu.memory_space<vmem_shared>>
      tpu.wait_dma2 semaphore(%run_scoped3A : memref<!tpu.dma_semaphore, #tpu.memory_space<semaphore_mem>>) src(%arg10 : memref<128x128xf32, #tpu.memory_space<vmem>>) dst(%dma_wait3A_103 : memref<128x128xf32, #tpu.memory_space<vmem_shared>>)
      tpu.yield
    }) : () -> ()
    %mul3A_17 = arith.constant 640 : i32
    %mul3A_18 = arith.muli %arg1, %mul3A_17 : i32
    %add3A_19 = arith.constant 512 : i32
    %add3A_20 = arith.addi %mul3A_18, %add3A_19 : i32
    "tpu.region"() ({
      %run_scoped3A = tpu.sem_alloc : memref<!tpu.dma_semaphore, #tpu.memory_space<semaphore_mem>>
      %dma_start3A = arith.constant 0 : i32
      %dma_start3A_98 = tpu.memref_slice %arg11[%add3A_20, %dma_start3A] : memref<10240x128xf32, #tpu.memory_space<vmem_shared>> -> memref<128x128xf32, #tpu.memory_space<vmem_shared>>
      %dma_start3A_99 = arith.constant 0 : i32
      %dma_start3A_100 = tpu.memref_slice %arg11[%add3A_20, %dma_start3A_99] : memref<10240x128xf32, #tpu.memory_space<vmem_shared>> -> memref<128x128xf32, #tpu.memory_space<vmem_shared>>
      tpu.enqueue_dma source(%arg10 : memref<128x128xf32, #tpu.memory_space<vmem>>) target(%dma_start3A_100 : memref<128x128xf32, #tpu.memory_space<vmem_shared>>) target_semaphore(%run_scoped3A : memref<!tpu.dma_semaphore, #tpu.memory_space<semaphore_mem>>)
      %dma_wait3A = arith.constant 0 : i32
      %dma_wait3A_101 = tpu.memref_slice %arg11[%add3A_20, %dma_wait3A] : memref<10240x128xf32, #tpu.memory_space<vmem_shared>> -> memref<128x128xf32, #tpu.memory_space<vmem_shared>>
      %dma_wait3A_102 = arith.constant 0 : i32
      %dma_wait3A_103 = tpu.memref_slice %arg11[%add3A_20, %dma_wait3A_102] : memref<10240x128xf32, #tpu.memory_space<vmem_shared>> -> memref<128x128xf32, #tpu.memory_space<vmem_shared>>
      tpu.wait_dma2 semaphore(%run_scoped3A : memref<!tpu.dma_semaphore, #tpu.memory_space<semaphore_mem>>) src(%arg10 : memref<128x128xf32, #tpu.memory_space<vmem>>) dst(%dma_wait3A_103 : memref<128x128xf32, #tpu.memory_space<vmem_shared>>)
      tpu.yield
    }) : () -> ()
    %barrier3A = arith.constant 0 : index
    tpu.barrier barrier_id(%barrier3A)
    %mul3A_21 = arith.constant 79 : i32
    %mul3A_22 = arith.muli %add3A, %mul3A_21 : i32
    %mul3A_23 = arith.constant 128 : i32
    %mul3A_24 = arith.muli %mul3A_22, %mul3A_23 : i32
    %broadcast_in_dim3A = arith.constant 1.000000e+00 : f32
    %broadcast_in_dim3A_25 = vector.broadcast %broadcast_in_dim3A : f32 to vector<16xf32>
    %scan3A = arith.constant 0 : i32
    %scan3A_26 = arith.constant 79 : i32
    %scan3A_27 = arith.addi %scan3A, %scan3A_26 : i32
    %scan3A_28 = arith.constant 1 : i32
    scf.for %scan3A_98 = %scan3A to %scan3A_27 step %scan3A_28  : i32 {
      %mul3A_99 = arith.constant 1 : i32
      %mul3A_100 = arith.muli %scan3A_98, %mul3A_99 : i32
      %add3A_101 = arith.constant 0 : i32
      %add3A_102 = arith.addi %add3A_101, %mul3A_100 : i32
      %mul3A_103 = arith.constant 128 : i32
      %mul3A_104 = arith.muli %add3A_102, %mul3A_103 : i32
      %add3A_105 = arith.addi %mul3A_24, %mul3A_104 : i32
      %multiple_of3A = tpu.assume_multiple %add3A_105, 128 : i32
      "tpu.region"() ({
        %run_scoped3A_111 = tpu.sem_alloc : memref<!tpu.dma_semaphore, #tpu.memory_space<semaphore_mem>>
        %dma_start3A_112 = tpu.memref_slice %arg3[%multiple_of3A] : memref<323584xi32, #tpu.memory_space<hbm>> -> memref<128xi32, #tpu.memory_space<hbm>>
        %dma_start3A_113 = tpu.memref_slice %arg3[%multiple_of3A] : memref<323584xi32, #tpu.memory_space<hbm>> -> memref<128xi32, #tpu.memory_space<hbm>>
        tpu.enqueue_dma source(%dma_start3A_113 : memref<128xi32, #tpu.memory_space<hbm>>) target(%arg8 : memref<128xi32, #tpu.memory_space<vmem>>) target_semaphore(%run_scoped3A_111 : memref<!tpu.dma_semaphore, #tpu.memory_space<semaphore_mem>>)
        %dma_wait3A_114 = tpu.memref_slice %arg3[%multiple_of3A] : memref<323584xi32, #tpu.memory_space<hbm>> -> memref<128xi32, #tpu.memory_space<hbm>>
        %dma_wait3A_115 = tpu.memref_slice %arg3[%multiple_of3A] : memref<323584xi32, #tpu.memory_space<hbm>> -> memref<128xi32, #tpu.memory_space<hbm>>
        tpu.wait_dma2 semaphore(%run_scoped3A_111 : memref<!tpu.dma_semaphore, #tpu.memory_space<semaphore_mem>>) src(%dma_wait3A_115 : memref<128xi32, #tpu.memory_space<hbm>>) dst(%arg8 : memref<128xi32, #tpu.memory_space<vmem>>)
        tpu.yield
      }) : () -> ()
      %run_scoped3A = arith.constant 0 : i32
      "tpu.region"() ({
        %run_scoped3A_111 = tpu.sem_alloc : memref<!tpu.dma_semaphore, #tpu.memory_space<semaphore_mem>>
        %dma_start3A_112 = arith.constant 0 : i32
        %dma_start3A_113 = tpu.memref_slice %arg9[%run_scoped3A, %dma_start3A_112] : memref<1x128xi32, #tpu.memory_space<vmem>> -> memref<1x128xi32, #tpu.memory_space<vmem>>
        %dma_start3A_114 = tpu.memref_squeeze %dma_start3A_113 : memref<1x128xi32, #tpu.memory_space<vmem>> -> memref<128xi32, #tpu.memory_space<vmem>>
        %dma_start3A_115 = tpu.memref_slice %arg4[%multiple_of3A] : memref<323584xi32, #tpu.memory_space<hbm>> -> memref<128xi32, #tpu.memory_space<hbm>>
        %dma_start3A_116 = arith.constant 0 : i32
        %dma_start3A_117 = tpu.memref_slice %arg9[%run_scoped3A, %dma_start3A_116] : memref<1x128xi32, #tpu.memory_space<vmem>> -> memref<1x128xi32, #tpu.memory_space<vmem>>
        %dma_start3A_118 = tpu.memref_squeeze %dma_start3A_117 : memref<1x128xi32, #tpu.memory_space<vmem>> -> memref<128xi32, #tpu.memory_space<vmem>>
        %dma_start3A_119 = tpu.memref_slice %arg4[%multiple_of3A] : memref<323584xi32, #tpu.memory_space<hbm>> -> memref<128xi32, #tpu.memory_space<hbm>>
        tpu.enqueue_dma source(%dma_start3A_119 : memref<128xi32, #tpu.memory_space<hbm>>) target(%dma_start3A_118 : memref<128xi32, #tpu.memory_space<vmem>>) target_semaphore(%run_scoped3A_111 : memref<!tpu.dma_semaphore, #tpu.memory_space<semaphore_mem>>)
        %dma_wait3A_120 = arith.constant 0 : i32
        %dma_wait3A_121 = tpu.memref_slice %arg9[%run_scoped3A, %dma_wait3A_120] : memref<1x128xi32, #tpu.memory_space<vmem>> -> memref<1x128xi32, #tpu.memory_space<vmem>>
        %dma_wait3A_122 = tpu.memref_squeeze %dma_wait3A_121 : memref<1x128xi32, #tpu.memory_space<vmem>> -> memref<128xi32, #tpu.memory_space<vmem>>
        %dma_wait3A_123 = tpu.memref_slice %arg4[%multiple_of3A] : memref<323584xi32, #tpu.memory_space<hbm>> -> memref<128xi32, #tpu.memory_space<hbm>>
        %dma_wait3A_124 = arith.constant 0 : i32
        %dma_wait3A_125 = tpu.memref_slice %arg9[%run_scoped3A, %dma_wait3A_124] : memref<1x128xi32, #tpu.memory_space<vmem>> -> memref<1x128xi32, #tpu.memory_space<vmem>>
        %dma_wait3A_126 = tpu.memref_squeeze %dma_wait3A_125 : memref<1x128xi32, #tpu.memory_space<vmem>> -> memref<128xi32, #tpu.memory_space<vmem>>
        %dma_wait3A_127 = tpu.memref_slice %arg4[%multiple_of3A] : memref<323584xi32, #tpu.memory_space<hbm>> -> memref<128xi32, #tpu.memory_space<hbm>>
        tpu.wait_dma2 semaphore(%run_scoped3A_111 : memref<!tpu.dma_semaphore, #tpu.memory_space<semaphore_mem>>) src(%dma_wait3A_127 : memref<128xi32, #tpu.memory_space<hbm>>) dst(%dma_wait3A_126 : memref<128xi32, #tpu.memory_space<vmem>>)
        tpu.yield
      }) : () -> ()
      %dma_start3A = arith.constant 0 : i32
      %dma_start3A_106 = arith.constant 0 : i32
      %dma_start3A_107 = tpu.memref_slice %arg2[%dma_start3A, %dma_start3A_106] : memref<10240x128xf32, #tpu.memory_space<hbm>> -> memref<10240x128xf32, #tpu.memory_space<hbm>>
      tpu.enqueue_indirect_dma source(%dma_start3A_107 : memref<10240x128xf32, #tpu.memory_space<hbm>>) target(%arg10 : memref<128x128xf32, #tpu.memory_space<vmem>>) offsets(%arg8 : memref<128xi32, #tpu.memory_space<vmem>>) semaphore(%arg12 : memref<!tpu.dma_semaphore, #tpu.memory_space<semaphore_mem>>)
      %dma_wait3A = arith.constant 0 : i32
      %dma_wait3A_108 = arith.constant 0 : i32
      %dma_wait3A_109 = tpu.memref_slice %arg2[%dma_wait3A, %dma_wait3A_108] : memref<10240x128xf32, #tpu.memory_space<hbm>> -> memref<10240x128xf32, #tpu.memory_space<hbm>>
      tpu.wait_indirect_dma semaphore(%arg12 : memref<!tpu.dma_semaphore, #tpu.memory_space<semaphore_mem>>) src(%dma_wait3A_109 : memref<10240x128xf32, #tpu.memory_space<hbm>>) dst(%arg10 : memref<128x128xf32, #tpu.memory_space<vmem>>)
      %run_scoped3A_110 = arith.constant 0 : i32
      "tpu.region"() ({
        %run_scoped3A_111 = tpu.sem_alloc : memref<!tpu.dma_semaphore, #tpu.memory_space<semaphore_mem>>
        %dma_start3A_112 = arith.constant 0 : i32
        %dma_start3A_113 = tpu.memref_slice %arg9[%run_scoped3A_110, %dma_start3A_112] : memref<1x128xi32, #tpu.memory_space<vmem>> -> memref<1x128xi32, #tpu.memory_space<vmem>>
        %dma_start3A_114 = tpu.memref_squeeze %dma_start3A_113 : memref<1x128xi32, #tpu.memory_space<vmem>> -> memref<128xi32, #tpu.memory_space<vmem>>
        %dma_start3A_115 = arith.constant 0 : i32
        %dma_start3A_116 = arith.constant 0 : i32
        %dma_start3A_117 = tpu.memref_slice %arg11[%dma_start3A_115, %dma_start3A_116] : memref<10240x128xf32, #tpu.memory_space<vmem_shared>> -> memref<10240x128xf32, #tpu.memory_space<vmem_shared>>
        tpu.enqueue_indirect_dma source(%arg10 : memref<128x128xf32, #tpu.memory_space<vmem>>) target(%dma_start3A_117 : memref<10240x128xf32, #tpu.memory_space<vmem_shared>>) offsets(%dma_start3A_114 : memref<128xi32, #tpu.memory_space<vmem>>) semaphore(%run_scoped3A_111 : memref<!tpu.dma_semaphore, #tpu.memory_space<semaphore_mem>>) {add = true}
        %dma_wait3A_118 = arith.constant 0 : i32
        %dma_wait3A_119 = tpu.memref_slice %arg9[%run_scoped3A_110, %dma_wait3A_118] : memref<1x128xi32, #tpu.memory_space<vmem>> -> memref<1x128xi32, #tpu.memory_space<vmem>>
        %dma_wait3A_120 = tpu.memref_squeeze %dma_wait3A_119 : memref<1x128xi32, #tpu.memory_space<vmem>> -> memref<128xi32, #tpu.memory_space<vmem>>
        %dma_wait3A_121 = arith.constant 0 : i32
        %dma_wait3A_122 = arith.constant 0 : i32
        %dma_wait3A_123 = tpu.memref_slice %arg11[%dma_wait3A_121, %dma_wait3A_122] : memref<10240x128xf32, #tpu.memory_space<vmem_shared>> -> memref<10240x128xf32, #tpu.memory_space<vmem_shared>>
        tpu.wait_indirect_dma semaphore(%run_scoped3A_111 : memref<!tpu.dma_semaphore, #tpu.memory_space<semaphore_mem>>) src(%arg10 : memref<128x128xf32, #tpu.memory_space<vmem>>) dst(%dma_wait3A_123 : memref<10240x128xf32, #tpu.memory_space<vmem_shared>>)
        tpu.yield
      }) : () -> ()
    }
    %scan3A_29 = arith.constant 79 : i32
    %barrier3A_30 = arith.constant 0 : index
    tpu.barrier barrier_id(%barrier3A_30)
    %mul3A_31 = arith.constant 640 : i32
    %mul3A_32 = arith.muli %arg1, %mul3A_31 : i32
    %add3A_33 = arith.constant 0 : i32
    %add3A_34 = arith.addi %mul3A_32, %add3A_33 : i32
    "tpu.region"() ({
      %run_scoped3A = tpu.sem_alloc : memref<!tpu.dma_semaphore, #tpu.memory_space<semaphore_mem>>
      %dma_start3A = arith.constant 0 : i32
      %dma_start3A_98 = tpu.memref_slice %arg11[%add3A_34, %dma_start3A] : memref<10240x128xf32, #tpu.memory_space<vmem_shared>> -> memref<128x128xf32, #tpu.memory_space<vmem_shared>>
      %dma_start3A_99 = arith.constant 0 : i32
      %dma_start3A_100 = tpu.memref_slice %arg11[%add3A_34, %dma_start3A_99] : memref<10240x128xf32, #tpu.memory_space<vmem_shared>> -> memref<128x128xf32, #tpu.memory_space<vmem_shared>>
      tpu.enqueue_dma source(%dma_start3A_100 : memref<128x128xf32, #tpu.memory_space<vmem_shared>>) target(%arg10 : memref<128x128xf32, #tpu.memory_space<vmem>>) target_semaphore(%run_scoped3A : memref<!tpu.dma_semaphore, #tpu.memory_space<semaphore_mem>>)
      %dma_wait3A = arith.constant 0 : i32
      %dma_wait3A_101 = tpu.memref_slice %arg11[%add3A_34, %dma_wait3A] : memref<10240x128xf32, #tpu.memory_space<vmem_shared>> -> memref<128x128xf32, #tpu.memory_space<vmem_shared>>
      %dma_wait3A_102 = arith.constant 0 : i32
      %dma_wait3A_103 = tpu.memref_slice %arg11[%add3A_34, %dma_wait3A_102] : memref<10240x128xf32, #tpu.memory_space<vmem_shared>> -> memref<128x128xf32, #tpu.memory_space<vmem_shared>>
      tpu.wait_dma2 semaphore(%run_scoped3A : memref<!tpu.dma_semaphore, #tpu.memory_space<semaphore_mem>>) src(%dma_wait3A_103 : memref<128x128xf32, #tpu.memory_space<vmem_shared>>) dst(%arg10 : memref<128x128xf32, #tpu.memory_space<vmem>>)
      tpu.yield
    }) : () -> ()
    %eq3A = arith.constant 0 : i32
    %eq3A_35 = arith.cmpi eq, %arg0, %eq3A : i32
    %convert_element_type3A = arith.extui %eq3A_35 : i1 to i32
    %cond3A = arith.constant 0 : i32
    %cond3A_36 = arith.cmpi ne, %convert_element_type3A, %cond3A : i32
    scf.if %cond3A_36 {
      "tpu.region"() ({
        %run_scoped3A = tpu.sem_alloc : memref<!tpu.dma_semaphore, #tpu.memory_space<semaphore_mem>>
        %dma_start3A = arith.constant 0 : i32
        %dma_start3A_98 = tpu.memref_slice %arg6[%add3A_34, %dma_start3A] : memref<10240x128xf32, #tpu.memory_space<hbm>> -> memref<128x128xf32, #tpu.memory_space<hbm>>
        %dma_start3A_99 = arith.constant 0 : i32
        %dma_start3A_100 = tpu.memref_slice %arg6[%add3A_34, %dma_start3A_99] : memref<10240x128xf32, #tpu.memory_space<hbm>> -> memref<128x128xf32, #tpu.memory_space<hbm>>
        tpu.enqueue_dma source(%arg10 : memref<128x128xf32, #tpu.memory_space<vmem>>) target(%dma_start3A_100 : memref<128x128xf32, #tpu.memory_space<hbm>>) target_semaphore(%run_scoped3A : memref<!tpu.dma_semaphore, #tpu.memory_space<semaphore_mem>>)
        %dma_wait3A = arith.constant 0 : i32
        %dma_wait3A_101 = tpu.memref_slice %arg6[%add3A_34, %dma_wait3A] : memref<10240x128xf32, #tpu.memory_space<hbm>> -> memref<128x128xf32, #tpu.memory_space<hbm>>
        %dma_wait3A_102 = arith.constant 0 : i32
        %dma_wait3A_103 = tpu.memref_slice %arg6[%add3A_34, %dma_wait3A_102] : memref<10240x128xf32, #tpu.memory_space<hbm>> -> memref<128x128xf32, #tpu.memory_space<hbm>>
        tpu.wait_dma2 semaphore(%run_scoped3A : memref<!tpu.dma_semaphore, #tpu.memory_space<semaphore_mem>>) src(%arg10 : memref<128x128xf32, #tpu.memory_space<vmem>>) dst(%dma_wait3A_103 : memref<128x128xf32, #tpu.memory_space<hbm>>)
        tpu.yield
      }) : () -> ()
    } else {
    }
    %eq3A_37 = arith.constant 1 : i32
    %eq3A_38 = arith.cmpi eq, %arg0, %eq3A_37 : i32
    %convert_element_type3A_39 = arith.extui %eq3A_38 : i1 to i32
    %cond3A_40 = arith.constant 0 : i32
    %cond3A_41 = arith.cmpi ne, %convert_element_type3A_39, %cond3A_40 : i32
    scf.if %cond3A_41 {
      "tpu.region"() ({
        %run_scoped3A = tpu.sem_alloc : memref<!tpu.dma_semaphore, #tpu.memory_space<semaphore_mem>>
        %dma_start3A = arith.constant 0 : i32
        %dma_start3A_98 = tpu.memref_slice %arg7[%add3A_34, %dma_start3A] : memref<10240x128xf32, #tpu.memory_space<hbm>> -> memref<128x128xf32, #tpu.memory_space<hbm>>
        %dma_start3A_99 = arith.constant 0 : i32
        %dma_start3A_100 = tpu.memref_slice %arg7[%add3A_34, %dma_start3A_99] : memref<10240x128xf32, #tpu.memory_space<hbm>> -> memref<128x128xf32, #tpu.memory_space<hbm>>
        tpu.enqueue_dma source(%arg10 : memref<128x128xf32, #tpu.memory_space<vmem>>) target(%dma_start3A_100 : memref<128x128xf32, #tpu.memory_space<hbm>>) target_semaphore(%run_scoped3A : memref<!tpu.dma_semaphore, #tpu.memory_space<semaphore_mem>>)
        %dma_wait3A = arith.constant 0 : i32
        %dma_wait3A_101 = tpu.memref_slice %arg7[%add3A_34, %dma_wait3A] : memref<10240x128xf32, #tpu.memory_space<hbm>> -> memref<128x128xf32, #tpu.memory_space<hbm>>
        %dma_wait3A_102 = arith.constant 0 : i32
        %dma_wait3A_103 = tpu.memref_slice %arg7[%add3A_34, %dma_wait3A_102] : memref<10240x128xf32, #tpu.memory_space<hbm>> -> memref<128x128xf32, #tpu.memory_space<hbm>>
        tpu.wait_dma2 semaphore(%run_scoped3A : memref<!tpu.dma_semaphore, #tpu.memory_space<semaphore_mem>>) src(%arg10 : memref<128x128xf32, #tpu.memory_space<vmem>>) dst(%dma_wait3A_103 : memref<128x128xf32, #tpu.memory_space<hbm>>)
        tpu.yield
      }) : () -> ()
    } else {
    }
    %mul3A_42 = arith.constant 640 : i32
    %mul3A_43 = arith.muli %arg1, %mul3A_42 : i32
    %add3A_44 = arith.constant 128 : i32
    %add3A_45 = arith.addi %mul3A_43, %add3A_44 : i32
    "tpu.region"() ({
      %run_scoped3A = tpu.sem_alloc : memref<!tpu.dma_semaphore, #tpu.memory_space<semaphore_mem>>
      %dma_start3A = arith.constant 0 : i32
      %dma_start3A_98 = tpu.memref_slice %arg11[%add3A_45, %dma_start3A] : memref<10240x128xf32, #tpu.memory_space<vmem_shared>> -> memref<128x128xf32, #tpu.memory_space<vmem_shared>>
      %dma_start3A_99 = arith.constant 0 : i32
      %dma_start3A_100 = tpu.memref_slice %arg11[%add3A_45, %dma_start3A_99] : memref<10240x128xf32, #tpu.memory_space<vmem_shared>> -> memref<128x128xf32, #tpu.memory_space<vmem_shared>>
      tpu.enqueue_dma source(%dma_start3A_100 : memref<128x128xf32, #tpu.memory_space<vmem_shared>>) target(%arg10 : memref<128x128xf32, #tpu.memory_space<vmem>>) target_semaphore(%run_scoped3A : memref<!tpu.dma_semaphore, #tpu.memory_space<semaphore_mem>>)
      %dma_wait3A = arith.constant 0 : i32
      %dma_wait3A_101 = tpu.memref_slice %arg11[%add3A_45, %dma_wait3A] : memref<10240x128xf32, #tpu.memory_space<vmem_shared>> -> memref<128x128xf32, #tpu.memory_space<vmem_shared>>
      %dma_wait3A_102 = arith.constant 0 : i32
      %dma_wait3A_103 = tpu.memref_slice %arg11[%add3A_45, %dma_wait3A_102] : memref<10240x128xf32, #tpu.memory_space<vmem_shared>> -> memref<128x128xf32, #tpu.memory_space<vmem_shared>>
      tpu.wait_dma2 semaphore(%run_scoped3A : memref<!tpu.dma_semaphore, #tpu.memory_space<semaphore_mem>>) src(%dma_wait3A_103 : memref<128x128xf32, #tpu.memory_space<vmem_shared>>) dst(%arg10 : memref<128x128xf32, #tpu.memory_space<vmem>>)
      tpu.yield
    }) : () -> ()
    %eq3A_46 = arith.constant 0 : i32
    %eq3A_47 = arith.cmpi eq, %arg0, %eq3A_46 : i32
    %convert_element_type3A_48 = arith.extui %eq3A_47 : i1 to i32
    %cond3A_49 = arith.constant 0 : i32
    %cond3A_50 = arith.cmpi ne, %convert_element_type3A_48, %cond3A_49 : i32
    scf.if %cond3A_50 {
      "tpu.region"() ({
        %run_scoped3A = tpu.sem_alloc : memref<!tpu.dma_semaphore, #tpu.memory_space<semaphore_mem>>
        %dma_start3A = arith.constant 0 : i32
        %dma_start3A_98 = tpu.memref_slice %arg6[%add3A_45, %dma_start3A] : memref<10240x128xf32, #tpu.memory_space<hbm>> -> memref<128x128xf32, #tpu.memory_space<hbm>>
        %dma_start3A_99 = arith.constant 0 : i32
        %dma_start3A_100 = tpu.memref_slice %arg6[%add3A_45, %dma_start3A_99] : memref<10240x128xf32, #tpu.memory_space<hbm>> -> memref<128x128xf32, #tpu.memory_space<hbm>>
        tpu.enqueue_dma source(%arg10 : memref<128x128xf32, #tpu.memory_space<vmem>>) target(%dma_start3A_100 : memref<128x128xf32, #tpu.memory_space<hbm>>) target_semaphore(%run_scoped3A : memref<!tpu.dma_semaphore, #tpu.memory_space<semaphore_mem>>)
        %dma_wait3A = arith.constant 0 : i32
        %dma_wait3A_101 = tpu.memref_slice %arg6[%add3A_45, %dma_wait3A] : memref<10240x128xf32, #tpu.memory_space<hbm>> -> memref<128x128xf32, #tpu.memory_space<hbm>>
        %dma_wait3A_102 = arith.constant 0 : i32
        %dma_wait3A_103 = tpu.memref_slice %arg6[%add3A_45, %dma_wait3A_102] : memref<10240x128xf32, #tpu.memory_space<hbm>> -> memref<128x128xf32, #tpu.memory_space<hbm>>
        tpu.wait_dma2 semaphore(%run_scoped3A : memref<!tpu.dma_semaphore, #tpu.memory_space<semaphore_mem>>) src(%arg10 : memref<128x128xf32, #tpu.memory_space<vmem>>) dst(%dma_wait3A_103 : memref<128x128xf32, #tpu.memory_space<hbm>>)
        tpu.yield
      }) : () -> ()
    } else {
    }
    %eq3A_51 = arith.constant 1 : i32
    %eq3A_52 = arith.cmpi eq, %arg0, %eq3A_51 : i32
    %convert_element_type3A_53 = arith.extui %eq3A_52 : i1 to i32
    %cond3A_54 = arith.constant 0 : i32
    %cond3A_55 = arith.cmpi ne, %convert_element_type3A_53, %cond3A_54 : i32
    scf.if %cond3A_55 {
      "tpu.region"() ({
        %run_scoped3A = tpu.sem_alloc : memref<!tpu.dma_semaphore, #tpu.memory_space<semaphore_mem>>
        %dma_start3A = arith.constant 0 : i32
        %dma_start3A_98 = tpu.memref_slice %arg7[%add3A_45, %dma_start3A] : memref<10240x128xf32, #tpu.memory_space<hbm>> -> memref<128x128xf32, #tpu.memory_space<hbm>>
        %dma_start3A_99 = arith.constant 0 : i32
        %dma_start3A_100 = tpu.memref_slice %arg7[%add3A_45, %dma_start3A_99] : memref<10240x128xf32, #tpu.memory_space<hbm>> -> memref<128x128xf32, #tpu.memory_space<hbm>>
        tpu.enqueue_dma source(%arg10 : memref<128x128xf32, #tpu.memory_space<vmem>>) target(%dma_start3A_100 : memref<128x128xf32, #tpu.memory_space<hbm>>) target_semaphore(%run_scoped3A : memref<!tpu.dma_semaphore, #tpu.memory_space<semaphore_mem>>)
        %dma_wait3A = arith.constant 0 : i32
        %dma_wait3A_101 = tpu.memref_slice %arg7[%add3A_45, %dma_wait3A] : memref<10240x128xf32, #tpu.memory_space<hbm>> -> memref<128x128xf32, #tpu.memory_space<hbm>>
        %dma_wait3A_102 = arith.constant 0 : i32
        %dma_wait3A_103 = tpu.memref_slice %arg7[%add3A_45, %dma_wait3A_102] : memref<10240x128xf32, #tpu.memory_space<hbm>> -> memref<128x128xf32, #tpu.memory_space<hbm>>
        tpu.wait_dma2 semaphore(%run_scoped3A : memref<!tpu.dma_semaphore, #tpu.memory_space<semaphore_mem>>) src(%arg10 : memref<128x128xf32, #tpu.memory_space<vmem>>) dst(%dma_wait3A_103 : memref<128x128xf32, #tpu.memory_space<hbm>>)
        tpu.yield
      }) : () -> ()
    } else {
    }
    %mul3A_56 = arith.constant 640 : i32
    %mul3A_57 = arith.muli %arg1, %mul3A_56 : i32
    %add3A_58 = arith.constant 256 : i32
    %add3A_59 = arith.addi %mul3A_57, %add3A_58 : i32
    "tpu.region"() ({
      %run_scoped3A = tpu.sem_alloc : memref<!tpu.dma_semaphore, #tpu.memory_space<semaphore_mem>>
      %dma_start3A = arith.constant 0 : i32
      %dma_start3A_98 = tpu.memref_slice %arg11[%add3A_59, %dma_start3A] : memref<10240x128xf32, #tpu.memory_space<vmem_shared>> -> memref<128x128xf32, #tpu.memory_space<vmem_shared>>
      %dma_start3A_99 = arith.constant 0 : i32
      %dma_start3A_100 = tpu.memref_slice %arg11[%add3A_59, %dma_start3A_99] : memref<10240x128xf32, #tpu.memory_space<vmem_shared>> -> memref<128x128xf32, #tpu.memory_space<vmem_shared>>
      tpu.enqueue_dma source(%dma_start3A_100 : memref<128x128xf32, #tpu.memory_space<vmem_shared>>) target(%arg10 : memref<128x128xf32, #tpu.memory_space<vmem>>) target_semaphore(%run_scoped3A : memref<!tpu.dma_semaphore, #tpu.memory_space<semaphore_mem>>)
      %dma_wait3A = arith.constant 0 : i32
      %dma_wait3A_101 = tpu.memref_slice %arg11[%add3A_59, %dma_wait3A] : memref<10240x128xf32, #tpu.memory_space<vmem_shared>> -> memref<128x128xf32, #tpu.memory_space<vmem_shared>>
      %dma_wait3A_102 = arith.constant 0 : i32
      %dma_wait3A_103 = tpu.memref_slice %arg11[%add3A_59, %dma_wait3A_102] : memref<10240x128xf32, #tpu.memory_space<vmem_shared>> -> memref<128x128xf32, #tpu.memory_space<vmem_shared>>
      tpu.wait_dma2 semaphore(%run_scoped3A : memref<!tpu.dma_semaphore, #tpu.memory_space<semaphore_mem>>) src(%dma_wait3A_103 : memref<128x128xf32, #tpu.memory_space<vmem_shared>>) dst(%arg10 : memref<128x128xf32, #tpu.memory_space<vmem>>)
      tpu.yield
    }) : () -> ()
    %eq3A_60 = arith.constant 0 : i32
    %eq3A_61 = arith.cmpi eq, %arg0, %eq3A_60 : i32
    %convert_element_type3A_62 = arith.extui %eq3A_61 : i1 to i32
    %cond3A_63 = arith.constant 0 : i32
    %cond3A_64 = arith.cmpi ne, %convert_element_type3A_62, %cond3A_63 : i32
    scf.if %cond3A_64 {
      "tpu.region"() ({
        %run_scoped3A = tpu.sem_alloc : memref<!tpu.dma_semaphore, #tpu.memory_space<semaphore_mem>>
        %dma_start3A = arith.constant 0 : i32
        %dma_start3A_98 = tpu.memref_slice %arg6[%add3A_59, %dma_start3A] : memref<10240x128xf32, #tpu.memory_space<hbm>> -> memref<128x128xf32, #tpu.memory_space<hbm>>
        %dma_start3A_99 = arith.constant 0 : i32
        %dma_start3A_100 = tpu.memref_slice %arg6[%add3A_59, %dma_start3A_99] : memref<10240x128xf32, #tpu.memory_space<hbm>> -> memref<128x128xf32, #tpu.memory_space<hbm>>
        tpu.enqueue_dma source(%arg10 : memref<128x128xf32, #tpu.memory_space<vmem>>) target(%dma_start3A_100 : memref<128x128xf32, #tpu.memory_space<hbm>>) target_semaphore(%run_scoped3A : memref<!tpu.dma_semaphore, #tpu.memory_space<semaphore_mem>>)
        %dma_wait3A = arith.constant 0 : i32
        %dma_wait3A_101 = tpu.memref_slice %arg6[%add3A_59, %dma_wait3A] : memref<10240x128xf32, #tpu.memory_space<hbm>> -> memref<128x128xf32, #tpu.memory_space<hbm>>
        %dma_wait3A_102 = arith.constant 0 : i32
        %dma_wait3A_103 = tpu.memref_slice %arg6[%add3A_59, %dma_wait3A_102] : memref<10240x128xf32, #tpu.memory_space<hbm>> -> memref<128x128xf32, #tpu.memory_space<hbm>>
        tpu.wait_dma2 semaphore(%run_scoped3A : memref<!tpu.dma_semaphore, #tpu.memory_space<semaphore_mem>>) src(%arg10 : memref<128x128xf32, #tpu.memory_space<vmem>>) dst(%dma_wait3A_103 : memref<128x128xf32, #tpu.memory_space<hbm>>)
        tpu.yield
      }) : () -> ()
    } else {
    }
    %eq3A_65 = arith.constant 1 : i32
    %eq3A_66 = arith.cmpi eq, %arg0, %eq3A_65 : i32
    %convert_element_type3A_67 = arith.extui %eq3A_66 : i1 to i32
    %cond3A_68 = arith.constant 0 : i32
    %cond3A_69 = arith.cmpi ne, %convert_element_type3A_67, %cond3A_68 : i32
    scf.if %cond3A_69 {
      "tpu.region"() ({
        %run_scoped3A = tpu.sem_alloc : memref<!tpu.dma_semaphore, #tpu.memory_space<semaphore_mem>>
        %dma_start3A = arith.constant 0 : i32
        %dma_start3A_98 = tpu.memref_slice %arg7[%add3A_59, %dma_start3A] : memref<10240x128xf32, #tpu.memory_space<hbm>> -> memref<128x128xf32, #tpu.memory_space<hbm>>
        %dma_start3A_99 = arith.constant 0 : i32
        %dma_start3A_100 = tpu.memref_slice %arg7[%add3A_59, %dma_start3A_99] : memref<10240x128xf32, #tpu.memory_space<hbm>> -> memref<128x128xf32, #tpu.memory_space<hbm>>
        tpu.enqueue_dma source(%arg10 : memref<128x128xf32, #tpu.memory_space<vmem>>) target(%dma_start3A_100 : memref<128x128xf32, #tpu.memory_space<hbm>>) target_semaphore(%run_scoped3A : memref<!tpu.dma_semaphore, #tpu.memory_space<semaphore_mem>>)
        %dma_wait3A = arith.constant 0 : i32
        %dma_wait3A_101 = tpu.memref_slice %arg7[%add3A_59, %dma_wait3A] : memref<10240x128xf32, #tpu.memory_space<hbm>> -> memref<128x128xf32, #tpu.memory_space<hbm>>
        %dma_wait3A_102 = arith.constant 0 : i32
        %dma_wait3A_103 = tpu.memref_slice %arg7[%add3A_59, %dma_wait3A_102] : memref<10240x128xf32, #tpu.memory_space<hbm>> -> memref<128x128xf32, #tpu.memory_space<hbm>>
        tpu.wait_dma2 semaphore(%run_scoped3A : memref<!tpu.dma_semaphore, #tpu.memory_space<semaphore_mem>>) src(%arg10 : memref<128x128xf32, #tpu.memory_space<vmem>>) dst(%dma_wait3A_103 : memref<128x128xf32, #tpu.memory_space<hbm>>)
        tpu.yield
      }) : () -> ()
    } else {
    }
    %mul3A_70 = arith.constant 640 : i32
    %mul3A_71 = arith.muli %arg1, %mul3A_70 : i32
    %add3A_72 = arith.constant 384 : i32
    %add3A_73 = arith.addi %mul3A_71, %add3A_72 : i32
    "tpu.region"() ({
      %run_scoped3A = tpu.sem_alloc : memref<!tpu.dma_semaphore, #tpu.memory_space<semaphore_mem>>
      %dma_start3A = arith.constant 0 : i32
      %dma_start3A_98 = tpu.memref_slice %arg11[%add3A_73, %dma_start3A] : memref<10240x128xf32, #tpu.memory_space<vmem_shared>> -> memref<128x128xf32, #tpu.memory_space<vmem_shared>>
      %dma_start3A_99 = arith.constant 0 : i32
      %dma_start3A_100 = tpu.memref_slice %arg11[%add3A_73, %dma_start3A_99] : memref<10240x128xf32, #tpu.memory_space<vmem_shared>> -> memref<128x128xf32, #tpu.memory_space<vmem_shared>>
      tpu.enqueue_dma source(%dma_start3A_100 : memref<128x128xf32, #tpu.memory_space<vmem_shared>>) target(%arg10 : memref<128x128xf32, #tpu.memory_space<vmem>>) target_semaphore(%run_scoped3A : memref<!tpu.dma_semaphore, #tpu.memory_space<semaphore_mem>>)
      %dma_wait3A = arith.constant 0 : i32
      %dma_wait3A_101 = tpu.memref_slice %arg11[%add3A_73, %dma_wait3A] : memref<10240x128xf32, #tpu.memory_space<vmem_shared>> -> memref<128x128xf32, #tpu.memory_space<vmem_shared>>
      %dma_wait3A_102 = arith.constant 0 : i32
      %dma_wait3A_103 = tpu.memref_slice %arg11[%add3A_73, %dma_wait3A_102] : memref<10240x128xf32, #tpu.memory_space<vmem_shared>> -> memref<128x128xf32, #tpu.memory_space<vmem_shared>>
      tpu.wait_dma2 semaphore(%run_scoped3A : memref<!tpu.dma_semaphore, #tpu.memory_space<semaphore_mem>>) src(%dma_wait3A_103 : memref<128x128xf32, #tpu.memory_space<vmem_shared>>) dst(%arg10 : memref<128x128xf32, #tpu.memory_space<vmem>>)
      tpu.yield
    }) : () -> ()
    %eq3A_74 = arith.constant 0 : i32
    %eq3A_75 = arith.cmpi eq, %arg0, %eq3A_74 : i32
    %convert_element_type3A_76 = arith.extui %eq3A_75 : i1 to i32
    %cond3A_77 = arith.constant 0 : i32
    %cond3A_78 = arith.cmpi ne, %convert_element_type3A_76, %cond3A_77 : i32
    scf.if %cond3A_78 {
      "tpu.region"() ({
        %run_scoped3A = tpu.sem_alloc : memref<!tpu.dma_semaphore, #tpu.memory_space<semaphore_mem>>
        %dma_start3A = arith.constant 0 : i32
        %dma_start3A_98 = tpu.memref_slice %arg6[%add3A_73, %dma_start3A] : memref<10240x128xf32, #tpu.memory_space<hbm>> -> memref<128x128xf32, #tpu.memory_space<hbm>>
        %dma_start3A_99 = arith.constant 0 : i32
        %dma_start3A_100 = tpu.memref_slice %arg6[%add3A_73, %dma_start3A_99] : memref<10240x128xf32, #tpu.memory_space<hbm>> -> memref<128x128xf32, #tpu.memory_space<hbm>>
        tpu.enqueue_dma source(%arg10 : memref<128x128xf32, #tpu.memory_space<vmem>>) target(%dma_start3A_100 : memref<128x128xf32, #tpu.memory_space<hbm>>) target_semaphore(%run_scoped3A : memref<!tpu.dma_semaphore, #tpu.memory_space<semaphore_mem>>)
        %dma_wait3A = arith.constant 0 : i32
        %dma_wait3A_101 = tpu.memref_slice %arg6[%add3A_73, %dma_wait3A] : memref<10240x128xf32, #tpu.memory_space<hbm>> -> memref<128x128xf32, #tpu.memory_space<hbm>>
        %dma_wait3A_102 = arith.constant 0 : i32
        %dma_wait3A_103 = tpu.memref_slice %arg6[%add3A_73, %dma_wait3A_102] : memref<10240x128xf32, #tpu.memory_space<hbm>> -> memref<128x128xf32, #tpu.memory_space<hbm>>
        tpu.wait_dma2 semaphore(%run_scoped3A : memref<!tpu.dma_semaphore, #tpu.memory_space<semaphore_mem>>) src(%arg10 : memref<128x128xf32, #tpu.memory_space<vmem>>) dst(%dma_wait3A_103 : memref<128x128xf32, #tpu.memory_space<hbm>>)
        tpu.yield
      }) : () -> ()
    } else {
    }
    %eq3A_79 = arith.constant 1 : i32
    %eq3A_80 = arith.cmpi eq, %arg0, %eq3A_79 : i32
    %convert_element_type3A_81 = arith.extui %eq3A_80 : i1 to i32
    %cond3A_82 = arith.constant 0 : i32
    %cond3A_83 = arith.cmpi ne, %convert_element_type3A_81, %cond3A_82 : i32
    scf.if %cond3A_83 {
      "tpu.region"() ({
        %run_scoped3A = tpu.sem_alloc : memref<!tpu.dma_semaphore, #tpu.memory_space<semaphore_mem>>
        %dma_start3A = arith.constant 0 : i32
        %dma_start3A_98 = tpu.memref_slice %arg7[%add3A_73, %dma_start3A] : memref<10240x128xf32, #tpu.memory_space<hbm>> -> memref<128x128xf32, #tpu.memory_space<hbm>>
        %dma_start3A_99 = arith.constant 0 : i32
        %dma_start3A_100 = tpu.memref_slice %arg7[%add3A_73, %dma_start3A_99] : memref<10240x128xf32, #tpu.memory_space<hbm>> -> memref<128x128xf32, #tpu.memory_space<hbm>>
        tpu.enqueue_dma source(%arg10 : memref<128x128xf32, #tpu.memory_space<vmem>>) target(%dma_start3A_100 : memref<128x128xf32, #tpu.memory_space<hbm>>) target_semaphore(%run_scoped3A : memref<!tpu.dma_semaphore, #tpu.memory_space<semaphore_mem>>)
        %dma_wait3A = arith.constant 0 : i32
        %dma_wait3A_101 = tpu.memref_slice %arg7[%add3A_73, %dma_wait3A] : memref<10240x128xf32, #tpu.memory_space<hbm>> -> memref<128x128xf32, #tpu.memory_space<hbm>>
        %dma_wait3A_102 = arith.constant 0 : i32
        %dma_wait3A_103 = tpu.memref_slice %arg7[%add3A_73, %dma_wait3A_102] : memref<10240x128xf32, #tpu.memory_space<hbm>> -> memref<128x128xf32, #tpu.memory_space<hbm>>
        tpu.wait_dma2 semaphore(%run_scoped3A : memref<!tpu.dma_semaphore, #tpu.memory_space<semaphore_mem>>) src(%arg10 : memref<128x128xf32, #tpu.memory_space<vmem>>) dst(%dma_wait3A_103 : memref<128x128xf32, #tpu.memory_space<hbm>>)
        tpu.yield
      }) : () -> ()
    } else {
    }
    %mul3A_84 = arith.constant 640 : i32
    %mul3A_85 = arith.muli %arg1, %mul3A_84 : i32
    %add3A_86 = arith.constant 512 : i32
    %add3A_87 = arith.addi %mul3A_85, %add3A_86 : i32
    "tpu.region"() ({
      %run_scoped3A = tpu.sem_alloc : memref<!tpu.dma_semaphore, #tpu.memory_space<semaphore_mem>>
      %dma_start3A = arith.constant 0 : i32
      %dma_start3A_98 = tpu.memref_slice %arg11[%add3A_87, %dma_start3A] : memref<10240x128xf32, #tpu.memory_space<vmem_shared>> -> memref<128x128xf32, #tpu.memory_space<vmem_shared>>
      %dma_start3A_99 = arith.constant 0 : i32
      %dma_start3A_100 = tpu.memref_slice %arg11[%add3A_87, %dma_start3A_99] : memref<10240x128xf32, #tpu.memory_space<vmem_shared>> -> memref<128x128xf32, #tpu.memory_space<vmem_shared>>
      tpu.enqueue_dma source(%dma_start3A_100 : memref<128x128xf32, #tpu.memory_space<vmem_shared>>) target(%arg10 : memref<128x128xf32, #tpu.memory_space<vmem>>) target_semaphore(%run_scoped3A : memref<!tpu.dma_semaphore, #tpu.memory_space<semaphore_mem>>)
      %dma_wait3A = arith.constant 0 : i32
      %dma_wait3A_101 = tpu.memref_slice %arg11[%add3A_87, %dma_wait3A] : memref<10240x128xf32, #tpu.memory_space<vmem_shared>> -> memref<128x128xf32, #tpu.memory_space<vmem_shared>>
      %dma_wait3A_102 = arith.constant 0 : i32
      %dma_wait3A_103 = tpu.memref_slice %arg11[%add3A_87, %dma_wait3A_102] : memref<10240x128xf32, #tpu.memory_space<vmem_shared>> -> memref<128x128xf32, #tpu.memory_space<vmem_shared>>
      tpu.wait_dma2 semaphore(%run_scoped3A : memref<!tpu.dma_semaphore, #tpu.memory_space<semaphore_mem>>) src(%dma_wait3A_103 : memref<128x128xf32, #tpu.memory_space<vmem_shared>>) dst(%arg10 : memref<128x128xf32, #tpu.memory_space<vmem>>)
      tpu.yield
    }) : () -> ()
    %eq3A_88 = arith.constant 0 : i32
    %eq3A_89 = arith.cmpi eq, %arg0, %eq3A_88 : i32
    %convert_element_type3A_90 = arith.extui %eq3A_89 : i1 to i32
    %cond3A_91 = arith.constant 0 : i32
    %cond3A_92 = arith.cmpi ne, %convert_element_type3A_90, %cond3A_91 : i32
    scf.if %cond3A_92 {
      "tpu.region"() ({
        %run_scoped3A = tpu.sem_alloc : memref<!tpu.dma_semaphore, #tpu.memory_space<semaphore_mem>>
        %dma_start3A = arith.constant 0 : i32
        %dma_start3A_98 = tpu.memref_slice %arg6[%add3A_87, %dma_start3A] : memref<10240x128xf32, #tpu.memory_space<hbm>> -> memref<128x128xf32, #tpu.memory_space<hbm>>
        %dma_start3A_99 = arith.constant 0 : i32
        %dma_start3A_100 = tpu.memref_slice %arg6[%add3A_87, %dma_start3A_99] : memref<10240x128xf32, #tpu.memory_space<hbm>> -> memref<128x128xf32, #tpu.memory_space<hbm>>
        tpu.enqueue_dma source(%arg10 : memref<128x128xf32, #tpu.memory_space<vmem>>) target(%dma_start3A_100 : memref<128x128xf32, #tpu.memory_space<hbm>>) target_semaphore(%run_scoped3A : memref<!tpu.dma_semaphore, #tpu.memory_space<semaphore_mem>>)
        %dma_wait3A = arith.constant 0 : i32
        %dma_wait3A_101 = tpu.memref_slice %arg6[%add3A_87, %dma_wait3A] : memref<10240x128xf32, #tpu.memory_space<hbm>> -> memref<128x128xf32, #tpu.memory_space<hbm>>
        %dma_wait3A_102 = arith.constant 0 : i32
        %dma_wait3A_103 = tpu.memref_slice %arg6[%add3A_87, %dma_wait3A_102] : memref<10240x128xf32, #tpu.memory_space<hbm>> -> memref<128x128xf32, #tpu.memory_space<hbm>>
        tpu.wait_dma2 semaphore(%run_scoped3A : memref<!tpu.dma_semaphore, #tpu.memory_space<semaphore_mem>>) src(%arg10 : memref<128x128xf32, #tpu.memory_space<vmem>>) dst(%dma_wait3A_103 : memref<128x128xf32, #tpu.memory_space<hbm>>)
        tpu.yield
      }) : () -> ()
    } else {
    }
    %eq3A_93 = arith.constant 1 : i32
    %eq3A_94 = arith.cmpi eq, %arg0, %eq3A_93 : i32
    %convert_element_type3A_95 = arith.extui %eq3A_94 : i1 to i32
    %cond3A_96 = arith.constant 0 : i32
    %cond3A_97 = arith.cmpi ne, %convert_element_type3A_95, %cond3A_96 : i32
    scf.if %cond3A_97 {
      "tpu.region"() ({
        %run_scoped3A = tpu.sem_alloc : memref<!tpu.dma_semaphore, #tpu.memory_space<semaphore_mem>>
        %dma_start3A = arith.constant 0 : i32
        %dma_start3A_98 = tpu.memref_slice %arg7[%add3A_87, %dma_start3A] : memref<10240x128xf32, #tpu.memory_space<hbm>> -> memref<128x128xf32, #tpu.memory_space<hbm>>
        %dma_start3A_99 = arith.constant 0 : i32
        %dma_start3A_100 = tpu.memref_slice %arg7[%add3A_87, %dma_start3A_99] : memref<10240x128xf32, #tpu.memory_space<hbm>> -> memref<128x128xf32, #tpu.memory_space<hbm>>
        tpu.enqueue_dma source(%arg10 : memref<128x128xf32, #tpu.memory_space<vmem>>) target(%dma_start3A_100 : memref<128x128xf32, #tpu.memory_space<hbm>>) target_semaphore(%run_scoped3A : memref<!tpu.dma_semaphore, #tpu.memory_space<semaphore_mem>>)
        %dma_wait3A = arith.constant 0 : i32
        %dma_wait3A_101 = tpu.memref_slice %arg7[%add3A_87, %dma_wait3A] : memref<10240x128xf32, #tpu.memory_space<hbm>> -> memref<128x128xf32, #tpu.memory_space<hbm>>
        %dma_wait3A_102 = arith.constant 0 : i32
        %dma_wait3A_103 = tpu.memref_slice %arg7[%add3A_87, %dma_wait3A_102] : memref<10240x128xf32, #tpu.memory_space<hbm>> -> memref<128x128xf32, #tpu.memory_space<hbm>>
        tpu.wait_dma2 semaphore(%run_scoped3A : memref<!tpu.dma_semaphore, #tpu.memory_space<semaphore_mem>>) src(%arg10 : memref<128x128xf32, #tpu.memory_space<vmem>>) dst(%dma_wait3A_103 : memref<128x128xf32, #tpu.memory_space<hbm>>)
        tpu.yield
      }) : () -> ()
    } else {
    }
    return
  }
}

module attributes {stable_mosaic.version = 14 : i64} {
  func.func @body(%arg0: i32, %arg1: memref<1024x128xf32, #tpu.memory_space<vmem>>, %arg2: memref<1024x128xf32, #tpu.memory_space<vmem>>, %arg3: memref<32x1024xf32, #tpu.memory_space<vmem>>, %arg4: memref<1024x128xf32, #tpu.memory_space<vmem>>, %arg5: memref<128x128xf32, #tpu.memory_space<vmem>>, %arg6: memref<128x128xf32, #tpu.memory_space<vmem>>, %arg7: memref<1x128xf32, #tpu.memory_space<vmem>>, %arg8: memref<1024x128xf32, #tpu.memory_space<vmem>>) attributes {dimension_semantics = [#tpu.dimension_semantics<arbitrary>], iteration_bounds = array<i64: 10>, scalar_prefetch = 0 : i64, scratch_operands = 0 : i64, tpu.core_type = #tpu.core_type<tc>, window_params = [{transform_indices = @transform_0, window_bounds = array<i64: 1024, 128>}, {transform_indices = @transform_1, window_bounds = array<i64: 1024, 128>}, {transform_indices = @transform_2, window_bounds = array<i64: 32, 1024>}, {transform_indices = @transform_3, window_bounds = array<i64: 1024, 128>}, {pipeline_mode = #tpu.pipeline_mode<synchronous>, transform_indices = @transform_4, window_bounds = array<i64: 128, 128>}, {pipeline_mode = #tpu.pipeline_mode<synchronous>, transform_indices = @transform_5, window_bounds = array<i64: 128, 128>}, {pipeline_mode = #tpu.pipeline_mode<synchronous>, transform_indices = @transform_6, window_bounds = array<i64: 1, 128>}, {transform_indices = @transform_7, window_bounds = array<i64: 1024, 128>}]} {
    %get3A = arith.constant 0 : index
    %get3A_0 = arith.constant 0 : index
    %get3A_1 = vector.load %arg1[%get3A, %get3A_0] : memref<1024x128xf32, #tpu.memory_space<vmem>>, vector<1024x128xf32>
    %get3A_2 = arith.constant 0 : index
    %get3A_3 = arith.constant 0 : index
    %get3A_4 = vector.load %arg2[%get3A_2, %get3A_3] : memref<1024x128xf32, #tpu.memory_space<vmem>>, vector<1024x128xf32>
    %add3A = arith.addf %get3A_1, %get3A_4 : vector<1024x128xf32>
    %get3A_5 = arith.constant 0 : index
    %get3A_6 = arith.constant 0 : index
    %get3A_7 = vector.load %arg3[%get3A_5, %get3A_6] : memref<32x1024xf32, #tpu.memory_space<vmem>>, vector<32x1024xf32>
    %reduce_sum3A = arith.constant dense<0.000000e+00> : vector<1024xf32>
    %reduce_sum3A_8 = vector.multi_reduction <add>, %get3A_7, %reduce_sum3A [0] : vector<32x1024xf32> to vector<1024xf32>
    %broadcast_in_dim3A = vector.shape_cast %reduce_sum3A_8 : vector<1024xf32> to vector<1024x1xf32>
    %max3A = arith.constant 1.000000e+00 : f32
    %max3A_9 = vector.broadcast %max3A : f32 to vector<1024x1xf32>
    %max3A_10 = arith.maximumf %broadcast_in_dim3A, %max3A_9 : vector<1024x1xf32>
    %div3A = vector.broadcast %max3A_10 : vector<1024x1xf32> to vector<1024x128xf32>
    %div3A_11 = arith.divf %add3A, %div3A : vector<1024x128xf32>
    %get3A_12 = arith.constant 0 : index
    %get3A_13 = arith.constant 0 : index
    %get3A_14 = vector.load %arg5[%get3A_12, %get3A_13] : memref<128x128xf32, #tpu.memory_space<vmem>>, vector<128x128xf32>
    %dot_general3A = arith.constant dense<0.000000e+00> : vector<1024x128xf32>
    %dot_general3A_15 = tpu.matmul %div3A_11, %get3A_14, %dot_general3A {dimension_numbers = #tpu.dot_dimension_numbers<[1], [0], [0], [1], [0, 0, 1, 1], [], []>, transpose_lhs_hint = false} : vector<1024x128xf32>, vector<128x128xf32>, vector<1024x128xf32> -> vector<1024x128xf32>
    %get3A_16 = arith.constant 0 : index
    %get3A_17 = arith.constant 0 : index
    %get3A_18 = vector.load %arg4[%get3A_16, %get3A_17] : memref<1024x128xf32, #tpu.memory_space<vmem>>, vector<1024x128xf32>
    %get3A_19 = arith.constant 0 : index
    %get3A_20 = arith.constant 0 : index
    %get3A_21 = vector.load %arg6[%get3A_19, %get3A_20] : memref<128x128xf32, #tpu.memory_space<vmem>>, vector<128x128xf32>
    %dot_general3A_22 = arith.constant dense<0.000000e+00> : vector<1024x128xf32>
    %dot_general3A_23 = tpu.matmul %get3A_18, %get3A_21, %dot_general3A_22 {dimension_numbers = #tpu.dot_dimension_numbers<[1], [0], [0], [1], [0, 0, 1, 1], [], []>, transpose_lhs_hint = false} : vector<1024x128xf32>, vector<128x128xf32>, vector<1024x128xf32> -> vector<1024x128xf32>
    %add3A_24 = arith.addf %dot_general3A_15, %dot_general3A_23 : vector<1024x128xf32>
    %get3A_25 = arith.constant 0 : index
    %get3A_26 = arith.constant 0 : index
    %get3A_27 = vector.load %arg7[%get3A_25, %get3A_26] : memref<1x128xf32, #tpu.memory_space<vmem>>, vector<1x128xf32>
    %add3A_28 = vector.broadcast %get3A_27 : vector<1x128xf32> to vector<1024x128xf32>
    %add3A_29 = arith.addf %add3A_24, %add3A_28 : vector<1024x128xf32>
    %max3A_30 = arith.constant 0.000000e+00 : f32
    %max3A_31 = vector.broadcast %max3A_30 : f32 to vector<1024x128xf32>
    %max3A_32 = arith.maximumf %add3A_29, %max3A_31 : vector<1024x128xf32>
    %swap3A = arith.constant 0 : index
    %swap3A_33 = arith.constant 0 : index
    %swap3A_34 = vector.load %arg8[%swap3A, %swap3A_33] : memref<1024x128xf32, #tpu.memory_space<vmem>>, vector<1024x128xf32>
    tpu.vector_store %arg8[%swap3A, %swap3A_33], %max3A_32 {strides = array<i32>} : memref<1024x128xf32, #tpu.memory_space<vmem>>, vector<1024x128xf32>,
    return
  }
  func.func @transform_0(%arg0: i32) -> (i32, i32) {
    %c0_i32 = arith.constant 0 : i32
    %c0_i32_0 = arith.constant 0 : i32
    return %arg0, %c0_i32 : i32, i32
  }
  func.func @transform_1(%arg0: i32) -> (i32, i32) {
    %c0_i32 = arith.constant 0 : i32
    %c0_i32_0 = arith.constant 0 : i32
    return %arg0, %c0_i32 : i32, i32
  }
  func.func @transform_2(%arg0: i32) -> (i32, i32) {
    %c0_i32 = arith.constant 0 : i32
    %c0_i32_0 = arith.constant 0 : i32
    return %c0_i32, %arg0 : i32, i32
  }
  func.func @transform_3(%arg0: i32) -> (i32, i32) {
    %c0_i32 = arith.constant 0 : i32
    %c0_i32_0 = arith.constant 0 : i32
    return %arg0, %c0_i32 : i32, i32
  }
  func.func @transform_4(%arg0: i32) -> (i32, i32) {
    %c0_i32 = arith.constant 0 : i32
    %c0_i32_0 = arith.constant 0 : i32
    %c0_i32_1 = arith.constant 0 : i32
    return %c0_i32, %c0_i32_0 : i32, i32
  }
  func.func @transform_5(%arg0: i32) -> (i32, i32) {
    %c0_i32 = arith.constant 0 : i32
    %c0_i32_0 = arith.constant 0 : i32
    %c0_i32_1 = arith.constant 0 : i32
    return %c0_i32, %c0_i32_0 : i32, i32
  }
  func.func @transform_6(%arg0: i32) -> (i32, i32) {
    %c0_i32 = arith.constant 0 : i32
    %c0_i32_0 = arith.constant 0 : i32
    %c0_i32_1 = arith.constant 0 : i32
    return %c0_i32, %c0_i32_0 : i32, i32
  }
  func.func @transform_7(%arg0: i32) -> (i32, i32) {
    %c0_i32 = arith.constant 0 : i32
    %c0_i32_0 = arith.constant 0 : i32
    return %arg0, %c0_i32 : i32, i32
  }
}

module attributes {stable_mosaic.version = 14 : i64} {
  func.func @body(%arg0: i32, %arg1: memref<1024x128xf32, #tpu.memory_space<vmem>>, %arg2: memref<1x1x1024xi32, #tpu.memory_space<vmem>>, %arg3: memref<128x128xf32, #tpu.memory_space<vmem>>, %arg4: memref<1x128xf32, #tpu.memory_space<vmem>>, %arg5: memref<128x64xf32, #tpu.memory_space<vmem>>, %arg6: memref<1x64xf32, #tpu.memory_space<vmem>>, %arg7: memref<64x64xf32, #tpu.memory_space<vmem>>, %arg8: memref<64x128xf32, #tpu.memory_space<vmem>>, %arg9: memref<64x1xf32, #tpu.memory_space<vmem>>) attributes {dimension_semantics = [#tpu.dimension_semantics<arbitrary>], iteration_bounds = array<i64: 10>, scalar_prefetch = 0 : i64, scratch_operands = 2 : i64, tpu.core_type = #tpu.core_type<tc>, window_params = [{transform_indices = @transform_0, window_bounds = array<i64: 1024, 128>}, {transform_indices = @transform_1, window_bounds = array<i64: 1, 1, 1024>}, {pipeline_mode = #tpu.pipeline_mode<synchronous>, transform_indices = @transform_2, window_bounds = array<i64: 128, 128>}, {pipeline_mode = #tpu.pipeline_mode<synchronous>, transform_indices = @transform_3, window_bounds = array<i64: 1, 128>}, {pipeline_mode = #tpu.pipeline_mode<synchronous>, transform_indices = @transform_4, window_bounds = array<i64: 128, 64>}, {pipeline_mode = #tpu.pipeline_mode<synchronous>, transform_indices = @transform_5, window_bounds = array<i64: 1, 64>}, {pipeline_mode = #tpu.pipeline_mode<synchronous>, transform_indices = @transform_6, window_bounds = array<i64: 64, 64>}]} {
    %eq3A = arith.constant 0 : i32
    %eq3A_0 = arith.cmpi eq, %arg0, %eq3A : i32
    %convert_element_type3A = arith.extui %eq3A_0 : i1 to i32
    %cond3A = arith.constant 0 : i32
    %cond3A_1 = arith.cmpi ne, %convert_element_type3A, %cond3A : i32
    scf.if %cond3A_1 {
      %broadcast_in_dim3A_33 = arith.constant 0.000000e+00 : f32
      %broadcast_in_dim3A_34 = vector.broadcast %broadcast_in_dim3A_33 : f32 to vector<64x128xf32>
      %swap3A_35 = arith.constant 0 : index
      %swap3A_36 = arith.constant 0 : index
      %swap3A_37 = vector.load %arg8[%swap3A_35, %swap3A_36] : memref<64x128xf32, #tpu.memory_space<vmem>>, vector<64x128xf32>
      tpu.vector_store %arg8[%swap3A_35, %swap3A_36], %broadcast_in_dim3A_34 {strides = array<i32>} : memref<64x128xf32, #tpu.memory_space<vmem>>, vector<64x128xf32>,
      %broadcast_in_dim3A_38 = arith.constant 0.000000e+00 : f32
      %broadcast_in_dim3A_39 = vector.broadcast %broadcast_in_dim3A_38 : f32 to vector<64x1xf32>
      %swap3A_40 = arith.constant 0 : index
      %swap3A_41 = arith.constant 0 : index
      %swap3A_42 = vector.load %arg9[%swap3A_40, %swap3A_41] : memref<64x1xf32, #tpu.memory_space<vmem>>, vector<64x1xf32>
      tpu.vector_store %arg9[%swap3A_40, %swap3A_41], %broadcast_in_dim3A_39 {strides = array<i32>} : memref<64x1xf32, #tpu.memory_space<vmem>>, vector<64x1xf32>,
    } else {
    }
    %get3A = arith.constant 0 : index
    %get3A_2 = arith.constant 0 : index
    %get3A_3 = arith.constant 0 : index
    %get3A_4 = vector.load %arg2[%get3A, %get3A_2, %get3A_3] : memref<1x1x1024xi32, #tpu.memory_space<vmem>>, vector<1x1x1024xi32>
    %get3A_5 = vector.shape_cast %get3A_4 : vector<1x1x1024xi32> to vector<1024xi32>
    %iota3A = tpu.iota {dimensions = array<i32: 0>} : vector<64x1024xi32>
    %broadcast_in_dim3A = vector.shape_cast %get3A_5 : vector<1024xi32> to vector<1x1024xi32>
    %eq3A_6 = vector.broadcast %broadcast_in_dim3A : vector<1x1024xi32> to vector<64x1024xi32>
    %eq3A_7 = arith.cmpi eq, %iota3A, %eq3A_6 : vector<64x1024xi32>
    %convert_element_type3A_8 = arith.extui %eq3A_7 : vector<64x1024xi1> to vector<64x1024xi32>
    %convert_element_type3A_9 = arith.sitofp %convert_element_type3A_8 : vector<64x1024xi32> to vector<64x1024xf32>
    %get3A_10 = arith.constant 0 : index
    %get3A_11 = arith.constant 0 : index
    %get3A_12 = vector.load %arg8[%get3A_10, %get3A_11] : memref<64x128xf32, #tpu.memory_space<vmem>>, vector<64x128xf32>
    %get3A_13 = arith.constant 0 : index
    %get3A_14 = arith.constant 0 : index
    %get3A_15 = vector.load %arg1[%get3A_13, %get3A_14] : memref<1024x128xf32, #tpu.memory_space<vmem>>, vector<1024x128xf32>
    %dot_general3A = arith.constant dense<0.000000e+00> : vector<64x128xf32>
    %dot_general3A_16 = tpu.matmul %convert_element_type3A_9, %get3A_15, %dot_general3A {dimension_numbers = #tpu.dot_dimension_numbers<[1], [0], [0], [1], [0, 0, 1, 1], [], []>, transpose_lhs_hint = false} : vector<64x1024xf32>, vector<1024x128xf32>, vector<64x128xf32> -> vector<64x128xf32>
    %add3A = arith.addf %get3A_12, %dot_general3A_16 : vector<64x128xf32>
    %swap3A = arith.constant 0 : index
    %swap3A_17 = arith.constant 0 : index
    %swap3A_18 = vector.load %arg8[%swap3A, %swap3A_17] : memref<64x128xf32, #tpu.memory_space<vmem>>, vector<64x128xf32>
    tpu.vector_store %arg8[%swap3A, %swap3A_17], %add3A {strides = array<i32>} : memref<64x128xf32, #tpu.memory_space<vmem>>, vector<64x128xf32>,
    %get3A_19 = arith.constant 0 : index
    %get3A_20 = arith.constant 0 : index
    %get3A_21 = vector.load %arg9[%get3A_19, %get3A_20] : memref<64x1xf32, #tpu.memory_space<vmem>>, vector<64x1xf32>
    %reduce_sum3A = arith.constant dense<0.000000e+00> : vector<64xf32>
    %reduce_sum3A_22 = vector.multi_reduction <add>, %convert_element_type3A_9, %reduce_sum3A [1] : vector<64x1024xf32> to vector<64xf32>
    %broadcast_in_dim3A_23 = vector.shape_cast %reduce_sum3A_22 : vector<64xf32> to vector<64x1xf32>
    %add3A_24 = arith.addf %get3A_21, %broadcast_in_dim3A_23 : vector<64x1xf32>
    %swap3A_25 = arith.constant 0 : index
    %swap3A_26 = arith.constant 0 : index
    %swap3A_27 = vector.load %arg9[%swap3A_25, %swap3A_26] : memref<64x1xf32, #tpu.memory_space<vmem>>, vector<64x1xf32>
    tpu.vector_store %arg9[%swap3A_25, %swap3A_26], %add3A_24 {strides = array<i32>} : memref<64x1xf32, #tpu.memory_space<vmem>>, vector<64x1xf32>,
    %eq3A_28 = arith.constant 9 : i32
    %eq3A_29 = arith.cmpi eq, %arg0, %eq3A_28 : i32
    %convert_element_type3A_30 = arith.extui %eq3A_29 : i1 to i32
    %cond3A_31 = arith.constant 0 : i32
    %cond3A_32 = arith.cmpi ne, %convert_element_type3A_30, %cond3A_31 : i32
    scf.if %cond3A_32 {
      %get3A_33 = arith.constant 0 : index
      %get3A_34 = arith.constant 0 : index
      %get3A_35 = vector.load %arg8[%get3A_33, %get3A_34] : memref<64x128xf32, #tpu.memory_space<vmem>>, vector<64x128xf32>
      %get3A_36 = arith.constant 0 : index
      %get3A_37 = arith.constant 0 : index
      %get3A_38 = vector.load %arg9[%get3A_36, %get3A_37] : memref<64x1xf32, #tpu.memory_space<vmem>>, vector<64x1xf32>
      %max3A = arith.constant 1.000000e+00 : f32
      %max3A_39 = vector.broadcast %max3A : f32 to vector<64x1xf32>
      %max3A_40 = arith.maximumf %get3A_38, %max3A_39 : vector<64x1xf32>
      %div3A = vector.broadcast %max3A_40 : vector<64x1xf32> to vector<64x128xf32>
      %div3A_41 = arith.divf %get3A_35, %div3A : vector<64x128xf32>
      %get3A_42 = arith.constant 0 : index
      %get3A_43 = arith.constant 0 : index
      %get3A_44 = vector.load %arg3[%get3A_42, %get3A_43] : memref<128x128xf32, #tpu.memory_space<vmem>>, vector<128x128xf32>
      %dot_general3A_45 = arith.constant dense<0.000000e+00> : vector<64x128xf32>
      %dot_general3A_46 = tpu.matmul %div3A_41, %get3A_44, %dot_general3A_45 {dimension_numbers = #tpu.dot_dimension_numbers<[1], [0], [0], [1], [0, 0, 1, 1], [], []>, transpose_lhs_hint = false} : vector<64x128xf32>, vector<128x128xf32>, vector<64x128xf32> -> vector<64x128xf32>
      %get3A_47 = arith.constant 0 : index
      %get3A_48 = arith.constant 0 : index
      %get3A_49 = vector.load %arg4[%get3A_47, %get3A_48] : memref<1x128xf32, #tpu.memory_space<vmem>>, vector<1x128xf32>
      %add3A_50 = vector.broadcast %get3A_49 : vector<1x128xf32> to vector<64x128xf32>
      %add3A_51 = arith.addf %dot_general3A_46, %add3A_50 : vector<64x128xf32>
      %max3A_52 = arith.constant 0.000000e+00 : f32
      %max3A_53 = vector.broadcast %max3A_52 : f32 to vector<64x128xf32>
      %max3A_54 = arith.maximumf %add3A_51, %max3A_53 : vector<64x128xf32>
      %get3A_55 = arith.constant 0 : index
      %get3A_56 = arith.constant 0 : index
      %get3A_57 = vector.load %arg5[%get3A_55, %get3A_56] : memref<128x64xf32, #tpu.memory_space<vmem>>, vector<128x64xf32>
      %dot_general3A_58 = arith.constant dense<0.000000e+00> : vector<64x64xf32>
      %dot_general3A_59 = tpu.matmul %max3A_54, %get3A_57, %dot_general3A_58 {dimension_numbers = #tpu.dot_dimension_numbers<[1], [0], [0], [1], [0, 0, 1, 1], [], []>, transpose_lhs_hint = false} : vector<64x128xf32>, vector<128x64xf32>, vector<64x64xf32> -> vector<64x64xf32>
      %get3A_60 = arith.constant 0 : index
      %get3A_61 = arith.constant 0 : index
      %get3A_62 = vector.load %arg6[%get3A_60, %get3A_61] : memref<1x64xf32, #tpu.memory_space<vmem>>, vector<1x64xf32>
      %add3A_63 = vector.broadcast %get3A_62 : vector<1x64xf32> to vector<64x64xf32>
      %add3A_64 = arith.addf %dot_general3A_59, %add3A_63 : vector<64x64xf32>
      %reduce_max3A = arith.constant dense<0xFF800000> : vector<64xf32>
      %reduce_max3A_65 = vector.multi_reduction <maximumf>, %add3A_64, %reduce_max3A [1] : vector<64x64xf32> to vector<64xf32>
      %broadcast_in_dim3A_66 = vector.shape_cast %reduce_max3A_65 : vector<64xf32> to vector<64x1xf32>
      %sub3A = vector.broadcast %broadcast_in_dim3A_66 : vector<64x1xf32> to vector<64x64xf32>
      %sub3A_67 = arith.subf %add3A_64, %sub3A : vector<64x64xf32>
      %exp3A = math.exp %sub3A_67 : vector<64x64xf32>
      %reduce_sum3A_68 = arith.constant dense<0.000000e+00> : vector<64xf32>
      %reduce_sum3A_69 = vector.multi_reduction <add>, %exp3A, %reduce_sum3A_68 [1] : vector<64x64xf32> to vector<64xf32>
      %broadcast_in_dim3A_70 = vector.shape_cast %reduce_sum3A_69 : vector<64xf32> to vector<64x1xf32>
      %log3A = math.log %broadcast_in_dim3A_70 : vector<64x1xf32>
      %add3A_71 = arith.addf %log3A, %broadcast_in_dim3A_66 : vector<64x1xf32>
      %sub3A_72 = vector.broadcast %add3A_71 : vector<64x1xf32> to vector<64x64xf32>
      %sub3A_73 = arith.subf %add3A_64, %sub3A_72 : vector<64x64xf32>
      %swap3A_74 = arith.constant 0 : index
      %swap3A_75 = arith.constant 0 : index
      %swap3A_76 = vector.load %arg7[%swap3A_74, %swap3A_75] : memref<64x64xf32, #tpu.memory_space<vmem>>, vector<64x64xf32>
      tpu.vector_store %arg7[%swap3A_74, %swap3A_75], %sub3A_73 {strides = array<i32>} : memref<64x64xf32, #tpu.memory_space<vmem>>, vector<64x64xf32>,
    } else {
    }
    return
  }
  func.func @transform_0(%arg0: i32) -> (i32, i32) {
    %c0_i32 = arith.constant 0 : i32
    %c0_i32_0 = arith.constant 0 : i32
    return %arg0, %c0_i32 : i32, i32
  }
  func.func @transform_1(%arg0: i32) -> (i32, i32, i32) {
    %c0_i32 = arith.constant 0 : i32
    %c0_i32_0 = arith.constant 0 : i32
    %c0_i32_1 = arith.constant 0 : i32
    return %arg0, %c0_i32, %c0_i32_0 : i32, i32, i32
  }
  func.func @transform_2(%arg0: i32) -> (i32, i32) {
    %c0_i32 = arith.constant 0 : i32
    %c0_i32_0 = arith.constant 0 : i32
    %c0_i32_1 = arith.constant 0 : i32
    return %c0_i32, %c0_i32_0 : i32, i32
  }
  func.func @transform_3(%arg0: i32) -> (i32, i32) {
    %c0_i32 = arith.constant 0 : i32
    %c0_i32_0 = arith.constant 0 : i32
    %c0_i32_1 = arith.constant 0 : i32
    return %c0_i32, %c0_i32_0 : i32, i32
  }
  func.func @transform_4(%arg0: i32) -> (i32, i32) {
    %c0_i32 = arith.constant 0 : i32
    %c0_i32_0 = arith.constant 0 : i32
    %c0_i32_1 = arith.constant 0 : i32
    return %c0_i32, %c0_i32_0 : i32, i32
  }
  func.func @transform_5(%arg0: i32) -> (i32, i32) {
    %c0_i32 = arith.constant 0 : i32
    %c0_i32_0 = arith.constant 0 : i32
    %c0_i32_1 = arith.constant 0 : i32
    return %c0_i32, %c0_i32_0 : i32, i32
  }
  func.func @transform_6(%arg0: i32) -> (i32, i32) {
    %c0_i32 = arith.constant 0 : i32
    %c0_i32_0 = arith.constant 0 : i32
    %c0_i32_1 = arith.constant 0 : i32
    return %c0_i32, %c0_i32_0 : i32, i32
  }
}

</mosaic_0001>

<sc_bundles>
// kernel: kernel.12.cloned.1.call-start
scs
__scs_entry_jumppad:
0x0: {  	(pc) =	sbr.rel $0x88, $3  }
0x1: {  	(tag) =	ssettag $0x0;
	lr =	simm.s32 $0x1  }
0x2: {  	[smem:$0x3F91] =	sst lr;
	_ =	strace $0xD0000000  }
0x3: {  	_ = 	snop  }
0x4: {  	_ = 	snop  }
0x5: {  	_ = 	snop  }
0x6: {  	_ = 	snop  }
0x7: {  	_ = 	snop  }
__scs_overlays_trampoline_lowered:
0x8: {  	[smem:$0x3FA0] =	sst s0  }
0x9: {  	[smem:$0x3FA1] =	sst s1  }
0xa: {  	[smem:$0x3FA2] =	sst s2  }
0xb: {  	[smem:$0x3FA3] =	sst s3  }
0xc: {  	[smem:$0x3FA4] =	sst s4  }
0xd: {  	[smem:$0x3FA5] =	sst s5  }
0xe: {  	[smem:$0x3FA6] =	sst s6  }
0xf: {  	[smem:$0x3FA7] =	sst s7  }
0x10: {  	[smem:$0x3FA8] =	sst s8  }
0x11: {  	[smem:$0x3FA9] =	sst s9;
	s0 =	simm.s32 @!p0 $0x0  }
0x12: {  	s1 =	sld [smem:$0x3F8F];
	s0 =	simm.s32 @p0 $0x1  }
0x13: {  	[smem:$0x3FAA] =	sst s0;
	s0 =	simm.s32 @!p1 $0x0  }
0x14: {  	s2 =	sld [smem:$0x3F8E];
	s0 =	simm.s32 @p1 $0x1  }
0x15: {  	[smem:$0x3FAB] =	sst s0;
	s0 =	simm.s32 @!p2 $0x0  }
0x16: {  	s3 =	sld [smem:$0x3FDB];
	s0 =	simm.s32 @p2 $0x1  }
0x17: {  	s4 =	simm.s32 $0x1BF5;
	[smem:$0x3FAD] =	sst s0  }
0x18: {  	s0 =	sld [smem:$0x3F90];
	_ =	swait.ge [sflag:s4], $0x0  }
0x19: {  	s7 =	sld [smem:$0x3F91]  }
0x1a: {  	s8 =	sadd.s32 $0xFFFFE003, lr  }
0x1b: {  	s9 =	sadd.s32 $0xFFFFFEF7, lr;
	s5 =	simm.s32 $0xFFFFFFFF;
	p2 =	slt.u32 s8, $0xFFFFF086  }
0x1c: {  	p1 =	slt.u32 s9, $0xF7A;
	s5 =	simm.s32 @!p2 $0x0  }
0x1d: {  	s5 =	simm.s32 @p1 $0x1;
	p0 =	seq.s32 s7, s2  }
0x1e: {  	s7 =	smul.u32 @!p0 $0xF7A, s2;
	p2 =	seq.s32 @!p0 s5, $0x0  }
0x1f: {  	s9 =	smul.u32 $0xF7A, s1;
	s8 =	simm.s32 @!p0 $0x1BF5;
	p2 =	por !p2, p0  }
0x20: {  	[sflag:s8] =	ssyncset.s32 @!p0 $0xFFFFF086;
	s6 =	sadd.s32 @!p0 s3, s7;
	s7 =	simm.s32 @!p0 $0x108  }
0x21: {  	s3 =	sadd.s32 s3, s9;
	s6 =	sadd.s32 @!p0 $0x88, s6;
	s7 =	simm.s32 @p2 $0x1082  }
0x22: {  	[simem:s7], [sflag:s8] =	dma.local @!p0 [hbm:s6], $0xF7A  }
0x23: {  	s9 =	sor.u32 $0xD0000000, s2;
	s6 =	simm.s32 $0x108;
	_ =	swait.ge @!p0 [sflag:s8], $0x0  }
0x24: {  	s3 =	sadd.s32 $0x88, s3;
	s6 =	simm.s32 @!p1 $0x1082;
	[sflag:s4] =	ssyncset.s32 $0xFFFFF086  }
0x25: {  	[simem:s6], [sflag:s4] =	dma.local [hbm:s3], $0xF7A  }
0x26: {  	[smem:$0x3F91] =	sst s1;
	(tag) =	ssettag s2;
	_ =	strace s9  }
0x27: {  	s1 =	sld [smem:$0x3FA1]  }
0x28: {  	s2 =	sld [smem:$0x3FA2]  }
0x29: {  	s4 =	sld [smem:$0x3FA4]  }
0x2a: {  	p0 =	seq.s32 s5, $0x0;
	s5 =	sld [smem:$0x3FA5]  }
0x2b: {  	s6 =	sld [smem:$0x3FA6]  }
0x2c: {  	s7 =	sld [smem:$0x3FA7]  }
0x2d: {  	s3 =	simm.s32 $0x108;
	s8 =	sld [smem:$0x3FA8]  }
0x2e: {  	s3 =	simm.s32 @!p0 $0x1082;
	s9 =	sld [smem:$0x3FA9]  }
0x2f: {  	lr =	sadd.s32 s0, s3;
	s0 =	sld [smem:$0x3FA0]  }
0x30: {  	s3 =	sld [smem:$0x3FA3]  }
0x31: {  	[smem:$0x3FAC] =	sst s10  }
0x32: {  	s10 =	sld [smem:$0x3FAA];
	_ =	sdelay $0x3  }
0x33: {  	p0 =	seq.s32 s10, $0x1;
	s10 =	sld [smem:$0x3FAC];
	_ =	sdelay $0x3  }
0x34: {  	[smem:$0x3FAC] =	sst s10  }
0x35: {  	s10 =	sld [smem:$0x3FAB];
	_ =	sdelay $0x3  }
0x36: {  	p1 =	seq.s32 s10, $0x1;
	s10 =	sld [smem:$0x3FAC];
	_ =	sdelay $0x3  }
0x37: {  	[smem:$0x3FAC] =	sst s10  }
0x38: {  	s10 =	sld [smem:$0x3FAD]  }
0x39: {  	_ = 	snop;
	(pc) =	sbr.ind lr, $3  }
0x3a: {  	_ = 	snop  }
0x3b: {  	_ = 	snop  }
0x3c: {  	p2 =	seq.s32 s10, $0x1;
	s10 =	sld [smem:$0x3FAC]  }
0x3d: {  	_ =	shalt  }
0x3e: {  	_ =	shalt  }
0x3f: {  	_ =	shalt  }
0x40: {  	_ =	shalt  }
0x41: {  	_ =	shalt  }
0x42: {  	_ =	shalt  }
0x43: {  	_ =	shalt  }
0x44: {  	_ =	shalt  }
0x45: {  	_ =	shalt  }
0x46: {  	_ =	shalt  }
0x47: {  	_ =	shalt  }
0x48: {  	_ =	shalt  }
0x49: {  	_ =	shalt  }
0x4a: {  	_ =	shalt  }
0x4b: {  	_ =	shalt  }
0x4c: {  	_ =	shalt  }
0x4d: {  	_ =	shalt  }
0x4e: {  	_ =	shalt  }
0x4f: {  	_ =	shalt  }
0x50: {  	_ =	shalt  }
0x51: {  	_ =	shalt  }
0x52: {  	_ =	shalt  }
0x53: {  	_ =	shalt  }
0x54: {  	_ =	shalt  }
0x55: {  	_ =	shalt  }
0x56: {  	_ =	shalt  }
0x57: {  	_ =	shalt  }
0x58: {  	_ =	shalt  }
0x59: {  	_ =	shalt  }
0x5a: {  	_ =	shalt  }
0x5b: {  	_ =	shalt  }
0x5c: {  	_ =	shalt  }
0x5d: {  	_ =	shalt  }
0x5e: {  	_ =	shalt  }
0x5f: {  	_ =	shalt  }
0x60: {  	_ =	shalt  }
0x61: {  	_ =	shalt  }
0x62: {  	_ =	shalt  }
0x63: {  	_ =	shalt  }
0x64: {  	_ =	shalt  }
0x65: {  	_ =	shalt  }
0x66: {  	_ =	shalt  }
0x67: {  	_ =	shalt  }
0x68: {  	_ =	shalt  }
0x69: {  	_ =	shalt  }
0x6a: {  	_ =	shalt  }
0x6b: {  	_ =	shalt  }
0x6c: {  	_ =	shalt  }
0x6d: {  	_ =	shalt  }
0x6e: {  	_ =	shalt  }
0x6f: {  	_ =	shalt  }
0x70: {  	_ =	shalt  }
0x71: {  	_ =	shalt  }
0x72: {  	_ =	shalt  }
0x73: {  	_ =	shalt  }
0x74: {  	_ =	shalt  }
0x75: {  	_ =	shalt  }
0x76: {  	_ =	shalt  }
0x77: {  	_ =	shalt  }
0x78: {  	_ =	shalt  }
0x79: {  	_ =	shalt  }
0x7a: {  	_ =	shalt  }
0x7b: {  	_ =	shalt  }
0x7c: {  	_ =	shalt  }
0x7d: {  	_ =	shalt  }
0x7e: {  	_ =	shalt  }
0x7f: {  	_ =	shalt  }
0x80: {  	_ =	shalt  }
0x81: {  	_ =	shalt  }
0x82: {  	_ =	shalt  }
0x83: {  	_ =	shalt  }
0x84: {  	_ =	shalt  }
0x85: {  	_ =	shalt  }
0x86: {  	_ =	shalt  }
0x87: {  	_ =	shalt  }
.Lfunc_end0:
.L_simem_size_0:
called_computation.1_lowered:
.L_overlay_start_0:
0x88: {  	s2 =	sld [smem:$0x3FD9]  }
0x89: {  	s3 =	sld [smem:$0x3FFE];
	_ =	sdelay $0x1  }
0x8a: {  	s1 =	srdreg.scid  }
0x8b: {  	s0 =	sand.u32 $0x1, s1  }
0x8c: {  	s16 =	sshll.u32 s0, $0xA;
	s2 =	sadd.s32 s3, s2  }
0x8d: {  	s2 =	sadd.s32 s2, s16  }
0x8e: {  	[smem:$0x3FB8] =	sst s2  }
0x8f: {  	_ = 	snop  }
0x90: {  	(tm) =	ssettm $0x1  }
0x91: {  	s17 =	sld [smem:$0x3FFB];
	_ =	sdelay $0x3  }
0x92: {  	_ =	strace s17  }
0x93: {  	s2 =	sld [smem:$0x3FFC];
	_ =	sdelay $0x3  }
0x94: {  	_ =	strace s2  }
0x95: {  	s2 =	sld [smem:$0x3FFD];
	_ =	sdelay $0x3  }
0x96: {  	_ =	strace s2  }
0x97: {  	_ =	strace $0x8FFFFFFF  }
0x98: {  	s18 =	sld [smem:$0x3FDB];
	_ =	sdelay $0x1  }
0x99: {  	s19 =	simm.s32 $_scs_section_size  }
0x9a: {  	s4 =	simm.s32 $_size__tile_overlayer_lowered;
	s5 =	simm.s32 $_tile_overlayer_lowered  }
0x9b: {  	s22 =	simm.s32 $0x1BFF;
	s21 =	sshll.u32 s5, $0x1;
	s2 =	sadd.s32 s19, s18  }
0x9c: {  	s6 =	simm.s32 $0x0;
	s20 =	sshll.u32 s4, $0x1;
	s4 =	sadd.s32 s21, s2  }
0x9d: {  	[timem:s6], [sflag:s22] =	dma.local [hbm:s4], s20  }
0x9e: {  	_ =	swait.ge [sflag:s22], s20  }
0x9f: {  	s3 =	ssub.s32 $0x0, s20;
	[sflag:s22] =	ssyncset.done $0x0  }
0xa0: {  	[sflag:s22] =	ssyncadd.s32 s3;
	_ =	sdelay $0x1  }
0xa1: {  	s23 =	simm.s32 $0x1B8B  }
0xa2: {  	_ =	swait.ge [sflag:s23], $0x1  }
0xa3: {  	[sflag:s23] =	ssyncset.done $0x0  }
0xa4: {  	s25 =	simm.s32 $0x1B8E;
	s24 =	sld [smem:$0x3FFE];
	[sflag:s23] =	ssyncadd.s32 $0xFFFFFFFF  }
0xa5: {  	s26 =	simm.s32 $execute0_lowered;
	[smem:$0x3FD2] =	sst s25  }
0xa6: {  	s4 =	sshll.u32 s26, $0x1;
	_ =	strace $0x80000049;
	[dreg:$0x1] =	wrdreg $0xFFFFFFFF  }
0xa7: {  	s28 =	simm.s32 $_size_execute0_lowered;
	s2 =	sadd.s32 s2, s4;
	[dreg:$0x0] =	wrdreg $0x0  }
0xa8: {  	s4 =	sshll.u32 s28, $0x1;
	[dreg:$0x2] =	wrdreg s2  }
0xa9: {  	[dreg:$0x3] =	wrdreg s4  }
0xaa: {  	[dreg:$0x4] =	wrdreg $0xC0  }
0xab: {  	_ =	task [dreg:s6], $0x5FFFF  }
0xac: {  	[dreg:$0x1] =	wrdreg $0xFFFFFFFF  }
0xad: {  	[dreg:$0x0] =	wrdreg $0x60  }
0xae: {  	[dreg:$0x2] =	wrdreg s24  }
0xaf: {  	[dreg:$0x3] =	wrdreg $0x41000  }
0xb0: {  	[dreg:$0x4] =	wrdreg $0x9  }
0xb1: {  	_ =	task.clear_ibuf [dreg:s6], $0x5FFFF;
	_ =	strace $0x90000049  }
0xb2: {  	s29 =	simm.s32 $0x9;
	_ =	strace $0x8000004B  }
0xb3: {  	_ =	swait.ge [sflag:s29], $0x1  }
0xb4: {  	[sflag:s29] =	ssyncadd.s32 $0xFFFFFFFF  }
0xb5: {  	_ =	strace $0x9000004B  }
0xb6: {  	_ =	sfence  }
0xb7: {  	s30 =	sld [smem:$0x0];
	_ =	sdelay $0x2  }
0xb8: {  	s31 =	sshll.u32 s1, $0xD;
	s1 =	sshrl.u32 s1, $0x2  }
0xb9: {  	s3 =	sand.u32 $0x4000, s31;
	s1 =	sadd.s32 s1, s30  }
0xba: {  	s0 =	sor.u32 s3, s0;
	s1 =	sshll.u32 s1, $0x11  }
0xbb: {  	s0 =	sor.u32 s1, s0  }
0xbc: {  	s0 =	sadd.s32 $0x8F2B, s0  }
0xbd: {  	[sflag:s0] =	ssyncadd.remote.s32 $0x1  }
0xbe: {  	_ =	sfence.sel $0xFFFF  }
0xbf: {  	[dreg:$0x0] =	wrdreg $0xFFFFFFFF;
	(pc) =	sbr.abs _section_cstart, $3  }
0xc0: {  	[dreg:$0x1] =	wrdreg $0xFFFFFFFF  }
0xc1: {  	_ =	task.clear_ibuf [dreg:s6], $0x2FFFF;
	_ =	strace $0x9FFFFFFF  }
0xc2: {  	(tm) =	ssettm $0x7FFFFFFF  }
0xc3: {  	_ =	shalt  }
tec
execute0_lowered:
.L_overlay_start_1:
0x0: {  	(tag) =	ssettag $0x1  }
0x1: {  	s11 =	rddreg [dreg:$0x0]  }
0x2: {  	s2 =	rddreg [dreg:$0x1]  }
0x3: {  	s0 =	rddreg [dreg:$0x2];
	s3 =	simm.s32 $0x0;
	s1 =	stileid.u32  }
0x4: {  	s6 =	srdreg.scid;
	s20 =	simm.s32 $0x40C00;
	s5 =	smul.u32 $0x9E0, s1  }
0x5: {  	s22 =	simm.s32 $0x1;
	s23 =	simm.s32 $0x0;
	s8 =	smul.u32 $0x280, s1  }
0x6: {  	[smem:$0x7FF] =	sst s3;
	s4 =	sadd.s32 $0x18400, s11;
	s26 =	smul.u32 $0x50000, s1  }
0x7: {  	s12 =	sand.u32 $0x1, s6;
	s19 =	smul.u32 $0x2800, s1;
	_ =	strace $0x8000004A  }
0x8: {  	s7 =	ssub.s32 $0x2, s12;
	p0 =	seq.s32 s12, $0x0;
	s21 =	smul.u32 $0x4F0, s12  }
0x9: {  	s15 =	sadd.s32 s5, s11;
	s5 =	sadd.s32 $0x40400, s11;
	s13 =	sadd.s32 $0x80, s8  }
0xa: {  	s9 =	sshrl.u32 s7, $0x1;
	s6 =	sshrl.u32 s26, $0x2;
	s16 =	sadd.s32 $0x100, s8  }
0xb: {  	s17 =	sadd.s32 $0x180, s8;
	s18 =	sadd.s32 $0x200, s8;
	s20 =	simm.s32 @!p0 $0x68C00  }
0xc: {  	s10 =	sshll.u32 s13, $0x7;
	s14 =	ssub.s32 s7, s9;
	s6 =	sadd.s32 s6, s2  }
0xd: {  	s28 =	sshll.u32 s16, $0x7;
	s29 =	sshll.u32 s17, $0x7;
	s30 =	sshll.u32 s18, $0x7  }
0xe: {  	s13 =	sshll.u32 s13, $0x4;
	s16 =	sshll.u32 s16, $0x4;
	s17 =	sshll.u32 s17, $0x4  }
0xf: {  	s20 =	sadd.s32 s20, s11;
	s18 =	sshll.u32 s18, $0x4;
	s31 =	sadd.s32 s21, s15  }
0x10: {  	s21 =	simm.s32 $0x80;
	s7 =	sadd.s32 s10, s2;
	s8 =	sadd.s32 s28, s2  }
0x11: {  	s9 =	sadd.s32 s29, s2;
	s10 =	sadd.s32 s30, s2;
	s11 =	smax.u32 s14, $0x1  }
0x12: {  	s12 =	sadd.s32 s20, s19;
	s13 =	sadd.s32 s20, s13;
	s14 =	sadd.s32 s20, s16  }
0x13: {  	s15 =	sadd.s32 s20, s17;
	s16 =	sadd.s32 s20, s18;
	s17 =	sadd.s32 $0xE600, s31  }
0x14: {  	s18 =	sadd.s32 $0x4800, s31;
	s19 =	simm.s32 $0x100;
	s20 =	simm.s32 $0x2  }
.LBB2_1:
0x15: {  	[tilespmem:s19], [sflag:$0x2] =	stream.linear.gather [hbm4b:s5+s3], $0x4000, $0x38;
	[tilespmem:$0x18100] =	vst v63  }
0x16: {  	_ =	swait.ge [sflag:s20], $0x4000  }
0x17: {  	[sflag:s20] =	ssyncset.done $0x0  }
0x18: {  	[sflag:s20] =	ssyncadd.s32 $0xFFFFC000  }
0x19: {  	[spmem:s6] =	stream.linear.scatter [tilespmem:s19], [sflag:$0x2], $0x4000, $0x38;
	[tilespmem:$0x18100] =	vst v63  }
0x1a: {  	_ =	swait.ge [sflag:s20], $0x4000  }
0x1b: {  	[sflag:s20] =	ssyncset.done $0x0  }
0x1c: {  	[sflag:s20] =	ssyncadd.s32 $0xFFFFC000  }
0x1d: {  	[spmem:s7] =	stream.linear.scatter [tilespmem:s19], [sflag:$0x2], $0x4000, $0x38;
	[tilespmem:$0x18100] =	vst v63  }
0x1e: {  	_ =	swait.ge [sflag:s20], $0x4000  }
0x1f: {  	[sflag:s20] =	ssyncset.done $0x0  }
0x20: {  	[sflag:s20] =	ssyncadd.s32 $0xFFFFC000  }
0x21: {  	[spmem:s8] =	stream.linear.scatter [tilespmem:s19], [sflag:$0x2], $0x4000, $0x38;
	[tilespmem:$0x18100] =	vst v63  }
0x22: {  	_ =	swait.ge [sflag:s20], $0x4000  }
0x23: {  	[sflag:s20] =	ssyncset.done $0x0  }
0x24: {  	[sflag:s20] =	ssyncadd.s32 $0xFFFFC000  }
0x25: {  	[spmem:s9] =	stream.linear.scatter [tilespmem:s19], [sflag:$0x2], $0x4000, $0x38;
	[tilespmem:$0x18100] =	vst v63  }
0x26: {  	_ =	swait.ge [sflag:s20], $0x4000  }
0x27: {  	[sflag:s20] =	ssyncset.done $0x0  }
0x28: {  	[sflag:s20] =	ssyncadd.s32 $0xFFFFC000  }
0x29: {  	[spmem:s10] =	stream.linear.scatter [tilespmem:s19], [sflag:$0x2], $0x4000, $0x38;
	[tilespmem:$0x18100] =	vst v63  }
0x2a: {  	_ =	swait.ge [sflag:s20], $0x4000  }
0x2b: {  	[sflag:s20] =	ssyncset.done $0x0  }
0x2c: {  	[sflag:s20] =	ssyncadd.s32 $0xFFFFC000  }
0x2d: {  	s24 =	sadd.s32 $0x0, s18;
	[bflag:$0x0] =	sbarrier.arrive $0xFFFF  }
0x2e: {  	[tilespmem:s3], [sflag:$0x2] =	stream.linear.gather [hbm4b:s24+s3], $0x80, $0x38;
	[tilespmem:$0x18100] =	vst v63  }
0x2f: {  	_ =	swait.ge [sflag:s20], $0x80  }
0x30: {  	[sflag:s20] =	ssyncset.done $0x0  }
0x31: {  	s31 =	sadd.s32 $0x0, s17;
	[sflag:s20] =	ssyncadd.s32 $0xFFFFFF80  }
0x32: {  	[tilespmem:s21], [sflag:$0x2] =	stream.linear.gather [hbm4b:s31+s3], $0x80, $0x38;
	[tilespmem:$0x18100] =	vst v63  }
0x33: {  	_ =	swait.ge [sflag:s20], $0x80  }
0x34: {  	[sflag:s20] =	ssyncset.done $0x0  }
0x35: {  	[sflag:s20] =	ssyncadd.s32 $0xFFFFFF80  }
0x36: {  	[tilespmem:s19], [sflag:$0x1] =	stream.indirect.gather [hbm4b:s4+s21], $0x80, s3, s21, $0xb8;
	[tilespmem:$0x18100] =	vst v63  }
0x37: {  	_ =	swait.ge [sflag:s22], $0x4000  }
0x38: {  	[sflag:s22] =	ssyncset.done $0x0  }
0x39: {  	[sflag:s22] =	ssyncadd.s32 $0xFFFFC000  }
0x3a: {  	[spmem:s2] =	stream.indirect.scatter.add.f32 [tilespmem:s19], [sflag:$0x2], $0x80, s21, s21, $0xb8;
	[tilespmem:$0x18100] =	vst v63  }
0x3b: {  	_ =	swait.ge [sflag:s20], $0x4000  }
0x3c: {  	s25 =	simm.s32 $0x20;
	s24 =	simm.s32 $0x10;
	[sflag:s20] =	ssyncset.done $0x0  }
.LBB2_2:
0x3d: {  	s26 =	sadd.s32 s24, s18  }
0x3e: {  	[sflag:s20] =	ssyncadd.s32 $0xFFFFC000;
	s28 =	smov.u32 s25;
	s29 =	sadd.s32 $0x10, s25  }
0x3f: {  	[tilespmem:s3], [sflag:$0x2] =	stream.linear.gather [hbm4b:s26+s3], $0x80, $0x38;
	[tilespmem:$0x18100] =	vst v63  }
0x40: {  	p0 =	sne.s32 s25, $0x4E0;
	_ =	swait.ge [sflag:s20], $0x80  }
0x41: {  	[sflag:s20] =	ssyncset.done $0x0  }
0x42: {  	s25 =	sadd.s32 s24, s17;
	s24 =	smov.u32 s28;
	[sflag:s20] =	ssyncadd.s32 $0xFFFFFF80  }
0x43: {  	[tilespmem:s21], [sflag:$0x2] =	stream.linear.gather [hbm4b:s25+s3], $0x80, $0x38;
	[tilespmem:$0x18100] =	vst v63  }
0x44: {  	_ =	swait.ge [sflag:s20], $0x80  }
0x45: {  	[sflag:s20] =	ssyncset.done $0x0  }
0x46: {  	[sflag:s20] =	ssyncadd.s32 $0xFFFFFF80  }
0x47: {  	[tilespmem:s19], [sflag:$0x1] =	stream.indirect.gather [hbm4b:s4+s21], $0x80, s3, s21, $0xb8;
	[tilespmem:$0x18100] =	vst v63  }
0x48: {  	_ =	swait.ge [sflag:s22], $0x4000  }
.Ltmp0:
0x49: {  	[sflag:s22] =	ssyncset.done $0x0;
	(pc) =	sbr.rel @p0 .LBB2_2-.Ltmp0, $4  }
0x4a: {  	[sflag:s22] =	ssyncadd.s32 $0xFFFFC000  }
0x4b: {  	[spmem:s2] =	stream.indirect.scatter.add.f32 [tilespmem:s19], [sflag:$0x2], $0x80, s21, s21, $0xb8;
	[tilespmem:$0x18100] =	vst v63  }
0x4c: {  	_ =	swait.ge [sflag:s20], $0x4000  }
0x4d: {  	s25 =	smov.u32 s29;
	[sflag:s20] =	ssyncset.done $0x0  }
0x4e: {  	s25 =	sadd.s32 s24, s18;
	[sflag:s20] =	ssyncadd.s32 $0xFFFFC000  }
0x4f: {  	[tilespmem:s3], [sflag:$0x2] =	stream.linear.gather [hbm4b:s25+s3], $0x80, $0x38;
	[tilespmem:$0x18100] =	vst v63  }
0x50: {  	_ =	swait.ge [sflag:s20], $0x80  }
0x51: {  	[sflag:s20] =	ssyncset.done $0x0  }
0x52: {  	s31 =	sadd.s32 s24, s17;
	[sflag:s20] =	ssyncadd.s32 $0xFFFFFF80  }
0x53: {  	[tilespmem:s21], [sflag:$0x2] =	stream.linear.gather [hbm4b:s31+s3], $0x80, $0x38;
	[tilespmem:$0x18100] =	vst v63  }
0x54: {  	_ =	swait.ge [sflag:s20], $0x80  }
0x55: {  	[sflag:s20] =	ssyncset.done $0x0  }
0x56: {  	[sflag:s20] =	ssyncadd.s32 $0xFFFFFF80  }
0x57: {  	[tilespmem:s19], [sflag:$0x1] =	stream.indirect.gather [hbm4b:s4+s21], $0x80, s3, s21, $0xb8;
	[tilespmem:$0x18100] =	vst v63  }
0x58: {  	_ =	swait.ge [sflag:s22], $0x4000  }
0x59: {  	[sflag:s22] =	ssyncset.done $0x0  }
0x5a: {  	[sflag:s22] =	ssyncadd.s32 $0xFFFFC000  }
0x5b: {  	[spmem:s2] =	stream.indirect.scatter.add.f32 [tilespmem:s19], [sflag:$0x2], $0x80, s21, s21, $0xb8;
	[tilespmem:$0x18100] =	vst v63  }
0x5c: {  	_ =	swait.ge [sflag:s20], $0x4000  }
0x5d: {  	[sflag:s20] =	ssyncset.done $0x0  }
0x5e: {  	[sflag:s20] =	ssyncadd.s32 $0xFFFFC000  }
0x5f: {  	[bflag:$0x0] =	sbarrier.arrive $0xFFFF  }
0x60: {  	[tilespmem:s19], [sflag:$0x2] =	stream.linear.gather [spmem:s6], $0x4000, $0x38;
	[tilespmem:$0x18100] =	vst v63  }
0x61: {  	_ =	swait.ge [sflag:s20], $0x4000  }
0x62: {  	[sflag:s20] =	ssyncset.done $0x0  }
0x63: {  	[sflag:s20] =	ssyncadd.s32 $0xFFFFC000  }
0x64: {  	[hbm4b:s12+s3] =	stream.linear.scatter [tilespmem:s19], [sflag:$0x2], $0x4000, $0x38;
	[tilespmem:$0x18100] =	vst v63  }
0x65: {  	_ =	swait.ge [sflag:s20], $0x4000  }
0x66: {  	[sflag:s20] =	ssyncset.done $0x0  }
0x67: {  	[sflag:s20] =	ssyncadd.s32 $0xFFFFC000  }
0x68: {  	[tilespmem:s19], [sflag:$0x2] =	stream.linear.gather [spmem:s7], $0x4000, $0x38;
	[tilespmem:$0x18100] =	vst v63  }
0x69: {  	_ =	swait.ge [sflag:s20], $0x4000  }
0x6a: {  	[sflag:s20] =	ssyncset.done $0x0  }
0x6b: {  	[sflag:s20] =	ssyncadd.s32 $0xFFFFC000  }
0x6c: {  	[hbm4b:s13+s3] =	stream.linear.scatter [tilespmem:s19], [sflag:$0x2], $0x4000, $0x38;
	[tilespmem:$0x18100] =	vst v63  }
0x6d: {  	_ =	swait.ge [sflag:s20], $0x4000  }
0x6e: {  	[sflag:s20] =	ssyncset.done $0x0  }
0x6f: {  	[sflag:s20] =	ssyncadd.s32 $0xFFFFC000  }
0x70: {  	[tilespmem:s19], [sflag:$0x2] =	stream.linear.gather [spmem:s8], $0x4000, $0x38;
	[tilespmem:$0x18100] =	vst v63  }
0x71: {  	_ =	swait.ge [sflag:s20], $0x4000  }
0x72: {  	[sflag:s20] =	ssyncset.done $0x0  }
0x73: {  	[sflag:s20] =	ssyncadd.s32 $0xFFFFC000  }
0x74: {  	[hbm4b:s14+s3] =	stream.linear.scatter [tilespmem:s19], [sflag:$0x2], $0x4000, $0x38;
	[tilespmem:$0x18100] =	vst v63  }
0x75: {  	_ =	swait.ge [sflag:s20], $0x4000  }
0x76: {  	[sflag:s20] =	ssyncset.done $0x0  }
0x77: {  	[sflag:s20] =	ssyncadd.s32 $0xFFFFC000  }
0x78: {  	[tilespmem:s19], [sflag:$0x2] =	stream.linear.gather [spmem:s9], $0x4000, $0x38;
	[tilespmem:$0x18100] =	vst v63  }
0x79: {  	_ =	swait.ge [sflag:s20], $0x4000  }
0x7a: {  	[sflag:s20] =	ssyncset.done $0x0  }
0x7b: {  	[sflag:s20] =	ssyncadd.s32 $0xFFFFC000  }
0x7c: {  	[hbm4b:s15+s3] =	stream.linear.scatter [tilespmem:s19], [sflag:$0x2], $0x4000, $0x38;
	[tilespmem:$0x18100] =	vst v63  }
0x7d: {  	_ =	swait.ge [sflag:s20], $0x4000  }
0x7e: {  	[sflag:s20] =	ssyncset.done $0x0  }
0x7f: {  	[sflag:s20] =	ssyncadd.s32 $0xFFFFC000  }
0x80: {  	[tilespmem:s19], [sflag:$0x2] =	stream.linear.gather [spmem:s10], $0x4000, $0x38;
	[tilespmem:$0x18100] =	vst v63  }
0x81: {  	s23 =	sadd.s32 $0x1, s23;
	_ =	swait.ge [sflag:s20], $0x4000  }
0x82: {  	p0 =	sne.s32 s23, s11;
	[sflag:s20] =	ssyncset.done $0x0  }
.Ltmp1:
0x83: {  	[sflag:s20] =	ssyncadd.s32 $0xFFFFC000;
	(pc) =	sbr.rel @p0 .LBB2_1-.Ltmp1, $4  }
0x84: {  	[hbm4b:s16+s3] =	stream.linear.scatter [tilespmem:s19], [sflag:$0x2], $0x4000, $0x38;
	[tilespmem:$0x18100] =	vst v63  }
0x85: {  	_ =	swait.ge [sflag:s20], $0x4000  }
0x86: {  	[sflag:s20] =	ssyncset.done $0x0  }
0x87: {  	[sflag:s20] =	ssyncadd.s32 $0xFFFFC000  }
0x88: {  	_ =	sfence.sel $0x180000  }
0x89: {  	[bflag:$0x0] =	sbarrier.arrive $0xFFFF  }
0x8a: {  	p0 =	sne.s32 s1, $0x0;
	_ =	strace $0x9000004A  }
0x8b: {  	s0 =	sadd.s32 @!p0 $0x100000, s0;
	[bflag:$0x2] =	sbarrier.arrive $0xFFFF  }
0x8c: {  	[sflag:s0] =	ssyncadd.tile.s32 @!p0 $0x1;
	_ =	shalt  }
.Lfunc_end2:
_tile_overlayer_lowered:
.L_overlay_start_2:
0x8d: {  	(tag) =	ssettag $0x2  }
0x8e: {  	s0 =	rddreg [dreg:$0x0];
	s2 =	stileid.u32  }
0x8f: {  	s1 =	rddreg [dreg:$0x1];
	p0 =	sne.s32 s2, $0x0  }
0x90: {  	s3 =	rddreg [dreg:$0x2];
	[bflag:$0x3] =	sbarrier.arrive $0xFFFF;
	s2 =	simm.s32 @!p0 $0x1C02  }
0x91: {  	[timem:s3], [sflag:s2] =	dma.local @!p0 [hbm:s0], s1  }
0x92: {  	s0 =	simm.s32 @!p0 $0x2  }
0x93: {  	_ =	swait.ge @!p0 [sflag:s0], s1  }
0x94: {  	s1 =	ssub.s32 @!p0 $0x0, s1;
	[sflag:s0] =	ssyncset.done @!p0 $0x0  }
0x95: {  	[sflag:s0] =	ssyncadd.s32 @!p0 s1  }
0x96: {  	[bflag:$0x3] =	sbarrier.arrive $0xFFFF  }
0x97: {  	_ =	shalt  }

// kernel: kernel.15.cloned.1.call-start
scs
__scs_entry_jumppad:
0x0: {  	(pc) =	sbr.rel $0x88, $3  }
0x1: {  	(tag) =	ssettag $0x0;
	lr =	simm.s32 $0x1  }
0x2: {  	[smem:$0x3F91] =	sst lr;
	_ =	strace $0xD0000000  }
0x3: {  	_ = 	snop  }
0x4: {  	_ = 	snop  }
0x5: {  	_ = 	snop  }
0x6: {  	_ = 	snop  }
0x7: {  	_ = 	snop  }
__scs_overlays_trampoline_lowered:
0x8: {  	[smem:$0x3FA0] =	sst s0  }
0x9: {  	[smem:$0x3FA1] =	sst s1  }
0xa: {  	[smem:$0x3FA2] =	sst s2  }
0xb: {  	[smem:$0x3FA3] =	sst s3  }
0xc: {  	[smem:$0x3FA4] =	sst s4  }
0xd: {  	[smem:$0x3FA5] =	sst s5  }
0xe: {  	[smem:$0x3FA6] =	sst s6  }
0xf: {  	[smem:$0x3FA7] =	sst s7  }
0x10: {  	[smem:$0x3FA8] =	sst s8  }
0x11: {  	[smem:$0x3FA9] =	sst s9;
	s0 =	simm.s32 @!p0 $0x0  }
0x12: {  	s1 =	sld [smem:$0x3F8F];
	s0 =	simm.s32 @p0 $0x1  }
0x13: {  	[smem:$0x3FAA] =	sst s0;
	s0 =	simm.s32 @!p1 $0x0  }
0x14: {  	s2 =	sld [smem:$0x3F8E];
	s0 =	simm.s32 @p1 $0x1  }
0x15: {  	[smem:$0x3FAB] =	sst s0;
	s0 =	simm.s32 @!p2 $0x0  }
0x16: {  	s3 =	sld [smem:$0x3FDB];
	s0 =	simm.s32 @p2 $0x1  }
0x17: {  	s4 =	simm.s32 $0x1BF5;
	[smem:$0x3FAD] =	sst s0  }
0x18: {  	s0 =	sld [smem:$0x3F90];
	_ =	swait.ge [sflag:s4], $0x0  }
0x19: {  	s7 =	sld [smem:$0x3F91]  }
0x1a: {  	s8 =	sadd.s32 $0xFFFFE003, lr  }
0x1b: {  	s9 =	sadd.s32 $0xFFFFFEF7, lr;
	s5 =	simm.s32 $0xFFFFFFFF;
	p2 =	slt.u32 s8, $0xFFFFF086  }
0x1c: {  	p1 =	slt.u32 s9, $0xF7A;
	s5 =	simm.s32 @!p2 $0x0  }
0x1d: {  	s5 =	simm.s32 @p1 $0x1;
	p0 =	seq.s32 s7, s2  }
0x1e: {  	s7 =	smul.u32 @!p0 $0xF7A, s2;
	p2 =	seq.s32 @!p0 s5, $0x0  }
0x1f: {  	s9 =	smul.u32 $0xF7A, s1;
	s8 =	simm.s32 @!p0 $0x1BF5;
	p2 =	por !p2, p0  }
0x20: {  	[sflag:s8] =	ssyncset.s32 @!p0 $0xFFFFF086;
	s6 =	sadd.s32 @!p0 s3, s7;
	s7 =	simm.s32 @!p0 $0x108  }
0x21: {  	s3 =	sadd.s32 s3, s9;
	s6 =	sadd.s32 @!p0 $0x88, s6;
	s7 =	simm.s32 @p2 $0x1082  }
0x22: {  	[simem:s7], [sflag:s8] =	dma.local @!p0 [hbm:s6], $0xF7A  }
0x23: {  	s9 =	sor.u32 $0xD0000000, s2;
	s6 =	simm.s32 $0x108;
	_ =	swait.ge @!p0 [sflag:s8], $0x0  }
0x24: {  	s3 =	sadd.s32 $0x88, s3;
	s6 =	simm.s32 @!p1 $0x1082;
	[sflag:s4] =	ssyncset.s32 $0xFFFFF086  }
0x25: {  	[simem:s6], [sflag:s4] =	dma.local [hbm:s3], $0xF7A  }
0x26: {  	[smem:$0x3F91] =	sst s1;
	(tag) =	ssettag s2;
	_ =	strace s9  }
0x27: {  	s1 =	sld [smem:$0x3FA1]  }
0x28: {  	s2 =	sld [smem:$0x3FA2]  }
0x29: {  	s4 =	sld [smem:$0x3FA4]  }
0x2a: {  	p0 =	seq.s32 s5, $0x0;
	s5 =	sld [smem:$0x3FA5]  }
0x2b: {  	s6 =	sld [smem:$0x3FA6]  }
0x2c: {  	s7 =	sld [smem:$0x3FA7]  }
0x2d: {  	s3 =	simm.s32 $0x108;
	s8 =	sld [smem:$0x3FA8]  }
0x2e: {  	s3 =	simm.s32 @!p0 $0x1082;
	s9 =	sld [smem:$0x3FA9]  }
0x2f: {  	lr =	sadd.s32 s0, s3;
	s0 =	sld [smem:$0x3FA0]  }
0x30: {  	s3 =	sld [smem:$0x3FA3]  }
0x31: {  	[smem:$0x3FAC] =	sst s10  }
0x32: {  	s10 =	sld [smem:$0x3FAA];
	_ =	sdelay $0x3  }
0x33: {  	p0 =	seq.s32 s10, $0x1;
	s10 =	sld [smem:$0x3FAC];
	_ =	sdelay $0x3  }
0x34: {  	[smem:$0x3FAC] =	sst s10  }
0x35: {  	s10 =	sld [smem:$0x3FAB];
	_ =	sdelay $0x3  }
0x36: {  	p1 =	seq.s32 s10, $0x1;
	s10 =	sld [smem:$0x3FAC];
	_ =	sdelay $0x3  }
0x37: {  	[smem:$0x3FAC] =	sst s10  }
0x38: {  	s10 =	sld [smem:$0x3FAD]  }
0x39: {  	_ = 	snop;
	(pc) =	sbr.ind lr, $3  }
0x3a: {  	_ = 	snop  }
0x3b: {  	_ = 	snop  }
0x3c: {  	p2 =	seq.s32 s10, $0x1;
	s10 =	sld [smem:$0x3FAC]  }
0x3d: {  	_ =	shalt  }
0x3e: {  	_ =	shalt  }
0x3f: {  	_ =	shalt  }
0x40: {  	_ =	shalt  }
0x41: {  	_ =	shalt  }
0x42: {  	_ =	shalt  }
0x43: {  	_ =	shalt  }
0x44: {  	_ =	shalt  }
0x45: {  	_ =	shalt  }
0x46: {  	_ =	shalt  }
0x47: {  	_ =	shalt  }
0x48: {  	_ =	shalt  }
0x49: {  	_ =	shalt  }
0x4a: {  	_ =	shalt  }
0x4b: {  	_ =	shalt  }
0x4c: {  	_ =	shalt  }
0x4d: {  	_ =	shalt  }
0x4e: {  	_ =	shalt  }
0x4f: {  	_ =	shalt  }
0x50: {  	_ =	shalt  }
0x51: {  	_ =	shalt  }
0x52: {  	_ =	shalt  }
0x53: {  	_ =	shalt  }
0x54: {  	_ =	shalt  }
0x55: {  	_ =	shalt  }
0x56: {  	_ =	shalt  }
0x57: {  	_ =	shalt  }
0x58: {  	_ =	shalt  }
0x59: {  	_ =	shalt  }
0x5a: {  	_ =	shalt  }
0x5b: {  	_ =	shalt  }
0x5c: {  	_ =	shalt  }
0x5d: {  	_ =	shalt  }
0x5e: {  	_ =	shalt  }
0x5f: {  	_ =	shalt  }
0x60: {  	_ =	shalt  }
0x61: {  	_ =	shalt  }
0x62: {  	_ =	shalt  }
0x63: {  	_ =	shalt  }
0x64: {  	_ =	shalt  }
0x65: {  	_ =	shalt  }
0x66: {  	_ =	shalt  }
0x67: {  	_ =	shalt  }
0x68: {  	_ =	shalt  }
0x69: {  	_ =	shalt  }
0x6a: {  	_ =	shalt  }
0x6b: {  	_ =	shalt  }
0x6c: {  	_ =	shalt  }
0x6d: {  	_ =	shalt  }
0x6e: {  	_ =	shalt  }
0x6f: {  	_ =	shalt  }
0x70: {  	_ =	shalt  }
0x71: {  	_ =	shalt  }
0x72: {  	_ =	shalt  }
0x73: {  	_ =	shalt  }
0x74: {  	_ =	shalt  }
0x75: {  	_ =	shalt  }
0x76: {  	_ =	shalt  }
0x77: {  	_ =	shalt  }
0x78: {  	_ =	shalt  }
0x79: {  	_ =	shalt  }
0x7a: {  	_ =	shalt  }
0x7b: {  	_ =	shalt  }
0x7c: {  	_ =	shalt  }
0x7d: {  	_ =	shalt  }
0x7e: {  	_ =	shalt  }
0x7f: {  	_ =	shalt  }
0x80: {  	_ =	shalt  }
0x81: {  	_ =	shalt  }
0x82: {  	_ =	shalt  }
0x83: {  	_ =	shalt  }
0x84: {  	_ =	shalt  }
0x85: {  	_ =	shalt  }
0x86: {  	_ =	shalt  }
0x87: {  	_ =	shalt  }
.Lfunc_end0:
.L_simem_size_0:
called_computation.2_lowered:
.L_overlay_start_0:
0x88: {  	s2 =	sld [smem:$0x3FD9]  }
0x89: {  	s3 =	sld [smem:$0x3FFE];
	_ =	sdelay $0x1  }
0x8a: {  	s1 =	srdreg.scid  }
0x8b: {  	s0 =	sand.u32 $0x1, s1  }
0x8c: {  	s16 =	sshll.u32 s0, $0xA;
	s2 =	sadd.s32 s3, s2  }
0x8d: {  	s2 =	sadd.s32 s2, s16  }
0x8e: {  	[smem:$0x3FB8] =	sst s2  }
0x8f: {  	_ = 	snop  }
0x90: {  	(tm) =	ssettm $0x1  }
0x91: {  	s17 =	sld [smem:$0x3FFB];
	_ =	sdelay $0x3  }
0x92: {  	_ =	strace s17  }
0x93: {  	s2 =	sld [smem:$0x3FFC];
	_ =	sdelay $0x3  }
0x94: {  	_ =	strace s2  }
0x95: {  	s2 =	sld [smem:$0x3FFD];
	_ =	sdelay $0x3  }
0x96: {  	_ =	strace s2  }
0x97: {  	_ =	strace $0x8FFFFFFF  }
0x98: {  	s18 =	sld [smem:$0x3FDB];
	_ =	sdelay $0x1  }
0x99: {  	s19 =	simm.s32 $_scs_section_size  }
0x9a: {  	s4 =	simm.s32 $_size__tile_overlayer_lowered;
	s5 =	simm.s32 $_tile_overlayer_lowered  }
0x9b: {  	s22 =	simm.s32 $0x1BFF;
	s21 =	sshll.u32 s5, $0x1;
	s2 =	sadd.s32 s19, s18  }
0x9c: {  	s6 =	simm.s32 $0x0;
	s20 =	sshll.u32 s4, $0x1;
	s4 =	sadd.s32 s21, s2  }
0x9d: {  	[timem:s6], [sflag:s22] =	dma.local [hbm:s4], s20  }
0x9e: {  	_ =	swait.ge [sflag:s22], s20  }
0x9f: {  	s3 =	ssub.s32 $0x0, s20;
	[sflag:s22] =	ssyncset.done $0x0  }
0xa0: {  	[sflag:s22] =	ssyncadd.s32 s3;
	_ =	sdelay $0x1  }
0xa1: {  	s23 =	simm.s32 $0x1B8B  }
0xa2: {  	_ =	swait.ge [sflag:s23], $0x1  }
0xa3: {  	[sflag:s23] =	ssyncset.done $0x0  }
0xa4: {  	s25 =	simm.s32 $0x1B8E;
	s24 =	sld [smem:$0x3FFE];
	[sflag:s23] =	ssyncadd.s32 $0xFFFFFFFF  }
0xa5: {  	s26 =	simm.s32 $execute0_lowered;
	[smem:$0x3FD2] =	sst s25  }
0xa6: {  	s4 =	sshll.u32 s26, $0x1;
	_ =	strace $0x8000004C;
	[dreg:$0x1] =	wrdreg $0xFFFFFFFF  }
0xa7: {  	s28 =	simm.s32 $_size_execute0_lowered;
	s2 =	sadd.s32 s2, s4;
	[dreg:$0x0] =	wrdreg $0x0  }
0xa8: {  	s4 =	sshll.u32 s28, $0x1;
	[dreg:$0x2] =	wrdreg s2  }
0xa9: {  	[dreg:$0x3] =	wrdreg s4  }
0xaa: {  	[dreg:$0x4] =	wrdreg $0xC0  }
0xab: {  	_ =	task [dreg:s6], $0x5FFFF  }
0xac: {  	[dreg:$0x1] =	wrdreg $0xFFFFFFFF  }
0xad: {  	[dreg:$0x0] =	wrdreg $0x60  }
0xae: {  	[dreg:$0x2] =	wrdreg s24  }
0xaf: {  	[dreg:$0x3] =	wrdreg $0x41000  }
0xb0: {  	[dreg:$0x4] =	wrdreg $0x9  }
0xb1: {  	_ =	task.clear_ibuf [dreg:s6], $0x5FFFF;
	_ =	strace $0x9000004C  }
0xb2: {  	s29 =	simm.s32 $0x9;
	_ =	strace $0x8000004E  }
0xb3: {  	_ =	swait.ge [sflag:s29], $0x1  }
0xb4: {  	[sflag:s29] =	ssyncadd.s32 $0xFFFFFFFF  }
0xb5: {  	_ =	strace $0x9000004E  }
0xb6: {  	_ =	sfence  }
0xb7: {  	s30 =	sld [smem:$0x0];
	_ =	sdelay $0x2  }
0xb8: {  	s31 =	sshll.u32 s1, $0xD;
	s1 =	sshrl.u32 s1, $0x2  }
0xb9: {  	s3 =	sand.u32 $0x4000, s31;
	s1 =	sadd.s32 s1, s30  }
0xba: {  	s0 =	sor.u32 s3, s0;
	s1 =	sshll.u32 s1, $0x11  }
0xbb: {  	s0 =	sor.u32 s1, s0  }
0xbc: {  	s0 =	sadd.s32 $0x8F2B, s0  }
0xbd: {  	[sflag:s0] =	ssyncadd.remote.s32 $0x1  }
0xbe: {  	_ =	sfence.sel $0xFFFF  }
0xbf: {  	[dreg:$0x0] =	wrdreg $0xFFFFFFFF;
	(pc) =	sbr.abs _section_cstart, $3  }
0xc0: {  	[dreg:$0x1] =	wrdreg $0xFFFFFFFF  }
0xc1: {  	_ =	task.clear_ibuf [dreg:s6], $0x2FFFF;
	_ =	strace $0x9FFFFFFF  }
0xc2: {  	(tm) =	ssettm $0x7FFFFFFF  }
0xc3: {  	_ =	shalt  }
tec
execute0_lowered:
.L_overlay_start_1:
0x0: {  	(tag) =	ssettag $0x1  }
0x1: {  	s11 =	rddreg [dreg:$0x0]  }
0x2: {  	s2 =	rddreg [dreg:$0x1]  }
0x3: {  	s0 =	rddreg [dreg:$0x2];
	s3 =	simm.s32 $0x0;
	s1 =	stileid.u32  }
0x4: {  	s6 =	srdreg.scid;
	s20 =	simm.s32 $0x40C00;
	s5 =	smul.u32 $0x9E0, s1  }
0x5: {  	s22 =	simm.s32 $0x1;
	s23 =	simm.s32 $0x0;
	s8 =	smul.u32 $0x280, s1  }
0x6: {  	[smem:$0x7FF] =	sst s3;
	s4 =	sadd.s32 $0x18400, s11;
	s26 =	smul.u32 $0x50000, s1  }
0x7: {  	s12 =	sand.u32 $0x1, s6;
	s19 =	smul.u32 $0x2800, s1;
	_ =	strace $0x8000004D  }
0x8: {  	s7 =	ssub.s32 $0x2, s12;
	p0 =	seq.s32 s12, $0x0;
	s21 =	smul.u32 $0x4F0, s12  }
0x9: {  	s15 =	sadd.s32 s5, s11;
	s5 =	sadd.s32 $0x40400, s11;
	s13 =	sadd.s32 $0x80, s8  }
0xa: {  	s9 =	sshrl.u32 s7, $0x1;
	s6 =	sshrl.u32 s26, $0x2;
	s16 =	sadd.s32 $0x100, s8  }
0xb: {  	s17 =	sadd.s32 $0x180, s8;
	s18 =	sadd.s32 $0x200, s8;
	s20 =	simm.s32 @!p0 $0x68C00  }
0xc: {  	s10 =	sshll.u32 s13, $0x7;
	s14 =	ssub.s32 s7, s9;
	s6 =	sadd.s32 s6, s2  }
0xd: {  	s28 =	sshll.u32 s16, $0x7;
	s29 =	sshll.u32 s17, $0x7;
	s30 =	sshll.u32 s18, $0x7  }
0xe: {  	s13 =	sshll.u32 s13, $0x4;
	s16 =	sshll.u32 s16, $0x4;
	s17 =	sshll.u32 s17, $0x4  }
0xf: {  	s20 =	sadd.s32 s20, s11;
	s18 =	sshll.u32 s18, $0x4;
	s31 =	sadd.s32 s21, s15  }
0x10: {  	s21 =	simm.s32 $0x80;
	s7 =	sadd.s32 s10, s2;
	s8 =	sadd.s32 s28, s2  }
0x11: {  	s9 =	sadd.s32 s29, s2;
	s10 =	sadd.s32 s30, s2;
	s11 =	smax.u32 s14, $0x1  }
0x12: {  	s12 =	sadd.s32 s20, s19;
	s13 =	sadd.s32 s20, s13;
	s14 =	sadd.s32 s20, s16  }
0x13: {  	s15 =	sadd.s32 s20, s17;
	s16 =	sadd.s32 s20, s18;
	s17 =	sadd.s32 $0xE600, s31  }
0x14: {  	s18 =	sadd.s32 $0x4800, s31;
	s19 =	simm.s32 $0x100;
	s20 =	simm.s32 $0x2  }
.LBB2_1:
0x15: {  	[tilespmem:s19], [sflag:$0x2] =	stream.linear.gather [hbm4b:s5+s3], $0x4000, $0x38;
	[tilespmem:$0x18100] =	vst v63  }
0x16: {  	_ =	swait.ge [sflag:s20], $0x4000  }
0x17: {  	[sflag:s20] =	ssyncset.done $0x0  }
0x18: {  	[sflag:s20] =	ssyncadd.s32 $0xFFFFC000  }
0x19: {  	[spmem:s6] =	stream.linear.scatter [tilespmem:s19], [sflag:$0x2], $0x4000, $0x38;
	[tilespmem:$0x18100] =	vst v63  }
0x1a: {  	_ =	swait.ge [sflag:s20], $0x4000  }
0x1b: {  	[sflag:s20] =	ssyncset.done $0x0  }
0x1c: {  	[sflag:s20] =	ssyncadd.s32 $0xFFFFC000  }
0x1d: {  	[spmem:s7] =	stream.linear.scatter [tilespmem:s19], [sflag:$0x2], $0x4000, $0x38;
	[tilespmem:$0x18100] =	vst v63  }
0x1e: {  	_ =	swait.ge [sflag:s20], $0x4000  }
0x1f: {  	[sflag:s20] =	ssyncset.done $0x0  }
0x20: {  	[sflag:s20] =	ssyncadd.s32 $0xFFFFC000  }
0x21: {  	[spmem:s8] =	stream.linear.scatter [tilespmem:s19], [sflag:$0x2], $0x4000, $0x38;
	[tilespmem:$0x18100] =	vst v63  }
0x22: {  	_ =	swait.ge [sflag:s20], $0x4000  }
0x23: {  	[sflag:s20] =	ssyncset.done $0x0  }
0x24: {  	[sflag:s20] =	ssyncadd.s32 $0xFFFFC000  }
0x25: {  	[spmem:s9] =	stream.linear.scatter [tilespmem:s19], [sflag:$0x2], $0x4000, $0x38;
	[tilespmem:$0x18100] =	vst v63  }
0x26: {  	_ =	swait.ge [sflag:s20], $0x4000  }
0x27: {  	[sflag:s20] =	ssyncset.done $0x0  }
0x28: {  	[sflag:s20] =	ssyncadd.s32 $0xFFFFC000  }
0x29: {  	[spmem:s10] =	stream.linear.scatter [tilespmem:s19], [sflag:$0x2], $0x4000, $0x38;
	[tilespmem:$0x18100] =	vst v63  }
0x2a: {  	_ =	swait.ge [sflag:s20], $0x4000  }
0x2b: {  	[sflag:s20] =	ssyncset.done $0x0  }
0x2c: {  	[sflag:s20] =	ssyncadd.s32 $0xFFFFC000  }
0x2d: {  	s24 =	sadd.s32 $0x0, s18;
	[bflag:$0x0] =	sbarrier.arrive $0xFFFF  }
0x2e: {  	[tilespmem:s3], [sflag:$0x2] =	stream.linear.gather [hbm4b:s24+s3], $0x80, $0x38;
	[tilespmem:$0x18100] =	vst v63  }
0x2f: {  	_ =	swait.ge [sflag:s20], $0x80  }
0x30: {  	[sflag:s20] =	ssyncset.done $0x0  }
0x31: {  	s31 =	sadd.s32 $0x0, s17;
	[sflag:s20] =	ssyncadd.s32 $0xFFFFFF80  }
0x32: {  	[tilespmem:s21], [sflag:$0x2] =	stream.linear.gather [hbm4b:s31+s3], $0x80, $0x38;
	[tilespmem:$0x18100] =	vst v63  }
0x33: {  	_ =	swait.ge [sflag:s20], $0x80  }
0x34: {  	[sflag:s20] =	ssyncset.done $0x0  }
0x35: {  	[sflag:s20] =	ssyncadd.s32 $0xFFFFFF80  }
0x36: {  	[tilespmem:s19], [sflag:$0x1] =	stream.indirect.gather [hbm4b:s4+s21], $0x80, s3, s21, $0xb8;
	[tilespmem:$0x18100] =	vst v63  }
0x37: {  	_ =	swait.ge [sflag:s22], $0x4000  }
0x38: {  	[sflag:s22] =	ssyncset.done $0x0  }
0x39: {  	[sflag:s22] =	ssyncadd.s32 $0xFFFFC000  }
0x3a: {  	[spmem:s2] =	stream.indirect.scatter.add.f32 [tilespmem:s19], [sflag:$0x2], $0x80, s21, s21, $0xb8;
	[tilespmem:$0x18100] =	vst v63  }
0x3b: {  	_ =	swait.ge [sflag:s20], $0x4000  }
0x3c: {  	s25 =	simm.s32 $0x20;
	s24 =	simm.s32 $0x10;
	[sflag:s20] =	ssyncset.done $0x0  }
.LBB2_2:
0x3d: {  	s26 =	sadd.s32 s24, s18  }
0x3e: {  	[sflag:s20] =	ssyncadd.s32 $0xFFFFC000;
	s28 =	smov.u32 s25;
	s29 =	sadd.s32 $0x10, s25  }
0x3f: {  	[tilespmem:s3], [sflag:$0x2] =	stream.linear.gather [hbm4b:s26+s3], $0x80, $0x38;
	[tilespmem:$0x18100] =	vst v63  }
0x40: {  	p0 =	sne.s32 s25, $0x4E0;
	_ =	swait.ge [sflag:s20], $0x80  }
0x41: {  	[sflag:s20] =	ssyncset.done $0x0  }
0x42: {  	s25 =	sadd.s32 s24, s17;
	s24 =	smov.u32 s28;
	[sflag:s20] =	ssyncadd.s32 $0xFFFFFF80  }
0x43: {  	[tilespmem:s21], [sflag:$0x2] =	stream.linear.gather [hbm4b:s25+s3], $0x80, $0x38;
	[tilespmem:$0x18100] =	vst v63  }
0x44: {  	_ =	swait.ge [sflag:s20], $0x80  }
0x45: {  	[sflag:s20] =	ssyncset.done $0x0  }
0x46: {  	[sflag:s20] =	ssyncadd.s32 $0xFFFFFF80  }
0x47: {  	[tilespmem:s19], [sflag:$0x1] =	stream.indirect.gather [hbm4b:s4+s21], $0x80, s3, s21, $0xb8;
	[tilespmem:$0x18100] =	vst v63  }
0x48: {  	_ =	swait.ge [sflag:s22], $0x4000  }
.Ltmp0:
0x49: {  	[sflag:s22] =	ssyncset.done $0x0;
	(pc) =	sbr.rel @p0 .LBB2_2-.Ltmp0, $4  }
0x4a: {  	[sflag:s22] =	ssyncadd.s32 $0xFFFFC000  }
0x4b: {  	[spmem:s2] =	stream.indirect.scatter.add.f32 [tilespmem:s19], [sflag:$0x2], $0x80, s21, s21, $0xb8;
	[tilespmem:$0x18100] =	vst v63  }
0x4c: {  	_ =	swait.ge [sflag:s20], $0x4000  }
0x4d: {  	s25 =	smov.u32 s29;
	[sflag:s20] =	ssyncset.done $0x0  }
0x4e: {  	s25 =	sadd.s32 s24, s18;
	[sflag:s20] =	ssyncadd.s32 $0xFFFFC000  }
0x4f: {  	[tilespmem:s3], [sflag:$0x2] =	stream.linear.gather [hbm4b:s25+s3], $0x80, $0x38;
	[tilespmem:$0x18100] =	vst v63  }
0x50: {  	_ =	swait.ge [sflag:s20], $0x80  }
0x51: {  	[sflag:s20] =	ssyncset.done $0x0  }
0x52: {  	s31 =	sadd.s32 s24, s17;
	[sflag:s20] =	ssyncadd.s32 $0xFFFFFF80  }
0x53: {  	[tilespmem:s21], [sflag:$0x2] =	stream.linear.gather [hbm4b:s31+s3], $0x80, $0x38;
	[tilespmem:$0x18100] =	vst v63  }
0x54: {  	_ =	swait.ge [sflag:s20], $0x80  }
0x55: {  	[sflag:s20] =	ssyncset.done $0x0  }
0x56: {  	[sflag:s20] =	ssyncadd.s32 $0xFFFFFF80  }
0x57: {  	[tilespmem:s19], [sflag:$0x1] =	stream.indirect.gather [hbm4b:s4+s21], $0x80, s3, s21, $0xb8;
	[tilespmem:$0x18100] =	vst v63  }
0x58: {  	_ =	swait.ge [sflag:s22], $0x4000  }
0x59: {  	[sflag:s22] =	ssyncset.done $0x0  }
0x5a: {  	[sflag:s22] =	ssyncadd.s32 $0xFFFFC000  }
0x5b: {  	[spmem:s2] =	stream.indirect.scatter.add.f32 [tilespmem:s19], [sflag:$0x2], $0x80, s21, s21, $0xb8;
	[tilespmem:$0x18100] =	vst v63  }
0x5c: {  	_ =	swait.ge [sflag:s20], $0x4000  }
0x5d: {  	[sflag:s20] =	ssyncset.done $0x0  }
0x5e: {  	[sflag:s20] =	ssyncadd.s32 $0xFFFFC000  }
0x5f: {  	[bflag:$0x0] =	sbarrier.arrive $0xFFFF  }
0x60: {  	[tilespmem:s19], [sflag:$0x2] =	stream.linear.gather [spmem:s6], $0x4000, $0x38;
	[tilespmem:$0x18100] =	vst v63  }
0x61: {  	_ =	swait.ge [sflag:s20], $0x4000  }
0x62: {  	[sflag:s20] =	ssyncset.done $0x0  }
0x63: {  	[sflag:s20] =	ssyncadd.s32 $0xFFFFC000  }
0x64: {  	[hbm4b:s12+s3] =	stream.linear.scatter [tilespmem:s19], [sflag:$0x2], $0x4000, $0x38;
	[tilespmem:$0x18100] =	vst v63  }
0x65: {  	_ =	swait.ge [sflag:s20], $0x4000  }
0x66: {  	[sflag:s20] =	ssyncset.done $0x0  }
0x67: {  	[sflag:s20] =	ssyncadd.s32 $0xFFFFC000  }
0x68: {  	[tilespmem:s19], [sflag:$0x2] =	stream.linear.gather [spmem:s7], $0x4000, $0x38;
	[tilespmem:$0x18100] =	vst v63  }
0x69: {  	_ =	swait.ge [sflag:s20], $0x4000  }
0x6a: {  	[sflag:s20] =	ssyncset.done $0x0  }
0x6b: {  	[sflag:s20] =	ssyncadd.s32 $0xFFFFC000  }
0x6c: {  	[hbm4b:s13+s3] =	stream.linear.scatter [tilespmem:s19], [sflag:$0x2], $0x4000, $0x38;
	[tilespmem:$0x18100] =	vst v63  }
0x6d: {  	_ =	swait.ge [sflag:s20], $0x4000  }
0x6e: {  	[sflag:s20] =	ssyncset.done $0x0  }
0x6f: {  	[sflag:s20] =	ssyncadd.s32 $0xFFFFC000  }
0x70: {  	[tilespmem:s19], [sflag:$0x2] =	stream.linear.gather [spmem:s8], $0x4000, $0x38;
	[tilespmem:$0x18100] =	vst v63  }
0x71: {  	_ =	swait.ge [sflag:s20], $0x4000  }
0x72: {  	[sflag:s20] =	ssyncset.done $0x0  }
0x73: {  	[sflag:s20] =	ssyncadd.s32 $0xFFFFC000  }
0x74: {  	[hbm4b:s14+s3] =	stream.linear.scatter [tilespmem:s19], [sflag:$0x2], $0x4000, $0x38;
	[tilespmem:$0x18100] =	vst v63  }
0x75: {  	_ =	swait.ge [sflag:s20], $0x4000  }
0x76: {  	[sflag:s20] =	ssyncset.done $0x0  }
0x77: {  	[sflag:s20] =	ssyncadd.s32 $0xFFFFC000  }
0x78: {  	[tilespmem:s19], [sflag:$0x2] =	stream.linear.gather [spmem:s9], $0x4000, $0x38;
	[tilespmem:$0x18100] =	vst v63  }
0x79: {  	_ =	swait.ge [sflag:s20], $0x4000  }
0x7a: {  	[sflag:s20] =	ssyncset.done $0x0  }
0x7b: {  	[sflag:s20] =	ssyncadd.s32 $0xFFFFC000  }
0x7c: {  	[hbm4b:s15+s3] =	stream.linear.scatter [tilespmem:s19], [sflag:$0x2], $0x4000, $0x38;
	[tilespmem:$0x18100] =	vst v63  }
0x7d: {  	_ =	swait.ge [sflag:s20], $0x4000  }
0x7e: {  	[sflag:s20] =	ssyncset.done $0x0  }
0x7f: {  	[sflag:s20] =	ssyncadd.s32 $0xFFFFC000  }
0x80: {  	[tilespmem:s19], [sflag:$0x2] =	stream.linear.gather [spmem:s10], $0x4000, $0x38;
	[tilespmem:$0x18100] =	vst v63  }
0x81: {  	s23 =	sadd.s32 $0x1, s23;
	_ =	swait.ge [sflag:s20], $0x4000  }
0x82: {  	p0 =	sne.s32 s23, s11;
	[sflag:s20] =	ssyncset.done $0x0  }
.Ltmp1:
0x83: {  	[sflag:s20] =	ssyncadd.s32 $0xFFFFC000;
	(pc) =	sbr.rel @p0 .LBB2_1-.Ltmp1, $4  }
0x84: {  	[hbm4b:s16+s3] =	stream.linear.scatter [tilespmem:s19], [sflag:$0x2], $0x4000, $0x38;
	[tilespmem:$0x18100] =	vst v63  }
0x85: {  	_ =	swait.ge [sflag:s20], $0x4000  }
0x86: {  	[sflag:s20] =	ssyncset.done $0x0  }
0x87: {  	[sflag:s20] =	ssyncadd.s32 $0xFFFFC000  }
0x88: {  	_ =	sfence.sel $0x180000  }
0x89: {  	[bflag:$0x0] =	sbarrier.arrive $0xFFFF  }
0x8a: {  	p0 =	sne.s32 s1, $0x0;
	_ =	strace $0x9000004D  }
0x8b: {  	s0 =	sadd.s32 @!p0 $0x100000, s0;
	[bflag:$0x2] =	sbarrier.arrive $0xFFFF  }
0x8c: {  	[sflag:s0] =	ssyncadd.tile.s32 @!p0 $0x1;
	_ =	shalt  }
.Lfunc_end2:
_tile_overlayer_lowered:
.L_overlay_start_2:
0x8d: {  	(tag) =	ssettag $0x2  }
0x8e: {  	s0 =	rddreg [dreg:$0x0];
	s2 =	stileid.u32  }
0x8f: {  	s1 =	rddreg [dreg:$0x1];
	p0 =	sne.s32 s2, $0x0  }
0x90: {  	s3 =	rddreg [dreg:$0x2];
	[bflag:$0x3] =	sbarrier.arrive $0xFFFF;
	s2 =	simm.s32 @!p0 $0x1C02  }
0x91: {  	[timem:s3], [sflag:s2] =	dma.local @!p0 [hbm:s0], s1  }
0x92: {  	s0 =	simm.s32 @!p0 $0x2  }
0x93: {  	_ =	swait.ge @!p0 [sflag:s0], s1  }
0x94: {  	s1 =	ssub.s32 @!p0 $0x0, s1;
	[sflag:s0] =	ssyncset.done @!p0 $0x0  }
0x95: {  	[sflag:s0] =	ssyncadd.s32 @!p0 s1  }
0x96: {  	[bflag:$0x3] =	sbarrier.arrive $0xFFFF  }
0x97: {  	_ =	shalt  }

// kernel: kernel.9.cloned.1.call-start
scs
__scs_entry_jumppad:
0x0: {  	(pc) =	sbr.rel $0x88, $3  }
0x1: {  	(tag) =	ssettag $0x0;
	lr =	simm.s32 $0x1  }
0x2: {  	[smem:$0x3F91] =	sst lr;
	_ =	strace $0xD0000000  }
0x3: {  	_ = 	snop  }
0x4: {  	_ = 	snop  }
0x5: {  	_ = 	snop  }
0x6: {  	_ = 	snop  }
0x7: {  	_ = 	snop  }
__scs_overlays_trampoline_lowered:
0x8: {  	[smem:$0x3FA0] =	sst s0  }
0x9: {  	[smem:$0x3FA1] =	sst s1  }
0xa: {  	[smem:$0x3FA2] =	sst s2  }
0xb: {  	[smem:$0x3FA3] =	sst s3  }
0xc: {  	[smem:$0x3FA4] =	sst s4  }
0xd: {  	[smem:$0x3FA5] =	sst s5  }
0xe: {  	[smem:$0x3FA6] =	sst s6  }
0xf: {  	[smem:$0x3FA7] =	sst s7  }
0x10: {  	[smem:$0x3FA8] =	sst s8  }
0x11: {  	[smem:$0x3FA9] =	sst s9;
	s0 =	simm.s32 @!p0 $0x0  }
0x12: {  	s1 =	sld [smem:$0x3F8F];
	s0 =	simm.s32 @p0 $0x1  }
0x13: {  	[smem:$0x3FAA] =	sst s0;
	s0 =	simm.s32 @!p1 $0x0  }
0x14: {  	s2 =	sld [smem:$0x3F8E];
	s0 =	simm.s32 @p1 $0x1  }
0x15: {  	[smem:$0x3FAB] =	sst s0;
	s0 =	simm.s32 @!p2 $0x0  }
0x16: {  	s3 =	sld [smem:$0x3FDB];
	s0 =	simm.s32 @p2 $0x1  }
0x17: {  	s4 =	simm.s32 $0x1BF5;
	[smem:$0x3FAD] =	sst s0  }
0x18: {  	s0 =	sld [smem:$0x3F90];
	_ =	swait.ge [sflag:s4], $0x0  }
0x19: {  	s7 =	sld [smem:$0x3F91]  }
0x1a: {  	s8 =	sadd.s32 $0xFFFFE003, lr  }
0x1b: {  	s9 =	sadd.s32 $0xFFFFFEF7, lr;
	s5 =	simm.s32 $0xFFFFFFFF;
	p2 =	slt.u32 s8, $0xFFFFF086  }
0x1c: {  	p1 =	slt.u32 s9, $0xF7A;
	s5 =	simm.s32 @!p2 $0x0  }
0x1d: {  	s5 =	simm.s32 @p1 $0x1;
	p0 =	seq.s32 s7, s2  }
0x1e: {  	s7 =	smul.u32 @!p0 $0xF7A, s2;
	p2 =	seq.s32 @!p0 s5, $0x0  }
0x1f: {  	s9 =	smul.u32 $0xF7A, s1;
	s8 =	simm.s32 @!p0 $0x1BF5;
	p2 =	por !p2, p0  }
0x20: {  	[sflag:s8] =	ssyncset.s32 @!p0 $0xFFFFF086;
	s6 =	sadd.s32 @!p0 s3, s7;
	s7 =	simm.s32 @!p0 $0x108  }
0x21: {  	s3 =	sadd.s32 s3, s9;
	s6 =	sadd.s32 @!p0 $0x88, s6;
	s7 =	simm.s32 @p2 $0x1082  }
0x22: {  	[simem:s7], [sflag:s8] =	dma.local @!p0 [hbm:s6], $0xF7A  }
0x23: {  	s9 =	sor.u32 $0xD0000000, s2;
	s6 =	simm.s32 $0x108;
	_ =	swait.ge @!p0 [sflag:s8], $0x0  }
0x24: {  	s3 =	sadd.s32 $0x88, s3;
	s6 =	simm.s32 @!p1 $0x1082;
	[sflag:s4] =	ssyncset.s32 $0xFFFFF086  }
0x25: {  	[simem:s6], [sflag:s4] =	dma.local [hbm:s3], $0xF7A  }
0x26: {  	[smem:$0x3F91] =	sst s1;
	(tag) =	ssettag s2;
	_ =	strace s9  }
0x27: {  	s1 =	sld [smem:$0x3FA1]  }
0x28: {  	s2 =	sld [smem:$0x3FA2]  }
0x29: {  	s4 =	sld [smem:$0x3FA4]  }
0x2a: {  	p0 =	seq.s32 s5, $0x0;
	s5 =	sld [smem:$0x3FA5]  }
0x2b: {  	s6 =	sld [smem:$0x3FA6]  }
0x2c: {  	s7 =	sld [smem:$0x3FA7]  }
0x2d: {  	s3 =	simm.s32 $0x108;
	s8 =	sld [smem:$0x3FA8]  }
0x2e: {  	s3 =	simm.s32 @!p0 $0x1082;
	s9 =	sld [smem:$0x3FA9]  }
0x2f: {  	lr =	sadd.s32 s0, s3;
	s0 =	sld [smem:$0x3FA0]  }
0x30: {  	s3 =	sld [smem:$0x3FA3]  }
0x31: {  	[smem:$0x3FAC] =	sst s10  }
0x32: {  	s10 =	sld [smem:$0x3FAA];
	_ =	sdelay $0x3  }
0x33: {  	p0 =	seq.s32 s10, $0x1;
	s10 =	sld [smem:$0x3FAC];
	_ =	sdelay $0x3  }
0x34: {  	[smem:$0x3FAC] =	sst s10  }
0x35: {  	s10 =	sld [smem:$0x3FAB];
	_ =	sdelay $0x3  }
0x36: {  	p1 =	seq.s32 s10, $0x1;
	s10 =	sld [smem:$0x3FAC];
	_ =	sdelay $0x3  }
0x37: {  	[smem:$0x3FAC] =	sst s10  }
0x38: {  	s10 =	sld [smem:$0x3FAD]  }
0x39: {  	_ = 	snop;
	(pc) =	sbr.ind lr, $3  }
0x3a: {  	_ = 	snop  }
0x3b: {  	_ = 	snop  }
0x3c: {  	p2 =	seq.s32 s10, $0x1;
	s10 =	sld [smem:$0x3FAC]  }
0x3d: {  	_ =	shalt  }
0x3e: {  	_ =	shalt  }
0x3f: {  	_ =	shalt  }
0x40: {  	_ =	shalt  }
0x41: {  	_ =	shalt  }
0x42: {  	_ =	shalt  }
0x43: {  	_ =	shalt  }
0x44: {  	_ =	shalt  }
0x45: {  	_ =	shalt  }
0x46: {  	_ =	shalt  }
0x47: {  	_ =	shalt  }
0x48: {  	_ =	shalt  }
0x49: {  	_ =	shalt  }
0x4a: {  	_ =	shalt  }
0x4b: {  	_ =	shalt  }
0x4c: {  	_ =	shalt  }
0x4d: {  	_ =	shalt  }
0x4e: {  	_ =	shalt  }
0x4f: {  	_ =	shalt  }
0x50: {  	_ =	shalt  }
0x51: {  	_ =	shalt  }
0x52: {  	_ =	shalt  }
0x53: {  	_ =	shalt  }
0x54: {  	_ =	shalt  }
0x55: {  	_ =	shalt  }
0x56: {  	_ =	shalt  }
0x57: {  	_ =	shalt  }
0x58: {  	_ =	shalt  }
0x59: {  	_ =	shalt  }
0x5a: {  	_ =	shalt  }
0x5b: {  	_ =	shalt  }
0x5c: {  	_ =	shalt  }
0x5d: {  	_ =	shalt  }
0x5e: {  	_ =	shalt  }
0x5f: {  	_ =	shalt  }
0x60: {  	_ =	shalt  }
0x61: {  	_ =	shalt  }
0x62: {  	_ =	shalt  }
0x63: {  	_ =	shalt  }
0x64: {  	_ =	shalt  }
0x65: {  	_ =	shalt  }
0x66: {  	_ =	shalt  }
0x67: {  	_ =	shalt  }
0x68: {  	_ =	shalt  }
0x69: {  	_ =	shalt  }
0x6a: {  	_ =	shalt  }
0x6b: {  	_ =	shalt  }
0x6c: {  	_ =	shalt  }
0x6d: {  	_ =	shalt  }
0x6e: {  	_ =	shalt  }
0x6f: {  	_ =	shalt  }
0x70: {  	_ =	shalt  }
0x71: {  	_ =	shalt  }
0x72: {  	_ =	shalt  }
0x73: {  	_ =	shalt  }
0x74: {  	_ =	shalt  }
0x75: {  	_ =	shalt  }
0x76: {  	_ =	shalt  }
0x77: {  	_ =	shalt  }
0x78: {  	_ =	shalt  }
0x79: {  	_ =	shalt  }
0x7a: {  	_ =	shalt  }
0x7b: {  	_ =	shalt  }
0x7c: {  	_ =	shalt  }
0x7d: {  	_ =	shalt  }
0x7e: {  	_ =	shalt  }
0x7f: {  	_ =	shalt  }
0x80: {  	_ =	shalt  }
0x81: {  	_ =	shalt  }
0x82: {  	_ =	shalt  }
0x83: {  	_ =	shalt  }
0x84: {  	_ =	shalt  }
0x85: {  	_ =	shalt  }
0x86: {  	_ =	shalt  }
0x87: {  	_ =	shalt  }
.Lfunc_end0:
.L_simem_size_0:
called_computation_lowered:
.L_overlay_start_0:
0x88: {  	s2 =	sld [smem:$0x3FD9]  }
0x89: {  	s3 =	sld [smem:$0x3FFE];
	_ =	sdelay $0x1  }
0x8a: {  	s1 =	srdreg.scid  }
0x8b: {  	s0 =	sand.u32 $0x1, s1  }
0x8c: {  	s16 =	sshll.u32 s0, $0xA;
	s2 =	sadd.s32 s3, s2  }
0x8d: {  	s2 =	sadd.s32 s2, s16  }
0x8e: {  	[smem:$0x3FB8] =	sst s2  }
0x8f: {  	_ = 	snop  }
0x90: {  	(tm) =	ssettm $0x1  }
0x91: {  	s17 =	sld [smem:$0x3FFB];
	_ =	sdelay $0x3  }
0x92: {  	_ =	strace s17  }
0x93: {  	s2 =	sld [smem:$0x3FFC];
	_ =	sdelay $0x3  }
0x94: {  	_ =	strace s2  }
0x95: {  	s2 =	sld [smem:$0x3FFD];
	_ =	sdelay $0x3  }
0x96: {  	_ =	strace s2  }
0x97: {  	_ =	strace $0x8FFFFFFF  }
0x98: {  	s18 =	sld [smem:$0x3FDB];
	_ =	sdelay $0x1  }
0x99: {  	s19 =	simm.s32 $_scs_section_size  }
0x9a: {  	s4 =	simm.s32 $_size__tile_overlayer_lowered;
	s5 =	simm.s32 $_tile_overlayer_lowered  }
0x9b: {  	s22 =	simm.s32 $0x1BFF;
	s21 =	sshll.u32 s5, $0x1;
	s2 =	sadd.s32 s19, s18  }
0x9c: {  	s6 =	simm.s32 $0x0;
	s20 =	sshll.u32 s4, $0x1;
	s4 =	sadd.s32 s21, s2  }
0x9d: {  	[timem:s6], [sflag:s22] =	dma.local [hbm:s4], s20  }
0x9e: {  	_ =	swait.ge [sflag:s22], s20  }
0x9f: {  	s3 =	ssub.s32 $0x0, s20;
	[sflag:s22] =	ssyncset.done $0x0  }
0xa0: {  	[sflag:s22] =	ssyncadd.s32 s3;
	_ =	sdelay $0x1  }
0xa1: {  	s23 =	simm.s32 $0x1B8B  }
0xa2: {  	_ =	swait.ge [sflag:s23], $0x1  }
0xa3: {  	[sflag:s23] =	ssyncset.done $0x0  }
0xa4: {  	s25 =	simm.s32 $0x1B8E;
	s24 =	sld [smem:$0x3FFE];
	[sflag:s23] =	ssyncadd.s32 $0xFFFFFFFF  }
0xa5: {  	s26 =	simm.s32 $execute0_lowered;
	[smem:$0x3FD2] =	sst s25  }
0xa6: {  	s4 =	sshll.u32 s26, $0x1;
	_ =	strace $0x80000046;
	[dreg:$0x1] =	wrdreg $0xFFFFFFFF  }
0xa7: {  	s28 =	simm.s32 $_size_execute0_lowered;
	s2 =	sadd.s32 s2, s4;
	[dreg:$0x0] =	wrdreg $0x0  }
0xa8: {  	s4 =	sshll.u32 s28, $0x1;
	[dreg:$0x2] =	wrdreg s2  }
0xa9: {  	[dreg:$0x3] =	wrdreg s4  }
0xaa: {  	[dreg:$0x4] =	wrdreg $0xC0  }
0xab: {  	_ =	task [dreg:s6], $0x5FFFF  }
0xac: {  	[dreg:$0x1] =	wrdreg $0xFFFFFFFF  }
0xad: {  	[dreg:$0x0] =	wrdreg $0x60  }
0xae: {  	[dreg:$0x2] =	wrdreg s24  }
0xaf: {  	[dreg:$0x3] =	wrdreg $0x41000  }
0xb0: {  	[dreg:$0x4] =	wrdreg $0x9  }
0xb1: {  	_ =	task.clear_ibuf [dreg:s6], $0x5FFFF;
	_ =	strace $0x90000046  }
0xb2: {  	s29 =	simm.s32 $0x9;
	_ =	strace $0x80000048  }
0xb3: {  	_ =	swait.ge [sflag:s29], $0x1  }
0xb4: {  	[sflag:s29] =	ssyncadd.s32 $0xFFFFFFFF  }
0xb5: {  	_ =	strace $0x90000048  }
0xb6: {  	_ =	sfence  }
0xb7: {  	s30 =	sld [smem:$0x0];
	_ =	sdelay $0x2  }
0xb8: {  	s31 =	sshll.u32 s1, $0xD;
	s1 =	sshrl.u32 s1, $0x2  }
0xb9: {  	s3 =	sand.u32 $0x4000, s31;
	s1 =	sadd.s32 s1, s30  }
0xba: {  	s0 =	sor.u32 s3, s0;
	s1 =	sshll.u32 s1, $0x11  }
0xbb: {  	s0 =	sor.u32 s1, s0  }
0xbc: {  	s0 =	sadd.s32 $0x8F2B, s0  }
0xbd: {  	[sflag:s0] =	ssyncadd.remote.s32 $0x1  }
0xbe: {  	_ =	sfence.sel $0xFFFF  }
0xbf: {  	[dreg:$0x0] =	wrdreg $0xFFFFFFFF;
	(pc) =	sbr.abs _section_cstart, $3  }
0xc0: {  	[dreg:$0x1] =	wrdreg $0xFFFFFFFF  }
0xc1: {  	_ =	task.clear_ibuf [dreg:s6], $0x2FFFF;
	_ =	strace $0x9FFFFFFF  }
0xc2: {  	(tm) =	ssettm $0x7FFFFFFF  }
0xc3: {  	_ =	shalt  }
tec
execute0_lowered:
.L_overlay_start_1:
0x0: {  	(tag) =	ssettag $0x1  }
0x1: {  	s14 =	rddreg [dreg:$0x0]  }
0x2: {  	s2 =	rddreg [dreg:$0x1]  }
0x3: {  	s0 =	rddreg [dreg:$0x2]  }
0x4: {  	s3 =	simm.s32 $0x0;
	s1 =	stileid.u32;
	s4 =	srdreg.scid  }
0x5: {  	s28 =	simm.s32 $0x0;
	[smem:$0x7FF] =	sst s3;
	s5 =	smul.u32 $0x9E0, s1  }
0x6: {  	s15 =	sand.u32 $0x1, s4;
	s22 =	sshrl.u32 s1, $0x2;
	s9 =	smul.u32 $0x280, s1  }
0x7: {  	s6 =	sshll.u32 s1, $0x8;
	s4 =	sadd.s32 $0x18400, s14;
	s24 =	smul.u32 $0x50000, s1  }
0x8: {  	s21 =	smul.u32 $0x2800, s1;
	s7 =	sshll.u32 s15, $0x7;
	_ =	strace $0x80000047  }
0x9: {  	s8 =	smul.u32 $0x14000, s22;
	s25 =	ssub.s32 $0x2, s15;
	p0 =	seq.s32 s15, $0x0  }
0xa: {  	s6 =	sor.u32 s7, s6;
	s19 =	sadd.s32 s5, s14;
	s5 =	sadd.s32 $0x40400, s14  }
0xb: {  	s13 =	sadd.s32 $0x80, s9;
	s10 =	sshrl.u32 s25, $0x1;
	s17 =	sadd.s32 $0x100, s9  }
0xc: {  	s18 =	sadd.s32 $0x180, s9;
	s20 =	sadd.s32 $0x200, s9;
	s6 =	sand.u32 $0x380, s6  }
0xd: {  	s11 =	sshll.u32 s13, $0x7;
	s16 =	ssub.s32 s25, s10;
	s26 =	sshll.u32 s17, $0x7  }
0xe: {  	s29 =	sshll.u32 s18, $0x7;
	s30 =	sshll.u32 s20, $0x7;
	s22 =	sshll.u32 s13, $0x4  }
0xf: {  	s17 =	sshll.u32 s17, $0x4;
	s18 =	sshll.u32 s18, $0x4;
	s20 =	sshll.u32 s20, $0x4  }
0x10: {  	s25 =	simm.s32 $0x1;
	s23 =	sor.u32 s8, s6;
	s6 =	sadd.s32 $0x40C00, s14  }
0x11: {  	s8 =	sshrl.u32 s24, $0x2;
	s9 =	sadd.s32 s26, s2;
	s10 =	sadd.s32 s29, s2  }
0x12: {  	s13 =	smax.u32 s16, $0x1;
	s24 =	smul.u32 $0x4F0, s15;
	s7 =	sshrl.u32 s23, $0x3  }
0x13: {  	s26 =	simm.s32 $0x400;
	s23 =	simm.s32 $0x41200;
	s12 =	sadd.s32 s7, s14  }
0x14: {  	s7 =	sadd.s32 s8, s2;
	s8 =	sadd.s32 s11, s2;
	s11 =	sadd.s32 s30, s2  }
0x15: {  	s23 =	simm.s32 @!p0 $0x69200;
	s31 =	sadd.s32 s24, s19;
	s24 =	simm.s32 $0x80  }
0x16: {  	s12 =	sadd.s32 $0x91200, s12;
	s23 =	sadd.s32 s23, s14;
	s19 =	sadd.s32 $0xE600, s31  }
0x17: {  	s14 =	sadd.s32 s23, s21;
	s15 =	sadd.s32 s23, s22;
	s16 =	sadd.s32 s23, s17  }
0x18: {  	s17 =	sadd.s32 s23, s18;
	s18 =	sadd.s32 s23, s20;
	s20 =	sadd.s32 $0x4800, s31  }
0x19: {  	v0 =	vimm.f32 $1.000000000e+00;
	s21 =	simm.s32 $0x100;
	s22 =	simm.s32 $0x2;
	s23 =	simm.s32 $0x18100  }
.LBB2_1:
0x1a: {  	[tilespmem:s21], [sflag:$0x2] =	stream.linear.gather [hbm4b:s5+s3], $0x4000, $0x38;
	[tilespmem:$0x1A900] =	vst v63  }
0x1b: {  	_ =	swait.ge [sflag:s22], $0x4000  }
0x1c: {  	[sflag:s22] =	ssyncset.done $0x0  }
0x1d: {  	[sflag:s22] =	ssyncadd.s32 $0xFFFFC000  }
0x1e: {  	[spmem:s7] =	stream.linear.scatter [tilespmem:s21], [sflag:$0x2], $0x4000, $0x38;
	[tilespmem:$0x1A900] =	vst v63  }
0x1f: {  	_ =	swait.ge [sflag:s22], $0x4000  }
0x20: {  	[sflag:s22] =	ssyncset.done $0x0  }
0x21: {  	[sflag:s22] =	ssyncadd.s32 $0xFFFFC000  }
0x22: {  	[spmem:s8] =	stream.linear.scatter [tilespmem:s21], [sflag:$0x2], $0x4000, $0x38;
	[tilespmem:$0x1A900] =	vst v63  }
0x23: {  	_ =	swait.ge [sflag:s22], $0x4000  }
0x24: {  	[sflag:s22] =	ssyncset.done $0x0  }
0x25: {  	[sflag:s22] =	ssyncadd.s32 $0xFFFFC000  }
0x26: {  	[spmem:s9] =	stream.linear.scatter [tilespmem:s21], [sflag:$0x2], $0x4000, $0x38;
	[tilespmem:$0x1A900] =	vst v63  }
0x27: {  	_ =	swait.ge [sflag:s22], $0x4000  }
0x28: {  	[sflag:s22] =	ssyncset.done $0x0  }
0x29: {  	[sflag:s22] =	ssyncadd.s32 $0xFFFFC000  }
0x2a: {  	[spmem:s10] =	stream.linear.scatter [tilespmem:s21], [sflag:$0x2], $0x4000, $0x38;
	[tilespmem:$0x1A900] =	vst v63  }
0x2b: {  	_ =	swait.ge [sflag:s22], $0x4000  }
0x2c: {  	[sflag:s22] =	ssyncset.done $0x0  }
0x2d: {  	[sflag:s22] =	ssyncadd.s32 $0xFFFFC000  }
0x2e: {  	[spmem:s11] =	stream.linear.scatter [tilespmem:s21], [sflag:$0x2], $0x4000, $0x38;
	[tilespmem:$0x1A900] =	vst v63  }
0x2f: {  	_ =	swait.ge [sflag:s22], $0x4000  }
0x30: {  	[sflag:s22] =	ssyncset.done $0x0  }
0x31: {  	[sflag:s22] =	ssyncadd.s32 $0xFFFFC000  }
0x32: {  	[tilespmem:s23], [sflag:$0x2] =	stream.linear.gather [hbm4b:s6+s3], $0x2800, $0x38;
	[tilespmem:$0x1A900] =	vst v63  }
0x33: {  	_ =	swait.ge [sflag:s22], $0x2800  }
0x34: {  	[sflag:s22] =	ssyncset.done $0x0  }
0x35: {  	[sflag:s22] =	ssyncadd.s32 $0xFFFFD800  }
0x36: {  	s29 =	simm.s32 $0x0;
	[bflag:$0x0] =	sbarrier.arrive $0xFFFF  }
.LBB2_2:
0x37: {  	s30 =	sadd.s32 s29, s20  }
0x38: {  	[tilespmem:s3], [sflag:$0x2] =	stream.linear.gather [hbm4b:s30+s3], $0x80, $0x38;
	[tilespmem:$0x1A900] =	vst v63  }
0x39: {  	_ =	swait.ge [sflag:s22], $0x80  }
0x3a: {  	[sflag:s22] =	ssyncset.done $0x0  }
0x3b: {  	s31 =	sadd.s32 s29, s19;
	[sflag:s22] =	ssyncadd.s32 $0xFFFFFF80  }
0x3c: {  	[tilespmem:s24], [sflag:$0x2] =	stream.linear.gather [hbm4b:s31+s3], $0x80, $0x38;
	[tilespmem:$0x1A900] =	vst v63  }
0x3d: {  	_ =	swait.ge [sflag:s22], $0x80  }
0x3e: {  	[sflag:s22] =	ssyncset.done $0x0  }
0x3f: {  	[sflag:s22] =	ssyncadd.s32 $0xFFFFFF80  }
0x40: {  	[tilespmem:s21], [sflag:$0x1] =	stream.indirect.gather [hbm4b:s4+s24], $0x80, s3, s24, $0xb8;
	[tilespmem:$0x1A900] =	vst v63  }
0x41: {  	_ =	swait.ge [sflag:s25], $0x4000  }
0x42: {  	[sflag:s25] =	ssyncset.done $0x0  }
0x43: {  	[sflag:s25] =	ssyncadd.s32 $0xFFFFC000  }
0x44: {  	[spmem:s2] =	stream.indirect.scatter.add.f32 [tilespmem:s21], [sflag:$0x2], $0x80, s24, s24, $0xb8;
	[tilespmem:$0x1A900] =	vst v63  }
0x45: {  	_ =	swait.ge [sflag:s22], $0x4000  }
0x46: {  	[sflag:s22] =	ssyncset.done $0x0  }
0x47: {  	[sflag:s22] =	ssyncadd.s32 $0xFFFFC000  }
0x48: {  	v1 =	vld [tilespmem:$0x80];
	_ =	sdelay $0x7  }
0x49: {  	[tilespmem:v1+s23+$0x0] =	vst.idx.add.f32.msk $0xffff, v0  }
0x4a: {  	v1 =	vld [tilespmem:$0x90];
	_ =	sdelay $0x7  }
0x4b: {  	[tilespmem:v1+s23+$0x0] =	vst.idx.add.f32.msk $0xffff, v0  }
0x4c: {  	v1 =	vld [tilespmem:$0xA0];
	_ =	sdelay $0x7  }
0x4d: {  	[tilespmem:v1+s23+$0x0] =	vst.idx.add.f32.msk $0xffff, v0  }
0x4e: {  	v1 =	vld [tilespmem:$0xB0];
	_ =	sdelay $0x7  }
0x4f: {  	[tilespmem:v1+s23+$0x0] =	vst.idx.add.f32.msk $0xffff, v0  }
0x50: {  	v1 =	vld [tilespmem:$0xC0];
	_ =	sdelay $0x7  }
0x51: {  	[tilespmem:v1+s23+$0x0] =	vst.idx.add.f32.msk $0xffff, v0  }
0x52: {  	v1 =	vld [tilespmem:$0xD0];
	_ =	sdelay $0x7  }
0x53: {  	[tilespmem:v1+s23+$0x0] =	vst.idx.add.f32.msk $0xffff, v0  }
0x54: {  	v1 =	vld [tilespmem:$0xE0];
	_ =	sdelay $0x7  }
0x55: {  	[tilespmem:v1+s23+$0x0] =	vst.idx.add.f32.msk $0xffff, v0  }
0x56: {  	v1 =	vld [tilespmem:$0xF0];
	_ =	sdelay $0x2  }
0x57: {  	p0 =	sne.s32 s29, $0x4E0  }
.Ltmp0:
0x58: {  	_ = 	snop;
	(pc) =	sbr.rel @p0 .LBB2_2-.Ltmp0, $2  }
0x59: {  	_ =	sdelay $0x2  }
0x5a: {  	s29 =	sadd.s32 $0x10, s29;
	[tilespmem:v1+s23+$0x0] =	vst.idx.add.f32.msk $0xffff, v0  }
0x5b: {  	[bflag:$0x0] =	sbarrier.arrive $0xFFFF  }
0x5c: {  	[hbm4b:s12+s24] =	stream.strided.scatter [tilespmem:s23], [sflag:$0x2], $0x2800, s26, s24, $0x38;
	[tilespmem:$0x1A900] =	vst v63  }
0x5d: {  	_ =	swait.ge [sflag:s22], $0x2800  }
0x5e: {  	[sflag:s22] =	ssyncset.done $0x0  }
0x5f: {  	[sflag:s22] =	ssyncadd.s32 $0xFFFFD800  }
0x60: {  	[tilespmem:s21], [sflag:$0x2] =	stream.linear.gather [spmem:s7], $0x4000, $0x38;
	[tilespmem:$0x1A900] =	vst v63  }
0x61: {  	_ =	swait.ge [sflag:s22], $0x4000  }
0x62: {  	[sflag:s22] =	ssyncset.done $0x0  }
0x63: {  	[sflag:s22] =	ssyncadd.s32 $0xFFFFC000  }
0x64: {  	[hbm4b:s14+s3] =	stream.linear.scatter [tilespmem:s21], [sflag:$0x2], $0x4000, $0x38;
	[tilespmem:$0x1A900] =	vst v63  }
0x65: {  	_ =	swait.ge [sflag:s22], $0x4000  }
0x66: {  	[sflag:s22] =	ssyncset.done $0x0  }
0x67: {  	[sflag:s22] =	ssyncadd.s32 $0xFFFFC000  }
0x68: {  	[tilespmem:s21], [sflag:$0x2] =	stream.linear.gather [spmem:s8], $0x4000, $0x38;
	[tilespmem:$0x1A900] =	vst v63  }
0x69: {  	_ =	swait.ge [sflag:s22], $0x4000  }
0x6a: {  	[sflag:s22] =	ssyncset.done $0x0  }
0x6b: {  	[sflag:s22] =	ssyncadd.s32 $0xFFFFC000  }
0x6c: {  	[hbm4b:s15+s3] =	stream.linear.scatter [tilespmem:s21], [sflag:$0x2], $0x4000, $0x38;
	[tilespmem:$0x1A900] =	vst v63  }
0x6d: {  	_ =	swait.ge [sflag:s22], $0x4000  }
0x6e: {  	[sflag:s22] =	ssyncset.done $0x0  }
0x6f: {  	[sflag:s22] =	ssyncadd.s32 $0xFFFFC000  }
0x70: {  	[tilespmem:s21], [sflag:$0x2] =	stream.linear.gather [spmem:s9], $0x4000, $0x38;
	[tilespmem:$0x1A900] =	vst v63  }
0x71: {  	_ =	swait.ge [sflag:s22], $0x4000  }
0x72: {  	[sflag:s22] =	ssyncset.done $0x0  }
0x73: {  	[sflag:s22] =	ssyncadd.s32 $0xFFFFC000  }
0x74: {  	[hbm4b:s16+s3] =	stream.linear.scatter [tilespmem:s21], [sflag:$0x2], $0x4000, $0x38;
	[tilespmem:$0x1A900] =	vst v63  }
0x75: {  	_ =	swait.ge [sflag:s22], $0x4000  }
0x76: {  	[sflag:s22] =	ssyncset.done $0x0  }
0x77: {  	[sflag:s22] =	ssyncadd.s32 $0xFFFFC000  }
0x78: {  	[tilespmem:s21], [sflag:$0x2] =	stream.linear.gather [spmem:s10], $0x4000, $0x38;
	[tilespmem:$0x1A900] =	vst v63  }
0x79: {  	_ =	swait.ge [sflag:s22], $0x4000  }
0x7a: {  	[sflag:s22] =	ssyncset.done $0x0  }
0x7b: {  	[sflag:s22] =	ssyncadd.s32 $0xFFFFC000  }
0x7c: {  	[hbm4b:s17+s3] =	stream.linear.scatter [tilespmem:s21], [sflag:$0x2], $0x4000, $0x38;
	[tilespmem:$0x1A900] =	vst v63  }
0x7d: {  	_ =	swait.ge [sflag:s22], $0x4000  }
0x7e: {  	[sflag:s22] =	ssyncset.done $0x0  }
0x7f: {  	[sflag:s22] =	ssyncadd.s32 $0xFFFFC000  }
0x80: {  	[tilespmem:s21], [sflag:$0x2] =	stream.linear.gather [spmem:s11], $0x4000, $0x38;
	[tilespmem:$0x1A900] =	vst v63  }
0x81: {  	s28 =	sadd.s32 $0x1, s28;
	_ =	swait.ge [sflag:s22], $0x4000  }
0x82: {  	p0 =	sne.s32 s28, s13;
	[sflag:s22] =	ssyncset.done $0x0  }
.Ltmp1:
0x83: {  	[sflag:s22] =	ssyncadd.s32 $0xFFFFC000;
	(pc) =	sbr.rel @p0 .LBB2_1-.Ltmp1, $4  }
0x84: {  	[hbm4b:s18+s3] =	stream.linear.scatter [tilespmem:s21], [sflag:$0x2], $0x4000, $0x38;
	[tilespmem:$0x1A900] =	vst v63  }
0x85: {  	_ =	swait.ge [sflag:s22], $0x4000  }
0x86: {  	[sflag:s22] =	ssyncset.done $0x0  }
0x87: {  	[sflag:s22] =	ssyncadd.s32 $0xFFFFC000  }
0x88: {  	_ =	sfence.sel $0x180000  }
0x89: {  	[bflag:$0x0] =	sbarrier.arrive $0xFFFF  }
0x8a: {  	p0 =	sne.s32 s1, $0x0;
	_ =	strace $0x90000047  }
0x8b: {  	s0 =	sadd.s32 @!p0 $0x100000, s0;
	[bflag:$0x2] =	sbarrier.arrive $0xFFFF  }
0x8c: {  	[sflag:s0] =	ssyncadd.tile.s32 @!p0 $0x1;
	_ =	shalt  }
.Lfunc_end2:
_tile_overlayer_lowered:
.L_overlay_start_2:
0x8d: {  	(tag) =	ssettag $0x2  }
0x8e: {  	s0 =	rddreg [dreg:$0x0];
	s2 =	stileid.u32  }
0x8f: {  	s1 =	rddreg [dreg:$0x1];
	p0 =	sne.s32 s2, $0x0  }
0x90: {  	s3 =	rddreg [dreg:$0x2];
	[bflag:$0x3] =	sbarrier.arrive $0xFFFF;
	s2 =	simm.s32 @!p0 $0x1C02  }
0x91: {  	[timem:s3], [sflag:s2] =	dma.local @!p0 [hbm:s0], s1  }
0x92: {  	s0 =	simm.s32 @!p0 $0x2  }
0x93: {  	_ =	swait.ge @!p0 [sflag:s0], s1  }
0x94: {  	s1 =	ssub.s32 @!p0 $0x0, s1;
	[sflag:s0] =	ssyncset.done @!p0 $0x0  }
0x95: {  	[sflag:s0] =	ssyncadd.s32 @!p0 s1  }
0x96: {  	[bflag:$0x3] =	sbarrier.arrive $0xFFFF  }
0x97: {  	_ =	shalt  }

</sc_bundles>
